<compile_context>
chip_gen: v7x
topology: tpu7x:2x2x1
jax: 0.10.2.dev20260603
libtpu: 0.0.44.dev20260713+nightly
codegen_flags: <defaults>
</compile_context>

<pallas_src>
import functools

import jax
import jax.numpy as jnp
from jax import lax
from jax.experimental import pallas as pl
from jax.experimental.pallas import tpu as pltpu
from jax.experimental.pallas import tpu_sc as plsc

NC = 2
NS = 16
NW = NC * NS
LB = 128
CH = 16
NBUF = 4
WH = 16


def _sc_mesh():
    return plsc.VectorSubcoreMesh(core_axis_name="c", subcore_axis_name="s")


def _make_deg_kernel(n_pad, b_t):
    rows_per_tile = n_pad // NS

    @functools.partial(
        pl.kernel,
        mesh=_sc_mesh(),
        compiler_params=pltpu.CompilerParams(use_tc_tiling_on_sc=False),
        out_type=jax.ShapeDtypeStruct((NC * n_pad,), jnp.float32),
        scratch_types=[
            pltpu.VMEM((b_t, LB), jnp.int32),
            pltpu.VMEM((LB,), jnp.float32),
            pltpu.VMEM((rows_per_tile,), jnp.float32),
            pltpu.VMEM_SHARED((n_pad,), jnp.float32),
        ],
    )
    def deg_kernel(dst_hbm, deg_hbm, dst_v, ones_v, zero_v, deg_sh):
        c = lax.axis_index("c")
        s = lax.axis_index("s")
        wid = c * NS + s

        def fill_ones(i, _):
            ones_v[pl.ds(i * 16, 16)] = jnp.ones((16,), jnp.float32)
            return 0
        lax.fori_loop(0, LB // 16, fill_ones, 0)

        def fill_zero(i, _):
            zero_v[pl.ds(i * 16, 16)] = jnp.zeros((16,), jnp.float32)
            return 0
        lax.fori_loop(0, rows_per_tile // 16, fill_zero, 0)

        pltpu.sync_copy(zero_v, deg_sh.at[pl.ds(s * rows_per_tile, rows_per_tile)])
        plsc.subcore_barrier()

        pltpu.sync_copy(dst_hbm.at[wid], dst_v)

        def body(b, _):
            pltpu.sync_copy(ones_v, deg_sh.at[dst_v.at[b]], add=True)
            return 0
        lax.fori_loop(0, b_t, body, 0)

        plsc.subcore_barrier()
        pltpu.sync_copy(
            deg_sh.at[pl.ds(s * rows_per_tile, rows_per_tile)],
            deg_hbm.at[pl.ds(c * n_pad + s * rows_per_tile, rows_per_tile)])

    return deg_kernel


def _make_edge_kernel(n_rows, n_pad, b_t):
    rows_per_tile = n_pad // NS

    @functools.partial(
        pl.kernel,
        mesh=_sc_mesh(),
        compiler_params=pltpu.CompilerParams(use_tc_tiling_on_sc=False),
        out_type=jax.ShapeDtypeStruct((NC, n_pad, WH), jnp.float32),
        scratch_types=[
            pltpu.VMEM((CH, LB), jnp.int32),
            pltpu.VMEM((CH, LB), jnp.int32),
            pltpu.VMEM((NBUF, LB, WH), jnp.float32),
            pltpu.VMEM((LB, WH), jnp.float32),
            pltpu.VMEM_SHARED((n_pad, WH), jnp.float32),
            [pltpu.SemaphoreType.DMA] * NBUF,
            [pltpu.SemaphoreType.DMA] * NBUF,
        ],
    )
    def edge_kernel(s_hbm, src_hbm, dst_hbm, acc_hbm,
                    src_v, dst_v, rows_v, zero_v, acc_sh, gsems, ssems):
        c = lax.axis_index("c")
        s = lax.axis_index("s")
        s_half = s_hbm.at[pl.ds(c * n_rows, n_rows)]

        def fill_zero(i, _):
            zero_v[i, pl.ds(0, 16)] = jnp.zeros((16,), jnp.float32)
            return 0
        lax.fori_loop(0, LB, fill_zero, 0)

        def zero_acc(i, _):
            pltpu.sync_copy(zero_v, acc_sh.at[pl.ds(s * rows_per_tile + i * LB, LB)])
            return 0
        lax.fori_loop(0, rows_per_tile // LB, zero_acc, 0)
        plsc.subcore_barrier()

        def wait_scat(k):
            pltpu.make_async_copy(
                rows_v.at[k], acc_sh.at[dst_v.at[0]], ssems[k]).wait()

        def wait_gath(k, b):
            pltpu.make_async_copy(
                s_half.at[src_v.at[b]], rows_v.at[k], gsems[k]).wait()

        def chunk_body(ci, _):
            @pl.when(ci > 0)
            def _():
                for k in range(NBUF):
                    wait_scat(k)
            pltpu.sync_copy(src_hbm.at[s, pl.ds(ci * CH, CH)], src_v)
            pltpu.sync_copy(dst_hbm.at[s, pl.ds(ci * CH, CH)], dst_v)
            for k in range(NBUF):
                pltpu.async_copy(
                    s_half.at[src_v.at[k]], rows_v.at[k], gsems[k])

            def group_body(j, _):
                for k in range(NBUF):
                    b = j * NBUF + k
                    wait_gath(k, b)
                    pltpu.async_copy(
                        rows_v.at[k], acc_sh.at[dst_v.at[b]], ssems[k],
                        add=True)

                @pl.when(j < CH // NBUF - 1)
                def _():
                    for k in range(NBUF):
                        wait_scat(k)
                        pltpu.async_copy(
                            s_half.at[src_v.at[(j + 1) * NBUF + k]],
                            rows_v.at[k], gsems[k])
                return 0
            lax.fori_loop(0, CH // NBUF, group_body, 0)
            return 0
        lax.fori_loop(0, b_t // CH, chunk_body, 0)
        for k in range(NBUF):
            wait_scat(k)

        plsc.subcore_barrier()
        pltpu.sync_copy(
            acc_sh.at[pl.ds(s * rows_per_tile, rows_per_tile)],
            acc_hbm.at[c, pl.ds(s * rows_per_tile, rows_per_tile)])

    return edge_kernel


def _prep_body(degT_ref, x24_ref, s_ref, dis_ref, *, nb):
    half = pl.program_id(0) // nb
    deg = degT_ref[:, 0:1] + degT_ref[:, 1:2] + 1.0
    dis = 1.0 / jnp.sqrt(deg)
    dis_ref[:] = dis
    cb = x24_ref.shape[0]
    lo = x24_ref[:, 0:WH]
    hi = jnp.concatenate(
        [x24_ref[:, WH:24], jnp.zeros((cb, 2 * WH - 24), jnp.float32)], axis=1)
    s_ref[:] = jnp.where(half == 0, lo, hi) * dis


def _gate_body(a0_ref, a1_ref, s0_ref, s1_ref, dis_ref, wmat_ref, wout_ref,
               bout_ref, out_ref):
    dis = dis_ref[:]
    agg = jnp.concatenate(
        [(a0_ref[:] + s0_ref[:]) * dis, (a1_ref[:] + s1_ref[:]) * dis], axis=1)
    cb = agg.shape[0]
    hacc = jnp.zeros((cb, 32), jnp.float32)
    for t in range(12):
        c0 = agg[:, t:t + 1]
        c1 = agg[:, 12 + t:13 + t]
        zpre = c0 * wmat_ref[0:1, :] + c1 * wmat_ref[1:2, :] + wmat_ref[2:3, :]
        hpre = c0 * wmat_ref[3:4, :] + c1 * wmat_ref[4:5, :] + wmat_ref[5:6, :]
        z = jax.nn.sigmoid(zpre)
        h = jnp.tanh(hpre)
        hacc = hacc + wmat_ref[6:7, t:t + 1] * (1.0 - z) * h
    out_ref[:] = jnp.dot(jnp.maximum(hacc, 0.0), wout_ref[:],
                         preferred_element_type=jnp.float32) + bout_ref[0:1, :]


def kernel(x, edge_index, edge_weight, W_z, b_z, Wl_z, bl_z, W_r, b_r, Wl_r,
           bl_r, W_h, b_h, Wl_h, bl_h, att, W_out, b_out):
    n, f_in, periods = x.shape
    e = edge_index.shape[1]
    hid = W_z.shape[1]

    n_pad = ((n + 16 + NS * LB - 1) // (NS * LB)) * (NS * LB)
    b_t = ((e + NW * LB - 1) // (NW * LB) + 7) // 8 * 8
    e_pad = NW * b_t * LB
    b_t2 = e_pad // (NS * LB)

    src = edge_index[0]
    dst = edge_index[1]
    fill = jnp.arange(e_pad - e, dtype=jnp.int32) % 16
    src_p = jnp.concatenate([src, fill])
    dst_p = jnp.concatenate([dst, n + fill])

    deg1d = _make_deg_kernel(n_pad, b_t)(dst_p.reshape(NW, b_t, LB))
    degT = deg1d.reshape(NC, n_pad).T

    cb = 2000
    nb = n // cb
    x24 = x.reshape(n, f_in * periods)
    S, dis = pl.pallas_call(
        functools.partial(_prep_body, nb=nb),
        grid=(2 * nb,),
        in_specs=[
            pl.BlockSpec((cb, 2), lambda i: (i % nb, 0)),
            pl.BlockSpec((cb, f_in * periods), lambda i: (i % nb, 0)),
        ],
        out_specs=[
            pl.BlockSpec((cb, WH), lambda i: (i, 0)),
            pl.BlockSpec((cb, 1), lambda i: (i % nb, 0)),
        ],
        out_shape=[
            jax.ShapeDtypeStruct((2 * n, WH), jnp.float32),
            jax.ShapeDtypeStruct((n, 1), jnp.float32),
        ],
    )(degT, x24)

    accn = _make_edge_kernel(n, n_pad, b_t2)(
        S, src_p.reshape(NS, b_t2, LB), dst_p.reshape(NS, b_t2, LB))

    wlz = Wl_z[:hid]
    wlh = Wl_h[:hid]
    wz_eff = W_z @ wlz
    bz_eff = b_z @ wlz + bl_z
    wh_eff = W_h @ wlh
    bh_eff = b_h @ wlh + bl_h
    probs = jax.nn.softmax(att)
    wmat = jnp.stack([
        wz_eff[0], wz_eff[1], bz_eff,
        wh_eff[0], wh_eff[1], bh_eff,
        jnp.pad(probs, (0, hid - periods)),
        jnp.zeros((hid,), jnp.float32),
    ])

    out = pl.pallas_call(
        _gate_body,
        grid=(nb,),
        in_specs=[
            pl.BlockSpec((cb, WH), lambda i: (i, 0)),
            pl.BlockSpec((cb, WH), lambda i: (i, 0)),
            pl.BlockSpec((cb, WH), lambda i: (i, 0)),
            pl.BlockSpec((cb, WH), lambda i: (i + nb, 0)),
            pl.BlockSpec((cb, 1), lambda i: (i, 0)),
            pl.BlockSpec((8, hid), lambda i: (0, 0)),
            pl.BlockSpec((hid, periods), lambda i: (0, 0)),
            pl.BlockSpec((1, periods), lambda i: (0, 0)),
        ],
        out_specs=pl.BlockSpec((cb, periods), lambda i: (i, 0)),
        out_shape=jax.ShapeDtypeStruct((n, periods), jnp.float32),
    )(accn[0], accn[1], S, S, dis, wmat, W_out, b_out.reshape(1, periods))

    return out

# --- scband reference (transcript-rebuilt; emitter-appended) ---
"""Pipeline reference for scband-model-31988916420722 (READ-ONLY COPY).

The authoritative reference and input builder live on the scoring server;
editing this copy changes nothing except your own understanding.
"""

import jax, jax.numpy as jnp
import numpy as np

N = 50000
E = 800000
F_IN = 2
PERIODS = 12
HID = 32


def setup_inputs(seed: int = 0) -> dict:
    key = jax.random.key(seed)
    ks = jax.random.split(key, 16)

    def p(k, shape):
        return jax.random.normal(k, shape, dtype=jnp.float32) * 0.1

    x = jax.random.normal(ks[0], (N, F_IN, PERIODS), dtype=jnp.float32)
    edge_index = jax.random.randint(ks[1], (2, E), 0, N, dtype=jnp.int32)
    edge_weight = jax.random.uniform(ks[2], (E,), dtype=jnp.float32)
    inp = {
        "x": x,
        "edge_index": edge_index,
        "edge_weight": edge_weight,
        # TGCN gate z: GCNConv(F_IN->HID) + Linear(2*HID->HID)
        "W_z": p(ks[3], (F_IN, HID)), "b_z": jnp.zeros((HID,), jnp.float32),
        "Wl_z": p(ks[4], (2 * HID, HID)), "bl_z": jnp.zeros((HID,), jnp.float32),
        # gate r
        "W_r": p(ks[5], (F_IN, HID)), "b_r": jnp.zeros((HID,), jnp.float32),
        "Wl_r": p(ks[6], (2 * HID, HID)), "bl_r": jnp.zeros((HID,), jnp.float32),
        # candidate h
        "W_h": p(ks[7], (F_IN, HID)), "b_h": jnp.zeros((HID,), jnp.float32),
        "Wl_h": p(ks[8], (2 * HID, HID)), "bl_h": jnp.zeros((HID,), jnp.float32),
        # A3TGCN temporal attention over periods
        "att": p(ks[9], (PERIODS,)),
        # final Linear(HID -> PERIODS)
        "W_out": p(ks[10], (HID, PERIODS)), "b_out": jnp.zeros((PERIODS,), jnp.float32),
    }
    return inp


def reference(x, edge_index, edge_weight,
              W_z, b_z, Wl_z, bl_z,
              W_r, b_r, Wl_r, bl_r,
              W_h, b_h, Wl_h, bl_h,
              att, W_out, b_out):
    # NOTE: the original Model calls self.layer1(X, edge_index) WITHOUT edge_weight,
    # so GCN normalization uses unit edge weights; edge_weight is an unused input.
    src = edge_index[0]
    dst = edge_index[1]
    ones = jnp.ones((E,), jnp.float32)
    # gcn_norm with add_self_loops=True (self-loop weight 1), aggregation at dst (col)
    deg = jnp.zeros((N,), jnp.float32).at[dst].add(ones) + 1.0
    dis = 1.0 / jnp.sqrt(deg)
    norm = dis[src] * dis[dst]
    self_norm = dis * dis

    def gconv(xt, W, b):
        h = xt @ W
        out = jnp.zeros((N, HID), jnp.float32).at[dst].add(h[src] * norm[:, None])
        out = out + h * self_norm[:, None]
        return out + b

    def tgcn_step(xt):
        # A3TGCN passes H=None into every period -> TGCN initializes H to zeros each time
        H = jnp.zeros((N, HID), jnp.float32)
        Z = jax.nn.sigmoid(jnp.concatenate([gconv(xt, W_z, b_z), H], axis=1) @ Wl_z + bl_z)
        R = jax.nn.sigmoid(jnp.concatenate([gconv(xt, W_r, b_r), H], axis=1) @ Wl_r + bl_r)
        H_tilde = jnp.tanh(jnp.concatenate([gconv(xt, W_h, b_h), H * R], axis=1) @ Wl_h + bl_h)
        return Z * H + (1.0 - Z) * H_tilde

    probs = jax.nn.softmax(att, axis=0)
    H_accum = jnp.zeros((N, HID), jnp.float32)
    for t in range(PERIODS):
        H_accum = H_accum + probs[t] * tgcn_step(x[:, :, t])

    out1 = jax.nn.relu(H_accum)
    return out1 @ W_out + b_out

if __name__ == "__main__":
    import jax
    _d = setup_inputs()
    print(jax.jit(kernel)(*tuple(_d.values())))

</pallas_src>

<mosaic_0001>
#map = affine_map<(d0, d1) -> (0, 0)>
#map1 = affine_map<(d0, d1) -> (0, 0, 0)>
module attributes {stable_mosaic.version = 14 : i64} {
  func.func @edge_kernel(%arg0: i32, %arg1: i32, %arg2: memref<100000x16xf32, #tpu.memory_space<hbm>>, %arg3: memref<16x400x128xi32, #tpu.memory_space<hbm>>, %arg4: memref<16x400x128xi32, #tpu.memory_space<hbm>>, %arg5: memref<2x51200x16xf32, #tpu.memory_space<hbm>>, %arg6: memref<16x128xi32, #tpu.memory_space<vmem>>, %arg7: memref<16x128xi32, #tpu.memory_space<vmem>>, %arg8: memref<4x128x16xf32, #tpu.memory_space<vmem>>, %arg9: memref<128x16xf32, #tpu.memory_space<vmem>>, %arg10: memref<51200x16xf32, #tpu.memory_space<vmem_shared>>, %arg11: memref<!tpu.dma_semaphore, #tpu.memory_space<semaphore_mem>>, %arg12: memref<!tpu.dma_semaphore, #tpu.memory_space<semaphore_mem>>, %arg13: memref<!tpu.dma_semaphore, #tpu.memory_space<semaphore_mem>>, %arg14: memref<!tpu.dma_semaphore, #tpu.memory_space<semaphore_mem>>, %arg15: memref<!tpu.dma_semaphore, #tpu.memory_space<semaphore_mem>>, %arg16: memref<!tpu.dma_semaphore, #tpu.memory_space<semaphore_mem>>, %arg17: memref<!tpu.dma_semaphore, #tpu.memory_space<semaphore_mem>>, %arg18: memref<!tpu.dma_semaphore, #tpu.memory_space<semaphore_mem>>) attributes {dimension_semantics = [#tpu.dimension_semantics<core_parallel>, #tpu.dimension_semantics<subcore_parallel>], iteration_bounds = array<i64: 2, 16>, scalar_prefetch = 0 : i64, scratch_operands = 13 : i64, tpu.core_type = #tpu.core_type<sc_vector_subcore>, window_params = [{transform_indices = #map}, {transform_indices = #map1}, {transform_indices = #map1}, {transform_indices = #map1}]} {
    %mul3A = arith.constant 50000 : i32
    %mul3A_0 = arith.muli %arg0, %mul3A : i32
    %scan3A = arith.constant 0 : i32
    %scan3A_1 = arith.constant 0 : i32
    %scan3A_2 = arith.constant 128 : i32
    %scan3A_3 = arith.addi %scan3A_1, %scan3A_2 : i32
    %scan3A_4 = arith.constant 1 : i32
    %scan3A_5 = scf.for %scan3A_73 = %scan3A_1 to %scan3A_3 step %scan3A_4 iter_args(%scan3A_74 = %scan3A) -> (i32)  : i32 {
      %broadcast_in_dim3A = arith.constant 0.000000e+00 : f32
      %broadcast_in_dim3A_75 = vector.broadcast %broadcast_in_dim3A : f32 to vector<16xf32>
      %swap3A = arith.index_cast %scan3A_73 : i32 to index
      %swap3A_76 = arith.constant 0 : index
      %swap3A_77 = tpu.vector_load %arg9[%swap3A, %swap3A_76] {strides = array<i32>} : memref<128x16xf32, #tpu.memory_space<vmem>>, vector<1x16xf32>,
      %swap3A_78 = vector.shape_cast %swap3A_77 : vector<1x16xf32> to vector<16xf32>
      %swap3A_79 = vector.shape_cast %broadcast_in_dim3A_75 : vector<16xf32> to vector<1x16xf32>
      tpu.vector_store %arg9[%swap3A, %swap3A_76], %swap3A_79 {strides = array<i32>} : memref<128x16xf32, #tpu.memory_space<vmem>>, vector<1x16xf32>,
      %scan3A_80 = arith.constant 0 : i32
      scf.yield %scan3A_80 : i32
    }
    %scan3A_6 = arith.constant 128 : i32
    %scan3A_7 = arith.constant 0 : i32
    %scan3A_8 = arith.constant 0 : i32
    %scan3A_9 = arith.constant 25 : i32
    %scan3A_10 = arith.addi %scan3A_8, %scan3A_9 : i32
    %scan3A_11 = arith.constant 1 : i32
    %scan3A_12 = scf.for %scan3A_73 = %scan3A_8 to %scan3A_10 step %scan3A_11 iter_args(%scan3A_74 = %scan3A_7) -> (i32)  : i32 {
      %mul3A_75 = arith.constant 3200 : i32
      %mul3A_76 = arith.muli %arg1, %mul3A_75 : i32
      %mul3A_77 = arith.constant 128 : i32
      %mul3A_78 = arith.muli %scan3A_73, %mul3A_77 : i32
      %add3A = arith.addi %mul3A_76, %mul3A_78 : i32
      "tpu.region"() ({
        %run_scoped3A = tpu.sem_alloc : memref<!tpu.dma_semaphore, #tpu.memory_space<semaphore_mem>>
        %dma_start3A = arith.constant 0 : i32
        %dma_start3A_80 = tpu.memref_slice %arg10[%add3A, %dma_start3A] : memref<51200x16xf32, #tpu.memory_space<vmem_shared>> -> memref<128x16xf32, #tpu.memory_space<vmem_shared>>
        %dma_start3A_81 = arith.constant 0 : i32
        %dma_start3A_82 = tpu.memref_slice %arg10[%add3A, %dma_start3A_81] : memref<51200x16xf32, #tpu.memory_space<vmem_shared>> -> memref<128x16xf32, #tpu.memory_space<vmem_shared>>
        tpu.enqueue_dma source(%arg9 : memref<128x16xf32, #tpu.memory_space<vmem>>) target(%dma_start3A_82 : memref<128x16xf32, #tpu.memory_space<vmem_shared>>) target_semaphore(%run_scoped3A : memref<!tpu.dma_semaphore, #tpu.memory_space<semaphore_mem>>)
        %dma_wait3A_83 = arith.constant 0 : i32
        %dma_wait3A_84 = tpu.memref_slice %arg10[%add3A, %dma_wait3A_83] : memref<51200x16xf32, #tpu.memory_space<vmem_shared>> -> memref<128x16xf32, #tpu.memory_space<vmem_shared>>
        %dma_wait3A_85 = arith.constant 0 : i32
        %dma_wait3A_86 = tpu.memref_slice %arg10[%add3A, %dma_wait3A_85] : memref<51200x16xf32, #tpu.memory_space<vmem_shared>> -> memref<128x16xf32, #tpu.memory_space<vmem_shared>>
        tpu.wait_dma2 semaphore(%run_scoped3A : memref<!tpu.dma_semaphore, #tpu.memory_space<semaphore_mem>>) src(%arg9 : memref<128x16xf32, #tpu.memory_space<vmem>>) dst(%dma_wait3A_86 : memref<128x16xf32, #tpu.memory_space<vmem_shared>>)
        tpu.yield
      }) : () -> ()
      %scan3A_79 = arith.constant 0 : i32
      scf.yield %scan3A_79 : i32
    }
    %scan3A_13 = arith.constant 25 : i32
    %barrier3A = arith.constant 0 : index
    tpu.barrier barrier_id(%barrier3A)
    %scan3A_14 = arith.constant 0 : i32
    %scan3A_15 = arith.constant 0 : i32
    %scan3A_16 = arith.constant 25 : i32
    %scan3A_17 = arith.addi %scan3A_15, %scan3A_16 : i32
    %scan3A_18 = arith.constant 1 : i32
    %scan3A_19 = scf.for %scan3A_73 = %scan3A_15 to %scan3A_17 step %scan3A_18 iter_args(%scan3A_74 = %scan3A_14) -> (i32)  : i32 {
      %gt3A = arith.constant 0 : i32
      %gt3A_75 = arith.cmpi sgt, %scan3A_73, %gt3A : i32
      %convert_element_type3A = arith.extui %gt3A_75 : i1 to i32
      %cond3A = arith.constant 0 : i32
      %cond3A_76 = arith.cmpi ne, %convert_element_type3A, %cond3A : i32
      scf.if %cond3A_76 {
        %dma_wait3A_144 = arith.constant 0 : i32
        %dma_wait3A_145 = arith.constant 0 : i32
        %dma_wait3A_146 = arith.constant 0 : i32
        %dma_wait3A_147 = arith.constant 0 : i32
        %dma_wait3A_148 = tpu.memref_slice %arg8[%dma_wait3A_144, %dma_wait3A_146, %dma_wait3A_147] : memref<4x128x16xf32, #tpu.memory_space<vmem>> -> memref<1x128x16xf32, #tpu.memory_space<vmem>>
        %dma_wait3A_149 = tpu.memref_squeeze %dma_wait3A_148 : memref<1x128x16xf32, #tpu.memory_space<vmem>> -> memref<128x16xf32, #tpu.memory_space<vmem>>
        %dma_wait3A_150 = arith.constant 0 : i32
        %dma_wait3A_151 = tpu.memref_slice %arg7[%dma_wait3A_145, %dma_wait3A_150] : memref<16x128xi32, #tpu.memory_space<vmem>> -> memref<1x128xi32, #tpu.memory_space<vmem>>
        %dma_wait3A_152 = tpu.memref_squeeze %dma_wait3A_151 : memref<1x128xi32, #tpu.memory_space<vmem>> -> memref<128xi32, #tpu.memory_space<vmem>>
        %dma_wait3A_153 = arith.constant 0 : i32
        %dma_wait3A_154 = arith.constant 0 : i32
        %dma_wait3A_155 = tpu.memref_slice %arg10[%dma_wait3A_153, %dma_wait3A_154] : memref<51200x16xf32, #tpu.memory_space<vmem_shared>> -> memref<51200x16xf32, #tpu.memory_space<vmem_shared>>
        tpu.wait_indirect_dma semaphore(%arg15 : memref<!tpu.dma_semaphore, #tpu.memory_space<semaphore_mem>>) src(%dma_wait3A_149 : memref<128x16xf32, #tpu.memory_space<vmem>>) dst(%dma_wait3A_155 : memref<51200x16xf32, #tpu.memory_space<vmem_shared>>)
        %dma_wait3A_156 = arith.constant 1 : i32
        %dma_wait3A_157 = arith.constant 0 : i32
        %dma_wait3A_158 = arith.constant 0 : i32
        %dma_wait3A_159 = arith.constant 0 : i32
        %dma_wait3A_160 = tpu.memref_slice %arg8[%dma_wait3A_156, %dma_wait3A_158, %dma_wait3A_159] : memref<4x128x16xf32, #tpu.memory_space<vmem>> -> memref<1x128x16xf32, #tpu.memory_space<vmem>>
        %dma_wait3A_161 = tpu.memref_squeeze %dma_wait3A_160 : memref<1x128x16xf32, #tpu.memory_space<vmem>> -> memref<128x16xf32, #tpu.memory_space<vmem>>
        %dma_wait3A_162 = arith.constant 0 : i32
        %dma_wait3A_163 = tpu.memref_slice %arg7[%dma_wait3A_157, %dma_wait3A_162] : memref<16x128xi32, #tpu.memory_space<vmem>> -> memref<1x128xi32, #tpu.memory_space<vmem>>
        %dma_wait3A_164 = tpu.memref_squeeze %dma_wait3A_163 : memref<1x128xi32, #tpu.memory_space<vmem>> -> memref<128xi32, #tpu.memory_space<vmem>>
        %dma_wait3A_165 = arith.constant 0 : i32
        %dma_wait3A_166 = arith.constant 0 : i32
        %dma_wait3A_167 = tpu.memref_slice %arg10[%dma_wait3A_165, %dma_wait3A_166] : memref<51200x16xf32, #tpu.memory_space<vmem_shared>> -> memref<51200x16xf32, #tpu.memory_space<vmem_shared>>
        tpu.wait_indirect_dma semaphore(%arg16 : memref<!tpu.dma_semaphore, #tpu.memory_space<semaphore_mem>>) src(%dma_wait3A_161 : memref<128x16xf32, #tpu.memory_space<vmem>>) dst(%dma_wait3A_167 : memref<51200x16xf32, #tpu.memory_space<vmem_shared>>)
        %dma_wait3A_168 = arith.constant 2 : i32
        %dma_wait3A_169 = arith.constant 0 : i32
        %dma_wait3A_170 = arith.constant 0 : i32
        %dma_wait3A_171 = arith.constant 0 : i32
        %dma_wait3A_172 = tpu.memref_slice %arg8[%dma_wait3A_168, %dma_wait3A_170, %dma_wait3A_171] : memref<4x128x16xf32, #tpu.memory_space<vmem>> -> memref<1x128x16xf32, #tpu.memory_space<vmem>>
        %dma_wait3A_173 = tpu.memref_squeeze %dma_wait3A_172 : memref<1x128x16xf32, #tpu.memory_space<vmem>> -> memref<128x16xf32, #tpu.memory_space<vmem>>
        %dma_wait3A_174 = arith.constant 0 : i32
        %dma_wait3A_175 = tpu.memref_slice %arg7[%dma_wait3A_169, %dma_wait3A_174] : memref<16x128xi32, #tpu.memory_space<vmem>> -> memref<1x128xi32, #tpu.memory_space<vmem>>
        %dma_wait3A_176 = tpu.memref_squeeze %dma_wait3A_175 : memref<1x128xi32, #tpu.memory_space<vmem>> -> memref<128xi32, #tpu.memory_space<vmem>>
        %dma_wait3A_177 = arith.constant 0 : i32
        %dma_wait3A_178 = arith.constant 0 : i32
        %dma_wait3A_179 = tpu.memref_slice %arg10[%dma_wait3A_177, %dma_wait3A_178] : memref<51200x16xf32, #tpu.memory_space<vmem_shared>> -> memref<51200x16xf32, #tpu.memory_space<vmem_shared>>
        tpu.wait_indirect_dma semaphore(%arg17 : memref<!tpu.dma_semaphore, #tpu.memory_space<semaphore_mem>>) src(%dma_wait3A_173 : memref<128x16xf32, #tpu.memory_space<vmem>>) dst(%dma_wait3A_179 : memref<51200x16xf32, #tpu.memory_space<vmem_shared>>)
        %dma_wait3A_180 = arith.constant 3 : i32
        %dma_wait3A_181 = arith.constant 0 : i32
        %dma_wait3A_182 = arith.constant 0 : i32
        %dma_wait3A_183 = arith.constant 0 : i32
        %dma_wait3A_184 = tpu.memref_slice %arg8[%dma_wait3A_180, %dma_wait3A_182, %dma_wait3A_183] : memref<4x128x16xf32, #tpu.memory_space<vmem>> -> memref<1x128x16xf32, #tpu.memory_space<vmem>>
        %dma_wait3A_185 = tpu.memref_squeeze %dma_wait3A_184 : memref<1x128x16xf32, #tpu.memory_space<vmem>> -> memref<128x16xf32, #tpu.memory_space<vmem>>
        %dma_wait3A_186 = arith.constant 0 : i32
        %dma_wait3A_187 = tpu.memref_slice %arg7[%dma_wait3A_181, %dma_wait3A_186] : memref<16x128xi32, #tpu.memory_space<vmem>> -> memref<1x128xi32, #tpu.memory_space<vmem>>
        %dma_wait3A_188 = tpu.memref_squeeze %dma_wait3A_187 : memref<1x128xi32, #tpu.memory_space<vmem>> -> memref<128xi32, #tpu.memory_space<vmem>>
        %dma_wait3A_189 = arith.constant 0 : i32
        %dma_wait3A_190 = arith.constant 0 : i32
        %dma_wait3A_191 = tpu.memref_slice %arg10[%dma_wait3A_189, %dma_wait3A_190] : memref<51200x16xf32, #tpu.memory_space<vmem_shared>> -> memref<51200x16xf32, #tpu.memory_space<vmem_shared>>
        tpu.wait_indirect_dma semaphore(%arg18 : memref<!tpu.dma_semaphore, #tpu.memory_space<semaphore_mem>>) src(%dma_wait3A_185 : memref<128x16xf32, #tpu.memory_space<vmem>>) dst(%dma_wait3A_191 : memref<51200x16xf32, #tpu.memory_space<vmem_shared>>)
      } else {
      }
      %mul3A_77 = arith.constant 16 : i32
      %mul3A_78 = arith.muli %scan3A_73, %mul3A_77 : i32
      "tpu.region"() ({
        %run_scoped3A = tpu.sem_alloc : memref<!tpu.dma_semaphore, #tpu.memory_space<semaphore_mem>>
        %dma_start3A_144 = arith.constant 0 : i32
        %dma_start3A_145 = tpu.memref_slice %arg3[%arg1, %mul3A_78, %dma_start3A_144] : memref<16x400x128xi32, #tpu.memory_space<hbm>> -> memref<1x16x128xi32, #tpu.memory_space<hbm>>
        %dma_start3A_146 = tpu.memref_squeeze %dma_start3A_145 : memref<1x16x128xi32, #tpu.memory_space<hbm>> -> memref<16x128xi32, #tpu.memory_space<hbm>>
        %dma_start3A_147 = arith.constant 0 : i32
        %dma_start3A_148 = tpu.memref_slice %arg3[%arg1, %mul3A_78, %dma_start3A_147] : memref<16x400x128xi32, #tpu.memory_space<hbm>> -> memref<1x16x128xi32, #tpu.memory_space<hbm>>
        %dma_start3A_149 = tpu.memref_squeeze %dma_start3A_148 : memref<1x16x128xi32, #tpu.memory_space<hbm>> -> memref<16x128xi32, #tpu.memory_space<hbm>>
        tpu.enqueue_dma source(%dma_start3A_149 : memref<16x128xi32, #tpu.memory_space<hbm>>) target(%arg6 : memref<16x128xi32, #tpu.memory_space<vmem>>) target_semaphore(%run_scoped3A : memref<!tpu.dma_semaphore, #tpu.memory_space<semaphore_mem>>)
        %dma_wait3A_150 = arith.constant 0 : i32
        %dma_wait3A_151 = tpu.memref_slice %arg3[%arg1, %mul3A_78, %dma_wait3A_150] : memref<16x400x128xi32, #tpu.memory_space<hbm>> -> memref<1x16x128xi32, #tpu.memory_space<hbm>>
        %dma_wait3A_152 = tpu.memref_squeeze %dma_wait3A_151 : memref<1x16x128xi32, #tpu.memory_space<hbm>> -> memref<16x128xi32, #tpu.memory_space<hbm>>
        %dma_wait3A_153 = arith.constant 0 : i32
        %dma_wait3A_154 = tpu.memref_slice %arg3[%arg1, %mul3A_78, %dma_wait3A_153] : memref<16x400x128xi32, #tpu.memory_space<hbm>> -> memref<1x16x128xi32, #tpu.memory_space<hbm>>
        %dma_wait3A_155 = tpu.memref_squeeze %dma_wait3A_154 : memref<1x16x128xi32, #tpu.memory_space<hbm>> -> memref<16x128xi32, #tpu.memory_space<hbm>>
        tpu.wait_dma2 semaphore(%run_scoped3A : memref<!tpu.dma_semaphore, #tpu.memory_space<semaphore_mem>>) src(%dma_wait3A_155 : memref<16x128xi32, #tpu.memory_space<hbm>>) dst(%arg6 : memref<16x128xi32, #tpu.memory_space<vmem>>)
        tpu.yield
      }) : () -> ()
      %mul3A_79 = arith.constant 16 : i32
      %mul3A_80 = arith.muli %scan3A_73, %mul3A_79 : i32
      "tpu.region"() ({
        %run_scoped3A = tpu.sem_alloc : memref<!tpu.dma_semaphore, #tpu.memory_space<semaphore_mem>>
        %dma_start3A_144 = arith.constant 0 : i32
        %dma_start3A_145 = tpu.memref_slice %arg4[%arg1, %mul3A_80, %dma_start3A_144] : memref<16x400x128xi32, #tpu.memory_space<hbm>> -> memref<1x16x128xi32, #tpu.memory_space<hbm>>
        %dma_start3A_146 = tpu.memref_squeeze %dma_start3A_145 : memref<1x16x128xi32, #tpu.memory_space<hbm>> -> memref<16x128xi32, #tpu.memory_space<hbm>>
        %dma_start3A_147 = arith.constant 0 : i32
        %dma_start3A_148 = tpu.memref_slice %arg4[%arg1, %mul3A_80, %dma_start3A_147] : memref<16x400x128xi32, #tpu.memory_space<hbm>> -> memref<1x16x128xi32, #tpu.memory_space<hbm>>
        %dma_start3A_149 = tpu.memref_squeeze %dma_start3A_148 : memref<1x16x128xi32, #tpu.memory_space<hbm>> -> memref<16x128xi32, #tpu.memory_space<hbm>>
        tpu.enqueue_dma source(%dma_start3A_149 : memref<16x128xi32, #tpu.memory_space<hbm>>) target(%arg7 : memref<16x128xi32, #tpu.memory_space<vmem>>) target_semaphore(%run_scoped3A : memref<!tpu.dma_semaphore, #tpu.memory_space<semaphore_mem>>)
        %dma_wait3A_150 = arith.constant 0 : i32
        %dma_wait3A_151 = tpu.memref_slice %arg4[%arg1, %mul3A_80, %dma_wait3A_150] : memref<16x400x128xi32, #tpu.memory_space<hbm>> -> memref<1x16x128xi32, #tpu.memory_space<hbm>>
        %dma_wait3A_152 = tpu.memref_squeeze %dma_wait3A_151 : memref<1x16x128xi32, #tpu.memory_space<hbm>> -> memref<16x128xi32, #tpu.memory_space<hbm>>
        %dma_wait3A_153 = arith.constant 0 : i32
        %dma_wait3A_154 = tpu.memref_slice %arg4[%arg1, %mul3A_80, %dma_wait3A_153] : memref<16x400x128xi32, #tpu.memory_space<hbm>> -> memref<1x16x128xi32, #tpu.memory_space<hbm>>
        %dma_wait3A_155 = tpu.memref_squeeze %dma_wait3A_154 : memref<1x16x128xi32, #tpu.memory_space<hbm>> -> memref<16x128xi32, #tpu.memory_space<hbm>>
        tpu.wait_dma2 semaphore(%run_scoped3A : memref<!tpu.dma_semaphore, #tpu.memory_space<semaphore_mem>>) src(%dma_wait3A_155 : memref<16x128xi32, #tpu.memory_space<hbm>>) dst(%arg7 : memref<16x128xi32, #tpu.memory_space<vmem>>)
        tpu.yield
      }) : () -> ()
      %dma_start3A = arith.constant 0 : i32
      %dma_start3A_81 = arith.constant 0 : i32
      %dma_start3A_82 = arith.constant 0 : i32
      %dma_start3A_83 = arith.constant 0 : i32
      %dma_start3A_84 = tpu.memref_slice %arg8[%dma_start3A_81, %dma_start3A_82, %dma_start3A_83] : memref<4x128x16xf32, #tpu.memory_space<vmem>> -> memref<1x128x16xf32, #tpu.memory_space<vmem>>
      %dma_start3A_85 = tpu.memref_squeeze %dma_start3A_84 : memref<1x128x16xf32, #tpu.memory_space<vmem>> -> memref<128x16xf32, #tpu.memory_space<vmem>>
      %dma_start3A_86 = arith.constant 0 : i32
      %dma_start3A_87 = tpu.memref_slice %arg6[%dma_start3A, %dma_start3A_86] : memref<16x128xi32, #tpu.memory_space<vmem>> -> memref<1x128xi32, #tpu.memory_space<vmem>>
      %dma_start3A_88 = tpu.memref_squeeze %dma_start3A_87 : memref<1x128xi32, #tpu.memory_space<vmem>> -> memref<128xi32, #tpu.memory_space<vmem>>
      %dma_start3A_89 = arith.constant 0 : i32
      %dma_start3A_90 = tpu.memref_slice %arg2[%mul3A_0, %dma_start3A_89] : memref<100000x16xf32, #tpu.memory_space<hbm>> -> memref<50000x16xf32, #tpu.memory_space<hbm>>
      %dma_start3A_91 = arith.constant 0 : i32
      %dma_start3A_92 = arith.constant 0 : i32
      %dma_start3A_93 = tpu.memref_slice %dma_start3A_90[%dma_start3A_91, %dma_start3A_92] : memref<50000x16xf32, #tpu.memory_space<hbm>> -> memref<50000x16xf32, #tpu.memory_space<hbm>>
      tpu.enqueue_indirect_dma source(%dma_start3A_93 : memref<50000x16xf32, #tpu.memory_space<hbm>>) target(%dma_start3A_85 : memref<128x16xf32, #tpu.memory_space<vmem>>) offsets(%dma_start3A_88 : memref<128xi32, #tpu.memory_space<vmem>>) semaphore(%arg11 : memref<!tpu.dma_semaphore, #tpu.memory_space<semaphore_mem>>)
      %dma_start3A_94 = arith.constant 1 : i32
      %dma_start3A_95 = arith.constant 1 : i32
      %dma_start3A_96 = arith.constant 0 : i32
      %dma_start3A_97 = arith.constant 0 : i32
      %dma_start3A_98 = tpu.memref_slice %arg8[%dma_start3A_95, %dma_start3A_96, %dma_start3A_97] : memref<4x128x16xf32, #tpu.memory_space<vmem>> -> memref<1x128x16xf32, #tpu.memory_space<vmem>>
      %dma_start3A_99 = tpu.memref_squeeze %dma_start3A_98 : memref<1x128x16xf32, #tpu.memory_space<vmem>> -> memref<128x16xf32, #tpu.memory_space<vmem>>
      %dma_start3A_100 = arith.constant 0 : i32
      %dma_start3A_101 = tpu.memref_slice %arg6[%dma_start3A_94, %dma_start3A_100] : memref<16x128xi32, #tpu.memory_space<vmem>> -> memref<1x128xi32, #tpu.memory_space<vmem>>
      %dma_start3A_102 = tpu.memref_squeeze %dma_start3A_101 : memref<1x128xi32, #tpu.memory_space<vmem>> -> memref<128xi32, #tpu.memory_space<vmem>>
      %dma_start3A_103 = arith.constant 0 : i32
      %dma_start3A_104 = tpu.memref_slice %arg2[%mul3A_0, %dma_start3A_103] : memref<100000x16xf32, #tpu.memory_space<hbm>> -> memref<50000x16xf32, #tpu.memory_space<hbm>>
      %dma_start3A_105 = arith.constant 0 : i32
      %dma_start3A_106 = arith.constant 0 : i32
      %dma_start3A_107 = tpu.memref_slice %dma_start3A_104[%dma_start3A_105, %dma_start3A_106] : memref<50000x16xf32, #tpu.memory_space<hbm>> -> memref<50000x16xf32, #tpu.memory_space<hbm>>
      tpu.enqueue_indirect_dma source(%dma_start3A_107 : memref<50000x16xf32, #tpu.memory_space<hbm>>) target(%dma_start3A_99 : memref<128x16xf32, #tpu.memory_space<vmem>>) offsets(%dma_start3A_102 : memref<128xi32, #tpu.memory_space<vmem>>) semaphore(%arg12 : memref<!tpu.dma_semaphore, #tpu.memory_space<semaphore_mem>>)
      %dma_start3A_108 = arith.constant 2 : i32
      %dma_start3A_109 = arith.constant 2 : i32
      %dma_start3A_110 = arith.constant 0 : i32
      %dma_start3A_111 = arith.constant 0 : i32
      %dma_start3A_112 = tpu.memref_slice %arg8[%dma_start3A_109, %dma_start3A_110, %dma_start3A_111] : memref<4x128x16xf32, #tpu.memory_space<vmem>> -> memref<1x128x16xf32, #tpu.memory_space<vmem>>
      %dma_start3A_113 = tpu.memref_squeeze %dma_start3A_112 : memref<1x128x16xf32, #tpu.memory_space<vmem>> -> memref<128x16xf32, #tpu.memory_space<vmem>>
      %dma_start3A_114 = arith.constant 0 : i32
      %dma_start3A_115 = tpu.memref_slice %arg6[%dma_start3A_108, %dma_start3A_114] : memref<16x128xi32, #tpu.memory_space<vmem>> -> memref<1x128xi32, #tpu.memory_space<vmem>>
      %dma_start3A_116 = tpu.memref_squeeze %dma_start3A_115 : memref<1x128xi32, #tpu.memory_space<vmem>> -> memref<128xi32, #tpu.memory_space<vmem>>
      %dma_start3A_117 = arith.constant 0 : i32
      %dma_start3A_118 = tpu.memref_slice %arg2[%mul3A_0, %dma_start3A_117] : memref<100000x16xf32, #tpu.memory_space<hbm>> -> memref<50000x16xf32, #tpu.memory_space<hbm>>
      %dma_start3A_119 = arith.constant 0 : i32
      %dma_start3A_120 = arith.constant 0 : i32
      %dma_start3A_121 = tpu.memref_slice %dma_start3A_118[%dma_start3A_119, %dma_start3A_120] : memref<50000x16xf32, #tpu.memory_space<hbm>> -> memref<50000x16xf32, #tpu.memory_space<hbm>>
      tpu.enqueue_indirect_dma source(%dma_start3A_121 : memref<50000x16xf32, #tpu.memory_space<hbm>>) target(%dma_start3A_113 : memref<128x16xf32, #tpu.memory_space<vmem>>) offsets(%dma_start3A_116 : memref<128xi32, #tpu.memory_space<vmem>>) semaphore(%arg13 : memref<!tpu.dma_semaphore, #tpu.memory_space<semaphore_mem>>)
      %dma_start3A_122 = arith.constant 3 : i32
      %dma_start3A_123 = arith.constant 3 : i32
      %dma_start3A_124 = arith.constant 0 : i32
      %dma_start3A_125 = arith.constant 0 : i32
      %dma_start3A_126 = tpu.memref_slice %arg8[%dma_start3A_123, %dma_start3A_124, %dma_start3A_125] : memref<4x128x16xf32, #tpu.memory_space<vmem>> -> memref<1x128x16xf32, #tpu.memory_space<vmem>>
      %dma_start3A_127 = tpu.memref_squeeze %dma_start3A_126 : memref<1x128x16xf32, #tpu.memory_space<vmem>> -> memref<128x16xf32, #tpu.memory_space<vmem>>
      %dma_start3A_128 = arith.constant 0 : i32
      %dma_start3A_129 = tpu.memref_slice %arg6[%dma_start3A_122, %dma_start3A_128] : memref<16x128xi32, #tpu.memory_space<vmem>> -> memref<1x128xi32, #tpu.memory_space<vmem>>
      %dma_start3A_130 = tpu.memref_squeeze %dma_start3A_129 : memref<1x128xi32, #tpu.memory_space<vmem>> -> memref<128xi32, #tpu.memory_space<vmem>>
      %dma_start3A_131 = arith.constant 0 : i32
      %dma_start3A_132 = tpu.memref_slice %arg2[%mul3A_0, %dma_start3A_131] : memref<100000x16xf32, #tpu.memory_space<hbm>> -> memref<50000x16xf32, #tpu.memory_space<hbm>>
      %dma_start3A_133 = arith.constant 0 : i32
      %dma_start3A_134 = arith.constant 0 : i32
      %dma_start3A_135 = tpu.memref_slice %dma_start3A_132[%dma_start3A_133, %dma_start3A_134] : memref<50000x16xf32, #tpu.memory_space<hbm>> -> memref<50000x16xf32, #tpu.memory_space<hbm>>
      tpu.enqueue_indirect_dma source(%dma_start3A_135 : memref<50000x16xf32, #tpu.memory_space<hbm>>) target(%dma_start3A_127 : memref<128x16xf32, #tpu.memory_space<vmem>>) offsets(%dma_start3A_130 : memref<128xi32, #tpu.memory_space<vmem>>) semaphore(%arg14 : memref<!tpu.dma_semaphore, #tpu.memory_space<semaphore_mem>>)
      %scan3A_136 = arith.constant 0 : i32
      %scan3A_137 = arith.constant 0 : i32
      %scan3A_138 = arith.constant 4 : i32
      %scan3A_139 = arith.addi %scan3A_137, %scan3A_138 : i32
      %scan3A_140 = arith.constant 1 : i32
      %scan3A_141 = scf.for %scan3A_144 = %scan3A_137 to %scan3A_139 step %scan3A_140 iter_args(%scan3A_145 = %scan3A_136) -> (i32)  : i32 {
        %mul3A_146 = arith.constant 4 : i32
        %mul3A_147 = arith.muli %scan3A_144, %mul3A_146 : i32
        %add3A = arith.constant 0 : i32
        %add3A_148 = arith.addi %mul3A_147, %add3A : i32
        %dma_wait3A_149 = arith.constant 0 : i32
        %dma_wait3A_150 = arith.constant 0 : i32
        %dma_wait3A_151 = arith.constant 0 : i32
        %dma_wait3A_152 = tpu.memref_slice %arg8[%dma_wait3A_149, %dma_wait3A_150, %dma_wait3A_151] : memref<4x128x16xf32, #tpu.memory_space<vmem>> -> memref<1x128x16xf32, #tpu.memory_space<vmem>>
        %dma_wait3A_153 = tpu.memref_squeeze %dma_wait3A_152 : memref<1x128x16xf32, #tpu.memory_space<vmem>> -> memref<128x16xf32, #tpu.memory_space<vmem>>
        %dma_wait3A_154 = arith.constant 0 : i32
        %dma_wait3A_155 = tpu.memref_slice %arg6[%add3A_148, %dma_wait3A_154] : memref<16x128xi32, #tpu.memory_space<vmem>> -> memref<1x128xi32, #tpu.memory_space<vmem>>
        %dma_wait3A_156 = tpu.memref_squeeze %dma_wait3A_155 : memref<1x128xi32, #tpu.memory_space<vmem>> -> memref<128xi32, #tpu.memory_space<vmem>>
        %dma_wait3A_157 = arith.constant 0 : i32
        %dma_wait3A_158 = tpu.memref_slice %arg2[%mul3A_0, %dma_wait3A_157] : memref<100000x16xf32, #tpu.memory_space<hbm>> -> memref<50000x16xf32, #tpu.memory_space<hbm>>
        %dma_wait3A_159 = arith.constant 0 : i32
        %dma_wait3A_160 = arith.constant 0 : i32
        %dma_wait3A_161 = tpu.memref_slice %dma_wait3A_158[%dma_wait3A_159, %dma_wait3A_160] : memref<50000x16xf32, #tpu.memory_space<hbm>> -> memref<50000x16xf32, #tpu.memory_space<hbm>>
        tpu.wait_indirect_dma semaphore(%arg11 : memref<!tpu.dma_semaphore, #tpu.memory_space<semaphore_mem>>) src(%dma_wait3A_161 : memref<50000x16xf32, #tpu.memory_space<hbm>>) dst(%dma_wait3A_153 : memref<128x16xf32, #tpu.memory_space<vmem>>)
        %dma_start3A_162 = arith.constant 0 : i32
        %dma_start3A_163 = arith.constant 0 : i32
        %dma_start3A_164 = arith.constant 0 : i32
        %dma_start3A_165 = tpu.memref_slice %arg8[%dma_start3A_162, %dma_start3A_163, %dma_start3A_164] : memref<4x128x16xf32, #tpu.memory_space<vmem>> -> memref<1x128x16xf32, #tpu.memory_space<vmem>>
        %dma_start3A_166 = tpu.memref_squeeze %dma_start3A_165 : memref<1x128x16xf32, #tpu.memory_space<vmem>> -> memref<128x16xf32, #tpu.memory_space<vmem>>
        %dma_start3A_167 = arith.constant 0 : i32
        %dma_start3A_168 = tpu.memref_slice %arg7[%add3A_148, %dma_start3A_167] : memref<16x128xi32, #tpu.memory_space<vmem>> -> memref<1x128xi32, #tpu.memory_space<vmem>>
        %dma_start3A_169 = tpu.memref_squeeze %dma_start3A_168 : memref<1x128xi32, #tpu.memory_space<vmem>> -> memref<128xi32, #tpu.memory_space<vmem>>
        %dma_start3A_170 = arith.constant 0 : i32
        %dma_start3A_171 = arith.constant 0 : i32
        %dma_start3A_172 = tpu.memref_slice %arg10[%dma_start3A_170, %dma_start3A_171] : memref<51200x16xf32, #tpu.memory_space<vmem_shared>> -> memref<51200x16xf32, #tpu.memory_space<vmem_shared>>
        tpu.enqueue_indirect_dma source(%dma_start3A_166 : memref<128x16xf32, #tpu.memory_space<vmem>>) target(%dma_start3A_172 : memref<51200x16xf32, #tpu.memory_space<vmem_shared>>) offsets(%dma_start3A_169 : memref<128xi32, #tpu.memory_space<vmem>>) semaphore(%arg15 : memref<!tpu.dma_semaphore, #tpu.memory_space<semaphore_mem>>) {add = true}
        %mul3A_173 = arith.constant 4 : i32
        %mul3A_174 = arith.muli %scan3A_144, %mul3A_173 : i32
        %add3A_175 = arith.constant 1 : i32
        %add3A_176 = arith.addi %mul3A_174, %add3A_175 : i32
        %dma_wait3A_177 = arith.constant 1 : i32
        %dma_wait3A_178 = arith.constant 0 : i32
        %dma_wait3A_179 = arith.constant 0 : i32
        %dma_wait3A_180 = tpu.memref_slice %arg8[%dma_wait3A_177, %dma_wait3A_178, %dma_wait3A_179] : memref<4x128x16xf32, #tpu.memory_space<vmem>> -> memref<1x128x16xf32, #tpu.memory_space<vmem>>
        %dma_wait3A_181 = tpu.memref_squeeze %dma_wait3A_180 : memref<1x128x16xf32, #tpu.memory_space<vmem>> -> memref<128x16xf32, #tpu.memory_space<vmem>>
        %dma_wait3A_182 = arith.constant 0 : i32
        %dma_wait3A_183 = tpu.memref_slice %arg6[%add3A_176, %dma_wait3A_182] : memref<16x128xi32, #tpu.memory_space<vmem>> -> memref<1x128xi32, #tpu.memory_space<vmem>>
        %dma_wait3A_184 = tpu.memref_squeeze %dma_wait3A_183 : memref<1x128xi32, #tpu.memory_space<vmem>> -> memref<128xi32, #tpu.memory_space<vmem>>
        %dma_wait3A_185 = arith.constant 0 : i32
        %dma_wait3A_186 = tpu.memref_slice %arg2[%mul3A_0, %dma_wait3A_185] : memref<100000x16xf32, #tpu.memory_space<hbm>> -> memref<50000x16xf32, #tpu.memory_space<hbm>>
        %dma_wait3A_187 = arith.constant 0 : i32
        %dma_wait3A_188 = arith.constant 0 : i32
        %dma_wait3A_189 = tpu.memref_slice %dma_wait3A_186[%dma_wait3A_187, %dma_wait3A_188] : memref<50000x16xf32, #tpu.memory_space<hbm>> -> memref<50000x16xf32, #tpu.memory_space<hbm>>
        tpu.wait_indirect_dma semaphore(%arg12 : memref<!tpu.dma_semaphore, #tpu.memory_space<semaphore_mem>>) src(%dma_wait3A_189 : memref<50000x16xf32, #tpu.memory_space<hbm>>) dst(%dma_wait3A_181 : memref<128x16xf32, #tpu.memory_space<vmem>>)
        %dma_start3A_190 = arith.constant 1 : i32
        %dma_start3A_191 = arith.constant 0 : i32
        %dma_start3A_192 = arith.constant 0 : i32
        %dma_start3A_193 = tpu.memref_slice %arg8[%dma_start3A_190, %dma_start3A_191, %dma_start3A_192] : memref<4x128x16xf32, #tpu.memory_space<vmem>> -> memref<1x128x16xf32, #tpu.memory_space<vmem>>
        %dma_start3A_194 = tpu.memref_squeeze %dma_start3A_193 : memref<1x128x16xf32, #tpu.memory_space<vmem>> -> memref<128x16xf32, #tpu.memory_space<vmem>>
        %dma_start3A_195 = arith.constant 0 : i32
        %dma_start3A_196 = tpu.memref_slice %arg7[%add3A_176, %dma_start3A_195] : memref<16x128xi32, #tpu.memory_space<vmem>> -> memref<1x128xi32, #tpu.memory_space<vmem>>
        %dma_start3A_197 = tpu.memref_squeeze %dma_start3A_196 : memref<1x128xi32, #tpu.memory_space<vmem>> -> memref<128xi32, #tpu.memory_space<vmem>>
        %dma_start3A_198 = arith.constant 0 : i32
        %dma_start3A_199 = arith.constant 0 : i32
        %dma_start3A_200 = tpu.memref_slice %arg10[%dma_start3A_198, %dma_start3A_199] : memref<51200x16xf32, #tpu.memory_space<vmem_shared>> -> memref<51200x16xf32, #tpu.memory_space<vmem_shared>>
        tpu.enqueue_indirect_dma source(%dma_start3A_194 : memref<128x16xf32, #tpu.memory_space<vmem>>) target(%dma_start3A_200 : memref<51200x16xf32, #tpu.memory_space<vmem_shared>>) offsets(%dma_start3A_197 : memref<128xi32, #tpu.memory_space<vmem>>) semaphore(%arg16 : memref<!tpu.dma_semaphore, #tpu.memory_space<semaphore_mem>>) {add = true}
        %mul3A_201 = arith.constant 4 : i32
        %mul3A_202 = arith.muli %scan3A_144, %mul3A_201 : i32
        %add3A_203 = arith.constant 2 : i32
        %add3A_204 = arith.addi %mul3A_202, %add3A_203 : i32
        %dma_wait3A_205 = arith.constant 2 : i32
        %dma_wait3A_206 = arith.constant 0 : i32
        %dma_wait3A_207 = arith.constant 0 : i32
        %dma_wait3A_208 = tpu.memref_slice %arg8[%dma_wait3A_205, %dma_wait3A_206, %dma_wait3A_207] : memref<4x128x16xf32, #tpu.memory_space<vmem>> -> memref<1x128x16xf32, #tpu.memory_space<vmem>>
        %dma_wait3A_209 = tpu.memref_squeeze %dma_wait3A_208 : memref<1x128x16xf32, #tpu.memory_space<vmem>> -> memref<128x16xf32, #tpu.memory_space<vmem>>
        %dma_wait3A_210 = arith.constant 0 : i32
        %dma_wait3A_211 = tpu.memref_slice %arg6[%add3A_204, %dma_wait3A_210] : memref<16x128xi32, #tpu.memory_space<vmem>> -> memref<1x128xi32, #tpu.memory_space<vmem>>
        %dma_wait3A_212 = tpu.memref_squeeze %dma_wait3A_211 : memref<1x128xi32, #tpu.memory_space<vmem>> -> memref<128xi32, #tpu.memory_space<vmem>>
        %dma_wait3A_213 = arith.constant 0 : i32
        %dma_wait3A_214 = tpu.memref_slice %arg2[%mul3A_0, %dma_wait3A_213] : memref<100000x16xf32, #tpu.memory_space<hbm>> -> memref<50000x16xf32, #tpu.memory_space<hbm>>
        %dma_wait3A_215 = arith.constant 0 : i32
        %dma_wait3A_216 = arith.constant 0 : i32
        %dma_wait3A_217 = tpu.memref_slice %dma_wait3A_214[%dma_wait3A_215, %dma_wait3A_216] : memref<50000x16xf32, #tpu.memory_space<hbm>> -> memref<50000x16xf32, #tpu.memory_space<hbm>>
        tpu.wait_indirect_dma semaphore(%arg13 : memref<!tpu.dma_semaphore, #tpu.memory_space<semaphore_mem>>) src(%dma_wait3A_217 : memref<50000x16xf32, #tpu.memory_space<hbm>>) dst(%dma_wait3A_209 : memref<128x16xf32, #tpu.memory_space<vmem>>)
        %dma_start3A_218 = arith.constant 2 : i32
        %dma_start3A_219 = arith.constant 0 : i32
        %dma_start3A_220 = arith.constant 0 : i32
        %dma_start3A_221 = tpu.memref_slice %arg8[%dma_start3A_218, %dma_start3A_219, %dma_start3A_220] : memref<4x128x16xf32, #tpu.memory_space<vmem>> -> memref<1x128x16xf32, #tpu.memory_space<vmem>>
        %dma_start3A_222 = tpu.memref_squeeze %dma_start3A_221 : memref<1x128x16xf32, #tpu.memory_space<vmem>> -> memref<128x16xf32, #tpu.memory_space<vmem>>
        %dma_start3A_223 = arith.constant 0 : i32
        %dma_start3A_224 = tpu.memref_slice %arg7[%add3A_204, %dma_start3A_223] : memref<16x128xi32, #tpu.memory_space<vmem>> -> memref<1x128xi32, #tpu.memory_space<vmem>>
        %dma_start3A_225 = tpu.memref_squeeze %dma_start3A_224 : memref<1x128xi32, #tpu.memory_space<vmem>> -> memref<128xi32, #tpu.memory_space<vmem>>
        %dma_start3A_226 = arith.constant 0 : i32
        %dma_start3A_227 = arith.constant 0 : i32
        %dma_start3A_228 = tpu.memref_slice %arg10[%dma_start3A_226, %dma_start3A_227] : memref<51200x16xf32, #tpu.memory_space<vmem_shared>> -> memref<51200x16xf32, #tpu.memory_space<vmem_shared>>
        tpu.enqueue_indirect_dma source(%dma_start3A_222 : memref<128x16xf32, #tpu.memory_space<vmem>>) target(%dma_start3A_228 : memref<51200x16xf32, #tpu.memory_space<vmem_shared>>) offsets(%dma_start3A_225 : memref<128xi32, #tpu.memory_space<vmem>>) semaphore(%arg17 : memref<!tpu.dma_semaphore, #tpu.memory_space<semaphore_mem>>) {add = true}
        %mul3A_229 = arith.constant 4 : i32
        %mul3A_230 = arith.muli %scan3A_144, %mul3A_229 : i32
        %add3A_231 = arith.constant 3 : i32
        %add3A_232 = arith.addi %mul3A_230, %add3A_231 : i32
        %dma_wait3A_233 = arith.constant 3 : i32
        %dma_wait3A_234 = arith.constant 0 : i32
        %dma_wait3A_235 = arith.constant 0 : i32
        %dma_wait3A_236 = tpu.memref_slice %arg8[%dma_wait3A_233, %dma_wait3A_234, %dma_wait3A_235] : memref<4x128x16xf32, #tpu.memory_space<vmem>> -> memref<1x128x16xf32, #tpu.memory_space<vmem>>
        %dma_wait3A_237 = tpu.memref_squeeze %dma_wait3A_236 : memref<1x128x16xf32, #tpu.memory_space<vmem>> -> memref<128x16xf32, #tpu.memory_space<vmem>>
        %dma_wait3A_238 = arith.constant 0 : i32
        %dma_wait3A_239 = tpu.memref_slice %arg6[%add3A_232, %dma_wait3A_238] : memref<16x128xi32, #tpu.memory_space<vmem>> -> memref<1x128xi32, #tpu.memory_space<vmem>>
        %dma_wait3A_240 = tpu.memref_squeeze %dma_wait3A_239 : memref<1x128xi32, #tpu.memory_space<vmem>> -> memref<128xi32, #tpu.memory_space<vmem>>
        %dma_wait3A_241 = arith.constant 0 : i32
        %dma_wait3A_242 = tpu.memref_slice %arg2[%mul3A_0, %dma_wait3A_241] : memref<100000x16xf32, #tpu.memory_space<hbm>> -> memref<50000x16xf32, #tpu.memory_space<hbm>>
        %dma_wait3A_243 = arith.constant 0 : i32
        %dma_wait3A_244 = arith.constant 0 : i32
        %dma_wait3A_245 = tpu.memref_slice %dma_wait3A_242[%dma_wait3A_243, %dma_wait3A_244] : memref<50000x16xf32, #tpu.memory_space<hbm>> -> memref<50000x16xf32, #tpu.memory_space<hbm>>
        tpu.wait_indirect_dma semaphore(%arg14 : memref<!tpu.dma_semaphore, #tpu.memory_space<semaphore_mem>>) src(%dma_wait3A_245 : memref<50000x16xf32, #tpu.memory_space<hbm>>) dst(%dma_wait3A_237 : memref<128x16xf32, #tpu.memory_space<vmem>>)
        %dma_start3A_246 = arith.constant 3 : i32
        %dma_start3A_247 = arith.constant 0 : i32
        %dma_start3A_248 = arith.constant 0 : i32
        %dma_start3A_249 = tpu.memref_slice %arg8[%dma_start3A_246, %dma_start3A_247, %dma_start3A_248] : memref<4x128x16xf32, #tpu.memory_space<vmem>> -> memref<1x128x16xf32, #tpu.memory_space<vmem>>
        %dma_start3A_250 = tpu.memref_squeeze %dma_start3A_249 : memref<1x128x16xf32, #tpu.memory_space<vmem>> -> memref<128x16xf32, #tpu.memory_space<vmem>>
        %dma_start3A_251 = arith.constant 0 : i32
        %dma_start3A_252 = tpu.memref_slice %arg7[%add3A_232, %dma_start3A_251] : memref<16x128xi32, #tpu.memory_space<vmem>> -> memref<1x128xi32, #tpu.memory_space<vmem>>
        %dma_start3A_253 = tpu.memref_squeeze %dma_start3A_252 : memref<1x128xi32, #tpu.memory_space<vmem>> -> memref<128xi32, #tpu.memory_space<vmem>>
        %dma_start3A_254 = arith.constant 0 : i32
        %dma_start3A_255 = arith.constant 0 : i32
        %dma_start3A_256 = tpu.memref_slice %arg10[%dma_start3A_254, %dma_start3A_255] : memref<51200x16xf32, #tpu.memory_space<vmem_shared>> -> memref<51200x16xf32, #tpu.memory_space<vmem_shared>>
        tpu.enqueue_indirect_dma source(%dma_start3A_250 : memref<128x16xf32, #tpu.memory_space<vmem>>) target(%dma_start3A_256 : memref<51200x16xf32, #tpu.memory_space<vmem_shared>>) offsets(%dma_start3A_253 : memref<128xi32, #tpu.memory_space<vmem>>) semaphore(%arg18 : memref<!tpu.dma_semaphore, #tpu.memory_space<semaphore_mem>>) {add = true}
        %lt3A = arith.constant 3 : i32
        %lt3A_257 = arith.cmpi slt, %scan3A_144, %lt3A : i32
        %convert_element_type3A_258 = arith.extui %lt3A_257 : i1 to i32
        %cond3A_259 = arith.constant 0 : i32
        %cond3A_260 = arith.cmpi ne, %convert_element_type3A_258, %cond3A_259 : i32
        scf.if %cond3A_260 {
          %dma_wait3A_262 = arith.constant 0 : i32
          %dma_wait3A_263 = arith.constant 0 : i32
          %dma_wait3A_264 = arith.constant 0 : i32
          %dma_wait3A_265 = arith.constant 0 : i32
          %dma_wait3A_266 = tpu.memref_slice %arg8[%dma_wait3A_262, %dma_wait3A_264, %dma_wait3A_265] : memref<4x128x16xf32, #tpu.memory_space<vmem>> -> memref<1x128x16xf32, #tpu.memory_space<vmem>>
          %dma_wait3A_267 = tpu.memref_squeeze %dma_wait3A_266 : memref<1x128x16xf32, #tpu.memory_space<vmem>> -> memref<128x16xf32, #tpu.memory_space<vmem>>
          %dma_wait3A_268 = arith.constant 0 : i32
          %dma_wait3A_269 = tpu.memref_slice %arg7[%dma_wait3A_263, %dma_wait3A_268] : memref<16x128xi32, #tpu.memory_space<vmem>> -> memref<1x128xi32, #tpu.memory_space<vmem>>
          %dma_wait3A_270 = tpu.memref_squeeze %dma_wait3A_269 : memref<1x128xi32, #tpu.memory_space<vmem>> -> memref<128xi32, #tpu.memory_space<vmem>>
          %dma_wait3A_271 = arith.constant 0 : i32
          %dma_wait3A_272 = arith.constant 0 : i32
          %dma_wait3A_273 = tpu.memref_slice %arg10[%dma_wait3A_271, %dma_wait3A_272] : memref<51200x16xf32, #tpu.memory_space<vmem_shared>> -> memref<51200x16xf32, #tpu.memory_space<vmem_shared>>
          tpu.wait_indirect_dma semaphore(%arg15 : memref<!tpu.dma_semaphore, #tpu.memory_space<semaphore_mem>>) src(%dma_wait3A_267 : memref<128x16xf32, #tpu.memory_space<vmem>>) dst(%dma_wait3A_273 : memref<51200x16xf32, #tpu.memory_space<vmem_shared>>)
          %add3A_274 = arith.constant 1 : i32
          %add3A_275 = arith.addi %scan3A_144, %add3A_274 : i32
          %mul3A_276 = arith.constant 4 : i32
          %mul3A_277 = arith.muli %add3A_275, %mul3A_276 : i32
          %add3A_278 = arith.constant 0 : i32
          %add3A_279 = arith.addi %mul3A_277, %add3A_278 : i32
          %dma_start3A_280 = arith.constant 0 : i32
          %dma_start3A_281 = arith.constant 0 : i32
          %dma_start3A_282 = arith.constant 0 : i32
          %dma_start3A_283 = tpu.memref_slice %arg8[%dma_start3A_280, %dma_start3A_281, %dma_start3A_282] : memref<4x128x16xf32, #tpu.memory_space<vmem>> -> memref<1x128x16xf32, #tpu.memory_space<vmem>>
          %dma_start3A_284 = tpu.memref_squeeze %dma_start3A_283 : memref<1x128x16xf32, #tpu.memory_space<vmem>> -> memref<128x16xf32, #tpu.memory_space<vmem>>
          %dma_start3A_285 = arith.constant 0 : i32
          %dma_start3A_286 = tpu.memref_slice %arg6[%add3A_279, %dma_start3A_285] : memref<16x128xi32, #tpu.memory_space<vmem>> -> memref<1x128xi32, #tpu.memory_space<vmem>>
          %dma_start3A_287 = tpu.memref_squeeze %dma_start3A_286 : memref<1x128xi32, #tpu.memory_space<vmem>> -> memref<128xi32, #tpu.memory_space<vmem>>
          %dma_start3A_288 = arith.constant 0 : i32
          %dma_start3A_289 = tpu.memref_slice %arg2[%mul3A_0, %dma_start3A_288] : memref<100000x16xf32, #tpu.memory_space<hbm>> -> memref<50000x16xf32, #tpu.memory_space<hbm>>
          %dma_start3A_290 = arith.constant 0 : i32
          %dma_start3A_291 = arith.constant 0 : i32
          %dma_start3A_292 = tpu.memref_slice %dma_start3A_289[%dma_start3A_290, %dma_start3A_291] : memref<50000x16xf32, #tpu.memory_space<hbm>> -> memref<50000x16xf32, #tpu.memory_space<hbm>>
          tpu.enqueue_indirect_dma source(%dma_start3A_292 : memref<50000x16xf32, #tpu.memory_space<hbm>>) target(%dma_start3A_284 : memref<128x16xf32, #tpu.memory_space<vmem>>) offsets(%dma_start3A_287 : memref<128xi32, #tpu.memory_space<vmem>>) semaphore(%arg11 : memref<!tpu.dma_semaphore, #tpu.memory_space<semaphore_mem>>)
          %dma_wait3A_293 = arith.constant 1 : i32
          %dma_wait3A_294 = arith.constant 0 : i32
          %dma_wait3A_295 = arith.constant 0 : i32
          %dma_wait3A_296 = arith.constant 0 : i32
          %dma_wait3A_297 = tpu.memref_slice %arg8[%dma_wait3A_293, %dma_wait3A_295, %dma_wait3A_296] : memref<4x128x16xf32, #tpu.memory_space<vmem>> -> memref<1x128x16xf32, #tpu.memory_space<vmem>>
          %dma_wait3A_298 = tpu.memref_squeeze %dma_wait3A_297 : memref<1x128x16xf32, #tpu.memory_space<vmem>> -> memref<128x16xf32, #tpu.memory_space<vmem>>
          %dma_wait3A_299 = arith.constant 0 : i32
          %dma_wait3A_300 = tpu.memref_slice %arg7[%dma_wait3A_294, %dma_wait3A_299] : memref<16x128xi32, #tpu.memory_space<vmem>> -> memref<1x128xi32, #tpu.memory_space<vmem>>
          %dma_wait3A_301 = tpu.memref_squeeze %dma_wait3A_300 : memref<1x128xi32, #tpu.memory_space<vmem>> -> memref<128xi32, #tpu.memory_space<vmem>>
          %dma_wait3A_302 = arith.constant 0 : i32
          %dma_wait3A_303 = arith.constant 0 : i32
          %dma_wait3A_304 = tpu.memref_slice %arg10[%dma_wait3A_302, %dma_wait3A_303] : memref<51200x16xf32, #tpu.memory_space<vmem_shared>> -> memref<51200x16xf32, #tpu.memory_space<vmem_shared>>
          tpu.wait_indirect_dma semaphore(%arg16 : memref<!tpu.dma_semaphore, #tpu.memory_space<semaphore_mem>>) src(%dma_wait3A_298 : memref<128x16xf32, #tpu.memory_space<vmem>>) dst(%dma_wait3A_304 : memref<51200x16xf32, #tpu.memory_space<vmem_shared>>)
          %add3A_305 = arith.constant 1 : i32
          %add3A_306 = arith.addi %scan3A_144, %add3A_305 : i32
          %mul3A_307 = arith.constant 4 : i32
          %mul3A_308 = arith.muli %add3A_306, %mul3A_307 : i32
          %add3A_309 = arith.constant 1 : i32
          %add3A_310 = arith.addi %mul3A_308, %add3A_309 : i32
          %dma_start3A_311 = arith.constant 1 : i32
          %dma_start3A_312 = arith.constant 0 : i32
          %dma_start3A_313 = arith.constant 0 : i32
          %dma_start3A_314 = tpu.memref_slice %arg8[%dma_start3A_311, %dma_start3A_312, %dma_start3A_313] : memref<4x128x16xf32, #tpu.memory_space<vmem>> -> memref<1x128x16xf32, #tpu.memory_space<vmem>>
          %dma_start3A_315 = tpu.memref_squeeze %dma_start3A_314 : memref<1x128x16xf32, #tpu.memory_space<vmem>> -> memref<128x16xf32, #tpu.memory_space<vmem>>
          %dma_start3A_316 = arith.constant 0 : i32
          %dma_start3A_317 = tpu.memref_slice %arg6[%add3A_310, %dma_start3A_316] : memref<16x128xi32, #tpu.memory_space<vmem>> -> memref<1x128xi32, #tpu.memory_space<vmem>>
          %dma_start3A_318 = tpu.memref_squeeze %dma_start3A_317 : memref<1x128xi32, #tpu.memory_space<vmem>> -> memref<128xi32, #tpu.memory_space<vmem>>
          %dma_start3A_319 = arith.constant 0 : i32
          %dma_start3A_320 = tpu.memref_slice %arg2[%mul3A_0, %dma_start3A_319] : memref<100000x16xf32, #tpu.memory_space<hbm>> -> memref<50000x16xf32, #tpu.memory_space<hbm>>
          %dma_start3A_321 = arith.constant 0 : i32
          %dma_start3A_322 = arith.constant 0 : i32
          %dma_start3A_323 = tpu.memref_slice %dma_start3A_320[%dma_start3A_321, %dma_start3A_322] : memref<50000x16xf32, #tpu.memory_space<hbm>> -> memref<50000x16xf32, #tpu.memory_space<hbm>>
          tpu.enqueue_indirect_dma source(%dma_start3A_323 : memref<50000x16xf32, #tpu.memory_space<hbm>>) target(%dma_start3A_315 : memref<128x16xf32, #tpu.memory_space<vmem>>) offsets(%dma_start3A_318 : memref<128xi32, #tpu.memory_space<vmem>>) semaphore(%arg12 : memref<!tpu.dma_semaphore, #tpu.memory_space<semaphore_mem>>)
          %dma_wait3A_324 = arith.constant 2 : i32
          %dma_wait3A_325 = arith.constant 0 : i32
          %dma_wait3A_326 = arith.constant 0 : i32
          %dma_wait3A_327 = arith.constant 0 : i32
          %dma_wait3A_328 = tpu.memref_slice %arg8[%dma_wait3A_324, %dma_wait3A_326, %dma_wait3A_327] : memref<4x128x16xf32, #tpu.memory_space<vmem>> -> memref<1x128x16xf32, #tpu.memory_space<vmem>>
          %dma_wait3A_329 = tpu.memref_squeeze %dma_wait3A_328 : memref<1x128x16xf32, #tpu.memory_space<vmem>> -> memref<128x16xf32, #tpu.memory_space<vmem>>
          %dma_wait3A_330 = arith.constant 0 : i32
          %dma_wait3A_331 = tpu.memref_slice %arg7[%dma_wait3A_325, %dma_wait3A_330] : memref<16x128xi32, #tpu.memory_space<vmem>> -> memref<1x128xi32, #tpu.memory_space<vmem>>
          %dma_wait3A_332 = tpu.memref_squeeze %dma_wait3A_331 : memref<1x128xi32, #tpu.memory_space<vmem>> -> memref<128xi32, #tpu.memory_space<vmem>>
          %dma_wait3A_333 = arith.constant 0 : i32
          %dma_wait3A_334 = arith.constant 0 : i32
          %dma_wait3A_335 = tpu.memref_slice %arg10[%dma_wait3A_333, %dma_wait3A_334] : memref<51200x16xf32, #tpu.memory_space<vmem_shared>> -> memref<51200x16xf32, #tpu.memory_space<vmem_shared>>
          tpu.wait_indirect_dma semaphore(%arg17 : memref<!tpu.dma_semaphore, #tpu.memory_space<semaphore_mem>>) src(%dma_wait3A_329 : memref<128x16xf32, #tpu.memory_space<vmem>>) dst(%dma_wait3A_335 : memref<51200x16xf32, #tpu.memory_space<vmem_shared>>)
          %add3A_336 = arith.constant 1 : i32
          %add3A_337 = arith.addi %scan3A_144, %add3A_336 : i32
          %mul3A_338 = arith.constant 4 : i32
          %mul3A_339 = arith.muli %add3A_337, %mul3A_338 : i32
          %add3A_340 = arith.constant 2 : i32
          %add3A_341 = arith.addi %mul3A_339, %add3A_340 : i32
          %dma_start3A_342 = arith.constant 2 : i32
          %dma_start3A_343 = arith.constant 0 : i32
          %dma_start3A_344 = arith.constant 0 : i32
          %dma_start3A_345 = tpu.memref_slice %arg8[%dma_start3A_342, %dma_start3A_343, %dma_start3A_344] : memref<4x128x16xf32, #tpu.memory_space<vmem>> -> memref<1x128x16xf32, #tpu.memory_space<vmem>>
          %dma_start3A_346 = tpu.memref_squeeze %dma_start3A_345 : memref<1x128x16xf32, #tpu.memory_space<vmem>> -> memref<128x16xf32, #tpu.memory_space<vmem>>
          %dma_start3A_347 = arith.constant 0 : i32
          %dma_start3A_348 = tpu.memref_slice %arg6[%add3A_341, %dma_start3A_347] : memref<16x128xi32, #tpu.memory_space<vmem>> -> memref<1x128xi32, #tpu.memory_space<vmem>>
          %dma_start3A_349 = tpu.memref_squeeze %dma_start3A_348 : memref<1x128xi32, #tpu.memory_space<vmem>> -> memref<128xi32, #tpu.memory_space<vmem>>
          %dma_start3A_350 = arith.constant 0 : i32
          %dma_start3A_351 = tpu.memref_slice %arg2[%mul3A_0, %dma_start3A_350] : memref<100000x16xf32, #tpu.memory_space<hbm>> -> memref<50000x16xf32, #tpu.memory_space<hbm>>
          %dma_start3A_352 = arith.constant 0 : i32
          %dma_start3A_353 = arith.constant 0 : i32
          %dma_start3A_354 = tpu.memref_slice %dma_start3A_351[%dma_start3A_352, %dma_start3A_353] : memref<50000x16xf32, #tpu.memory_space<hbm>> -> memref<50000x16xf32, #tpu.memory_space<hbm>>
          tpu.enqueue_indirect_dma source(%dma_start3A_354 : memref<50000x16xf32, #tpu.memory_space<hbm>>) target(%dma_start3A_346 : memref<128x16xf32, #tpu.memory_space<vmem>>) offsets(%dma_start3A_349 : memref<128xi32, #tpu.memory_space<vmem>>) semaphore(%arg13 : memref<!tpu.dma_semaphore, #tpu.memory_space<semaphore_mem>>)
          %dma_wait3A_355 = arith.constant 3 : i32
          %dma_wait3A_356 = arith.constant 0 : i32
          %dma_wait3A_357 = arith.constant 0 : i32
          %dma_wait3A_358 = arith.constant 0 : i32
          %dma_wait3A_359 = tpu.memref_slice %arg8[%dma_wait3A_355, %dma_wait3A_357, %dma_wait3A_358] : memref<4x128x16xf32, #tpu.memory_space<vmem>> -> memref<1x128x16xf32, #tpu.memory_space<vmem>>
          %dma_wait3A_360 = tpu.memref_squeeze %dma_wait3A_359 : memref<1x128x16xf32, #tpu.memory_space<vmem>> -> memref<128x16xf32, #tpu.memory_space<vmem>>
          %dma_wait3A_361 = arith.constant 0 : i32
          %dma_wait3A_362 = tpu.memref_slice %arg7[%dma_wait3A_356, %dma_wait3A_361] : memref<16x128xi32, #tpu.memory_space<vmem>> -> memref<1x128xi32, #tpu.memory_space<vmem>>
          %dma_wait3A_363 = tpu.memref_squeeze %dma_wait3A_362 : memref<1x128xi32, #tpu.memory_space<vmem>> -> memref<128xi32, #tpu.memory_space<vmem>>
          %dma_wait3A_364 = arith.constant 0 : i32
          %dma_wait3A_365 = arith.constant 0 : i32
          %dma_wait3A_366 = tpu.memref_slice %arg10[%dma_wait3A_364, %dma_wait3A_365] : memref<51200x16xf32, #tpu.memory_space<vmem_shared>> -> memref<51200x16xf32, #tpu.memory_space<vmem_shared>>
          tpu.wait_indirect_dma semaphore(%arg18 : memref<!tpu.dma_semaphore, #tpu.memory_space<semaphore_mem>>) src(%dma_wait3A_360 : memref<128x16xf32, #tpu.memory_space<vmem>>) dst(%dma_wait3A_366 : memref<51200x16xf32, #tpu.memory_space<vmem_shared>>)
          %add3A_367 = arith.constant 1 : i32
          %add3A_368 = arith.addi %scan3A_144, %add3A_367 : i32
          %mul3A_369 = arith.constant 4 : i32
          %mul3A_370 = arith.muli %add3A_368, %mul3A_369 : i32
          %add3A_371 = arith.constant 3 : i32
          %add3A_372 = arith.addi %mul3A_370, %add3A_371 : i32
          %dma_start3A_373 = arith.constant 3 : i32
          %dma_start3A_374 = arith.constant 0 : i32
          %dma_start3A_375 = arith.constant 0 : i32
          %dma_start3A_376 = tpu.memref_slice %arg8[%dma_start3A_373, %dma_start3A_374, %dma_start3A_375] : memref<4x128x16xf32, #tpu.memory_space<vmem>> -> memref<1x128x16xf32, #tpu.memory_space<vmem>>
          %dma_start3A_377 = tpu.memref_squeeze %dma_start3A_376 : memref<1x128x16xf32, #tpu.memory_space<vmem>> -> memref<128x16xf32, #tpu.memory_space<vmem>>
          %dma_start3A_378 = arith.constant 0 : i32
          %dma_start3A_379 = tpu.memref_slice %arg6[%add3A_372, %dma_start3A_378] : memref<16x128xi32, #tpu.memory_space<vmem>> -> memref<1x128xi32, #tpu.memory_space<vmem>>
          %dma_start3A_380 = tpu.memref_squeeze %dma_start3A_379 : memref<1x128xi32, #tpu.memory_space<vmem>> -> memref<128xi32, #tpu.memory_space<vmem>>
          %dma_start3A_381 = arith.constant 0 : i32
          %dma_start3A_382 = tpu.memref_slice %arg2[%mul3A_0, %dma_start3A_381] : memref<100000x16xf32, #tpu.memory_space<hbm>> -> memref<50000x16xf32, #tpu.memory_space<hbm>>
          %dma_start3A_383 = arith.constant 0 : i32
          %dma_start3A_384 = arith.constant 0 : i32
          %dma_start3A_385 = tpu.memref_slice %dma_start3A_382[%dma_start3A_383, %dma_start3A_384] : memref<50000x16xf32, #tpu.memory_space<hbm>> -> memref<50000x16xf32, #tpu.memory_space<hbm>>
          tpu.enqueue_indirect_dma source(%dma_start3A_385 : memref<50000x16xf32, #tpu.memory_space<hbm>>) target(%dma_start3A_377 : memref<128x16xf32, #tpu.memory_space<vmem>>) offsets(%dma_start3A_380 : memref<128xi32, #tpu.memory_space<vmem>>) semaphore(%arg14 : memref<!tpu.dma_semaphore, #tpu.memory_space<semaphore_mem>>)
        } else {
        }
        %scan3A_261 = arith.constant 0 : i32
        scf.yield %scan3A_261 : i32
      }
      %scan3A_142 = arith.constant 4 : i32
      %scan3A_143 = arith.constant 0 : i32
      scf.yield %scan3A_143 : i32
    }
    %scan3A_20 = arith.constant 25 : i32
    %dma_wait3A = arith.constant 0 : i32
    %dma_wait3A_21 = arith.constant 0 : i32
    %dma_wait3A_22 = arith.constant 0 : i32
    %dma_wait3A_23 = arith.constant 0 : i32
    %dma_wait3A_24 = tpu.memref_slice %arg8[%dma_wait3A, %dma_wait3A_22, %dma_wait3A_23] : memref<4x128x16xf32, #tpu.memory_space<vmem>> -> memref<1x128x16xf32, #tpu.memory_space<vmem>>
    %dma_wait3A_25 = tpu.memref_squeeze %dma_wait3A_24 : memref<1x128x16xf32, #tpu.memory_space<vmem>> -> memref<128x16xf32, #tpu.memory_space<vmem>>
    %dma_wait3A_26 = arith.constant 0 : i32
    %dma_wait3A_27 = tpu.memref_slice %arg7[%dma_wait3A_21, %dma_wait3A_26] : memref<16x128xi32, #tpu.memory_space<vmem>> -> memref<1x128xi32, #tpu.memory_space<vmem>>
    %dma_wait3A_28 = tpu.memref_squeeze %dma_wait3A_27 : memref<1x128xi32, #tpu.memory_space<vmem>> -> memref<128xi32, #tpu.memory_space<vmem>>
    %dma_wait3A_29 = arith.constant 0 : i32
    %dma_wait3A_30 = arith.constant 0 : i32
    %dma_wait3A_31 = tpu.memref_slice %arg10[%dma_wait3A_29, %dma_wait3A_30] : memref<51200x16xf32, #tpu.memory_space<vmem_shared>> -> memref<51200x16xf32, #tpu.memory_space<vmem_shared>>
    tpu.wait_indirect_dma semaphore(%arg15 : memref<!tpu.dma_semaphore, #tpu.memory_space<semaphore_mem>>) src(%dma_wait3A_25 : memref<128x16xf32, #tpu.memory_space<vmem>>) dst(%dma_wait3A_31 : memref<51200x16xf32, #tpu.memory_space<vmem_shared>>)
    %dma_wait3A_32 = arith.constant 1 : i32
    %dma_wait3A_33 = arith.constant 0 : i32
    %dma_wait3A_34 = arith.constant 0 : i32
    %dma_wait3A_35 = arith.constant 0 : i32
    %dma_wait3A_36 = tpu.memref_slice %arg8[%dma_wait3A_32, %dma_wait3A_34, %dma_wait3A_35] : memref<4x128x16xf32, #tpu.memory_space<vmem>> -> memref<1x128x16xf32, #tpu.memory_space<vmem>>
    %dma_wait3A_37 = tpu.memref_squeeze %dma_wait3A_36 : memref<1x128x16xf32, #tpu.memory_space<vmem>> -> memref<128x16xf32, #tpu.memory_space<vmem>>
    %dma_wait3A_38 = arith.constant 0 : i32
    %dma_wait3A_39 = tpu.memref_slice %arg7[%dma_wait3A_33, %dma_wait3A_38] : memref<16x128xi32, #tpu.memory_space<vmem>> -> memref<1x128xi32, #tpu.memory_space<vmem>>
    %dma_wait3A_40 = tpu.memref_squeeze %dma_wait3A_39 : memref<1x128xi32, #tpu.memory_space<vmem>> -> memref<128xi32, #tpu.memory_space<vmem>>
    %dma_wait3A_41 = arith.constant 0 : i32
    %dma_wait3A_42 = arith.constant 0 : i32
    %dma_wait3A_43 = tpu.memref_slice %arg10[%dma_wait3A_41, %dma_wait3A_42] : memref<51200x16xf32, #tpu.memory_space<vmem_shared>> -> memref<51200x16xf32, #tpu.memory_space<vmem_shared>>
    tpu.wait_indirect_dma semaphore(%arg16 : memref<!tpu.dma_semaphore, #tpu.memory_space<semaphore_mem>>) src(%dma_wait3A_37 : memref<128x16xf32, #tpu.memory_space<vmem>>) dst(%dma_wait3A_43 : memref<51200x16xf32, #tpu.memory_space<vmem_shared>>)
    %dma_wait3A_44 = arith.constant 2 : i32
    %dma_wait3A_45 = arith.constant 0 : i32
    %dma_wait3A_46 = arith.constant 0 : i32
    %dma_wait3A_47 = arith.constant 0 : i32
    %dma_wait3A_48 = tpu.memref_slice %arg8[%dma_wait3A_44, %dma_wait3A_46, %dma_wait3A_47] : memref<4x128x16xf32, #tpu.memory_space<vmem>> -> memref<1x128x16xf32, #tpu.memory_space<vmem>>
    %dma_wait3A_49 = tpu.memref_squeeze %dma_wait3A_48 : memref<1x128x16xf32, #tpu.memory_space<vmem>> -> memref<128x16xf32, #tpu.memory_space<vmem>>
    %dma_wait3A_50 = arith.constant 0 : i32
    %dma_wait3A_51 = tpu.memref_slice %arg7[%dma_wait3A_45, %dma_wait3A_50] : memref<16x128xi32, #tpu.memory_space<vmem>> -> memref<1x128xi32, #tpu.memory_space<vmem>>
    %dma_wait3A_52 = tpu.memref_squeeze %dma_wait3A_51 : memref<1x128xi32, #tpu.memory_space<vmem>> -> memref<128xi32, #tpu.memory_space<vmem>>
    %dma_wait3A_53 = arith.constant 0 : i32
    %dma_wait3A_54 = arith.constant 0 : i32
    %dma_wait3A_55 = tpu.memref_slice %arg10[%dma_wait3A_53, %dma_wait3A_54] : memref<51200x16xf32, #tpu.memory_space<vmem_shared>> -> memref<51200x16xf32, #tpu.memory_space<vmem_shared>>
    tpu.wait_indirect_dma semaphore(%arg17 : memref<!tpu.dma_semaphore, #tpu.memory_space<semaphore_mem>>) src(%dma_wait3A_49 : memref<128x16xf32, #tpu.memory_space<vmem>>) dst(%dma_wait3A_55 : memref<51200x16xf32, #tpu.memory_space<vmem_shared>>)
    %dma_wait3A_56 = arith.constant 3 : i32
    %dma_wait3A_57 = arith.constant 0 : i32
    %dma_wait3A_58 = arith.constant 0 : i32
    %dma_wait3A_59 = arith.constant 0 : i32
    %dma_wait3A_60 = tpu.memref_slice %arg8[%dma_wait3A_56, %dma_wait3A_58, %dma_wait3A_59] : memref<4x128x16xf32, #tpu.memory_space<vmem>> -> memref<1x128x16xf32, #tpu.memory_space<vmem>>
    %dma_wait3A_61 = tpu.memref_squeeze %dma_wait3A_60 : memref<1x128x16xf32, #tpu.memory_space<vmem>> -> memref<128x16xf32, #tpu.memory_space<vmem>>
    %dma_wait3A_62 = arith.constant 0 : i32
    %dma_wait3A_63 = tpu.memref_slice %arg7[%dma_wait3A_57, %dma_wait3A_62] : memref<16x128xi32, #tpu.memory_space<vmem>> -> memref<1x128xi32, #tpu.memory_space<vmem>>
    %dma_wait3A_64 = tpu.memref_squeeze %dma_wait3A_63 : memref<1x128xi32, #tpu.memory_space<vmem>> -> memref<128xi32, #tpu.memory_space<vmem>>
    %dma_wait3A_65 = arith.constant 0 : i32
    %dma_wait3A_66 = arith.constant 0 : i32
    %dma_wait3A_67 = tpu.memref_slice %arg10[%dma_wait3A_65, %dma_wait3A_66] : memref<51200x16xf32, #tpu.memory_space<vmem_shared>> -> memref<51200x16xf32, #tpu.memory_space<vmem_shared>>
    tpu.wait_indirect_dma semaphore(%arg18 : memref<!tpu.dma_semaphore, #tpu.memory_space<semaphore_mem>>) src(%dma_wait3A_61 : memref<128x16xf32, #tpu.memory_space<vmem>>) dst(%dma_wait3A_67 : memref<51200x16xf32, #tpu.memory_space<vmem_shared>>)
    %barrier3A_68 = arith.constant 0 : index
    tpu.barrier barrier_id(%barrier3A_68)
    %mul3A_69 = arith.constant 3200 : i32
    %mul3A_70 = arith.muli %arg1, %mul3A_69 : i32
    %mul3A_71 = arith.constant 3200 : i32
    %mul3A_72 = arith.muli %arg1, %mul3A_71 : i32
    "tpu.region"() ({
      %run_scoped3A = tpu.sem_alloc : memref<!tpu.dma_semaphore, #tpu.memory_space<semaphore_mem>>
      %dma_start3A = arith.constant 0 : i32
      %dma_start3A_73 = tpu.memref_slice %arg5[%arg0, %mul3A_72, %dma_start3A] : memref<2x51200x16xf32, #tpu.memory_space<hbm>> -> memref<1x3200x16xf32, #tpu.memory_space<hbm>>
      %dma_start3A_74 = tpu.memref_squeeze %dma_start3A_73 : memref<1x3200x16xf32, #tpu.memory_space<hbm>> -> memref<3200x16xf32, #tpu.memory_space<hbm>>
      %dma_start3A_75 = arith.constant 0 : i32
      %dma_start3A_76 = tpu.memref_slice %arg10[%mul3A_70, %dma_start3A_75] : memref<51200x16xf32, #tpu.memory_space<vmem_shared>> -> memref<3200x16xf32, #tpu.memory_space<vmem_shared>>
      tpu.enqueue_dma source(%dma_start3A_76 : memref<3200x16xf32, #tpu.memory_space<vmem_shared>>) target(%dma_start3A_74 : memref<3200x16xf32, #tpu.memory_space<hbm>>) target_semaphore(%run_scoped3A : memref<!tpu.dma_semaphore, #tpu.memory_space<semaphore_mem>>)
      %dma_wait3A_77 = arith.constant 0 : i32
      %dma_wait3A_78 = tpu.memref_slice %arg5[%arg0, %mul3A_72, %dma_wait3A_77] : memref<2x51200x16xf32, #tpu.memory_space<hbm>> -> memref<1x3200x16xf32, #tpu.memory_space<hbm>>
      %dma_wait3A_79 = tpu.memref_squeeze %dma_wait3A_78 : memref<1x3200x16xf32, #tpu.memory_space<hbm>> -> memref<3200x16xf32, #tpu.memory_space<hbm>>
      %dma_wait3A_80 = arith.constant 0 : i32
      %dma_wait3A_81 = tpu.memref_slice %arg10[%mul3A_70, %dma_wait3A_80] : memref<51200x16xf32, #tpu.memory_space<vmem_shared>> -> memref<3200x16xf32, #tpu.memory_space<vmem_shared>>
      tpu.wait_dma2 semaphore(%run_scoped3A : memref<!tpu.dma_semaphore, #tpu.memory_space<semaphore_mem>>) src(%dma_wait3A_81 : memref<3200x16xf32, #tpu.memory_space<vmem_shared>>) dst(%dma_wait3A_79 : memref<3200x16xf32, #tpu.memory_space<hbm>>)
      tpu.yield
    }) : () -> ()
    return
  }
}

#map = affine_map<(d0, d1) -> (0, 0, 0)>
#map1 = affine_map<(d0, d1) -> (0)>
module attributes {stable_mosaic.version = 14 : i64} {
  func.func @deg_kernel(%arg0: i32, %arg1: i32, %arg2: memref<32x200x128xi32, #tpu.memory_space<hbm>>, %arg3: memref<102400xf32, #tpu.memory_space<hbm>>, %arg4: memref<200x128xi32, #tpu.memory_space<vmem>>, %arg5: memref<128xf32, #tpu.memory_space<vmem>>, %arg6: memref<3200xf32, #tpu.memory_space<vmem>>, %arg7: memref<51200xf32, #tpu.memory_space<vmem_shared>>) attributes {dimension_semantics = [#tpu.dimension_semantics<core_parallel>, #tpu.dimension_semantics<subcore_parallel>], iteration_bounds = array<i64: 2, 16>, scalar_prefetch = 0 : i64, scratch_operands = 4 : i64, tpu.core_type = #tpu.core_type<sc_vector_subcore>, window_params = [{transform_indices = #map}, {transform_indices = #map1}]} {
    %mul3A = arith.constant 16 : i32
    %mul3A_0 = arith.muli %arg0, %mul3A : i32
    %add3A = arith.addi %mul3A_0, %arg1 : i32
    %scan3A = arith.constant 0 : i32
    %scan3A_1 = arith.constant 0 : i32
    %scan3A_2 = arith.constant 8 : i32
    %scan3A_3 = arith.addi %scan3A_1, %scan3A_2 : i32
    %scan3A_4 = arith.constant 1 : i32
    %scan3A_5 = scf.for %scan3A_31 = %scan3A_1 to %scan3A_3 step %scan3A_4 iter_args(%scan3A_32 = %scan3A) -> (i32)  : i32 {
      %broadcast_in_dim3A = arith.constant 1.000000e+00 : f32
      %broadcast_in_dim3A_33 = vector.broadcast %broadcast_in_dim3A : f32 to vector<16xf32>
      %mul3A_34 = arith.constant 16 : i32
      %mul3A_35 = arith.muli %scan3A_31, %mul3A_34 : i32
      %swap3A = arith.index_cast %mul3A_35 : i32 to index
      %swap3A_36 = tpu.vector_load %arg5[%swap3A] {strides = array<i32>} : memref<128xf32, #tpu.memory_space<vmem>>, vector<16xf32>,
      %swap3A_37 = vector.shape_cast %swap3A_36 : vector<16xf32> to vector<16xf32>
      %swap3A_38 = vector.shape_cast %broadcast_in_dim3A_33 : vector<16xf32> to vector<16xf32>
      tpu.vector_store %arg5[%swap3A], %swap3A_38 {strides = array<i32>} : memref<128xf32, #tpu.memory_space<vmem>>, vector<16xf32>,
      %scan3A_39 = arith.constant 0 : i32
      scf.yield %scan3A_39 : i32
    }
    %scan3A_6 = arith.constant 8 : i32
    %scan3A_7 = arith.constant 0 : i32
    %scan3A_8 = arith.constant 0 : i32
    %scan3A_9 = arith.constant 200 : i32
    %scan3A_10 = arith.addi %scan3A_8, %scan3A_9 : i32
    %scan3A_11 = arith.constant 1 : i32
    %scan3A_12 = scf.for %scan3A_31 = %scan3A_8 to %scan3A_10 step %scan3A_11 iter_args(%scan3A_32 = %scan3A_7) -> (i32)  : i32 {
      %broadcast_in_dim3A = arith.constant 0.000000e+00 : f32
      %broadcast_in_dim3A_33 = vector.broadcast %broadcast_in_dim3A : f32 to vector<16xf32>
      %mul3A_34 = arith.constant 16 : i32
      %mul3A_35 = arith.muli %scan3A_31, %mul3A_34 : i32
      %swap3A = arith.index_cast %mul3A_35 : i32 to index
      %swap3A_36 = tpu.vector_load %arg6[%swap3A] {strides = array<i32>} : memref<3200xf32, #tpu.memory_space<vmem>>, vector<16xf32>,
      %swap3A_37 = vector.shape_cast %swap3A_36 : vector<16xf32> to vector<16xf32>
      %swap3A_38 = vector.shape_cast %broadcast_in_dim3A_33 : vector<16xf32> to vector<16xf32>
      tpu.vector_store %arg6[%swap3A], %swap3A_38 {strides = array<i32>} : memref<3200xf32, #tpu.memory_space<vmem>>, vector<16xf32>,
      %scan3A_39 = arith.constant 0 : i32
      scf.yield %scan3A_39 : i32
    }
    %scan3A_13 = arith.constant 200 : i32
    %mul3A_14 = arith.constant 3200 : i32
    %mul3A_15 = arith.muli %arg1, %mul3A_14 : i32
    "tpu.region"() ({
      %run_scoped3A = tpu.sem_alloc : memref<!tpu.dma_semaphore, #tpu.memory_space<semaphore_mem>>
      %dma_start3A = tpu.memref_slice %arg7[%mul3A_15] : memref<51200xf32, #tpu.memory_space<vmem_shared>> -> memref<3200xf32, #tpu.memory_space<vmem_shared>>
      %dma_start3A_31 = tpu.memref_slice %arg7[%mul3A_15] : memref<51200xf32, #tpu.memory_space<vmem_shared>> -> memref<3200xf32, #tpu.memory_space<vmem_shared>>
      tpu.enqueue_dma source(%arg6 : memref<3200xf32, #tpu.memory_space<vmem>>) target(%dma_start3A_31 : memref<3200xf32, #tpu.memory_space<vmem_shared>>) target_semaphore(%run_scoped3A : memref<!tpu.dma_semaphore, #tpu.memory_space<semaphore_mem>>)
      %dma_wait3A = tpu.memref_slice %arg7[%mul3A_15] : memref<51200xf32, #tpu.memory_space<vmem_shared>> -> memref<3200xf32, #tpu.memory_space<vmem_shared>>
      %dma_wait3A_32 = tpu.memref_slice %arg7[%mul3A_15] : memref<51200xf32, #tpu.memory_space<vmem_shared>> -> memref<3200xf32, #tpu.memory_space<vmem_shared>>
      tpu.wait_dma2 semaphore(%run_scoped3A : memref<!tpu.dma_semaphore, #tpu.memory_space<semaphore_mem>>) src(%arg6 : memref<3200xf32, #tpu.memory_space<vmem>>) dst(%dma_wait3A_32 : memref<3200xf32, #tpu.memory_space<vmem_shared>>)
      tpu.yield
    }) : () -> ()
    %barrier3A = arith.constant 0 : index
    tpu.barrier barrier_id(%barrier3A)
    "tpu.region"() ({
      %run_scoped3A = tpu.sem_alloc : memref<!tpu.dma_semaphore, #tpu.memory_space<semaphore_mem>>
      %dma_start3A = arith.constant 0 : i32
      %dma_start3A_31 = arith.constant 0 : i32
      %dma_start3A_32 = tpu.memref_slice %arg2[%add3A, %dma_start3A, %dma_start3A_31] : memref<32x200x128xi32, #tpu.memory_space<hbm>> -> memref<1x200x128xi32, #tpu.memory_space<hbm>>
      %dma_start3A_33 = tpu.memref_squeeze %dma_start3A_32 : memref<1x200x128xi32, #tpu.memory_space<hbm>> -> memref<200x128xi32, #tpu.memory_space<hbm>>
      %dma_start3A_34 = arith.constant 0 : i32
      %dma_start3A_35 = arith.constant 0 : i32
      %dma_start3A_36 = tpu.memref_slice %arg2[%add3A, %dma_start3A_34, %dma_start3A_35] : memref<32x200x128xi32, #tpu.memory_space<hbm>> -> memref<1x200x128xi32, #tpu.memory_space<hbm>>
      %dma_start3A_37 = tpu.memref_squeeze %dma_start3A_36 : memref<1x200x128xi32, #tpu.memory_space<hbm>> -> memref<200x128xi32, #tpu.memory_space<hbm>>
      tpu.enqueue_dma source(%dma_start3A_37 : memref<200x128xi32, #tpu.memory_space<hbm>>) target(%arg4 : memref<200x128xi32, #tpu.memory_space<vmem>>) target_semaphore(%run_scoped3A : memref<!tpu.dma_semaphore, #tpu.memory_space<semaphore_mem>>)
      %dma_wait3A = arith.constant 0 : i32
      %dma_wait3A_38 = arith.constant 0 : i32
      %dma_wait3A_39 = tpu.memref_slice %arg2[%add3A, %dma_wait3A, %dma_wait3A_38] : memref<32x200x128xi32, #tpu.memory_space<hbm>> -> memref<1x200x128xi32, #tpu.memory_space<hbm>>
      %dma_wait3A_40 = tpu.memref_squeeze %dma_wait3A_39 : memref<1x200x128xi32, #tpu.memory_space<hbm>> -> memref<200x128xi32, #tpu.memory_space<hbm>>
      %dma_wait3A_41 = arith.constant 0 : i32
      %dma_wait3A_42 = arith.constant 0 : i32
      %dma_wait3A_43 = tpu.memref_slice %arg2[%add3A, %dma_wait3A_41, %dma_wait3A_42] : memref<32x200x128xi32, #tpu.memory_space<hbm>> -> memref<1x200x128xi32, #tpu.memory_space<hbm>>
      %dma_wait3A_44 = tpu.memref_squeeze %dma_wait3A_43 : memref<1x200x128xi32, #tpu.memory_space<hbm>> -> memref<200x128xi32, #tpu.memory_space<hbm>>
      tpu.wait_dma2 semaphore(%run_scoped3A : memref<!tpu.dma_semaphore, #tpu.memory_space<semaphore_mem>>) src(%dma_wait3A_44 : memref<200x128xi32, #tpu.memory_space<hbm>>) dst(%arg4 : memref<200x128xi32, #tpu.memory_space<vmem>>)
      tpu.yield
    }) : () -> ()
    %scan3A_16 = arith.constant 0 : i32
    %scan3A_17 = arith.constant 0 : i32
    %scan3A_18 = arith.constant 200 : i32
    %scan3A_19 = arith.addi %scan3A_17, %scan3A_18 : i32
    %scan3A_20 = arith.constant 1 : i32
    %scan3A_21 = scf.for %scan3A_31 = %scan3A_17 to %scan3A_19 step %scan3A_20 iter_args(%scan3A_32 = %scan3A_16) -> (i32)  : i32 {
      "tpu.region"() ({
        %run_scoped3A = tpu.sem_alloc : memref<!tpu.dma_semaphore, #tpu.memory_space<semaphore_mem>>
        %dma_start3A = arith.constant 0 : i32
        %dma_start3A_34 = tpu.memref_slice %arg4[%scan3A_31, %dma_start3A] : memref<200x128xi32, #tpu.memory_space<vmem>> -> memref<1x128xi32, #tpu.memory_space<vmem>>
        %dma_start3A_35 = tpu.memref_squeeze %dma_start3A_34 : memref<1x128xi32, #tpu.memory_space<vmem>> -> memref<128xi32, #tpu.memory_space<vmem>>
        %dma_start3A_36 = arith.constant 0 : i32
        %dma_start3A_37 = tpu.memref_slice %arg7[%dma_start3A_36] : memref<51200xf32, #tpu.memory_space<vmem_shared>> -> memref<51200xf32, #tpu.memory_space<vmem_shared>>
        tpu.enqueue_indirect_dma source(%arg5 : memref<128xf32, #tpu.memory_space<vmem>>) target(%dma_start3A_37 : memref<51200xf32, #tpu.memory_space<vmem_shared>>) offsets(%dma_start3A_35 : memref<128xi32, #tpu.memory_space<vmem>>) semaphore(%run_scoped3A : memref<!tpu.dma_semaphore, #tpu.memory_space<semaphore_mem>>) {add = true}
        %dma_wait3A = arith.constant 0 : i32
        %dma_wait3A_38 = tpu.memref_slice %arg4[%scan3A_31, %dma_wait3A] : memref<200x128xi32, #tpu.memory_space<vmem>> -> memref<1x128xi32, #tpu.memory_space<vmem>>
        %dma_wait3A_39 = tpu.memref_squeeze %dma_wait3A_38 : memref<1x128xi32, #tpu.memory_space<vmem>> -> memref<128xi32, #tpu.memory_space<vmem>>
        %dma_wait3A_40 = arith.constant 0 : i32
        %dma_wait3A_41 = tpu.memref_slice %arg7[%dma_wait3A_40] : memref<51200xf32, #tpu.memory_space<vmem_shared>> -> memref<51200xf32, #tpu.memory_space<vmem_shared>>
        tpu.wait_indirect_dma semaphore(%run_scoped3A : memref<!tpu.dma_semaphore, #tpu.memory_space<semaphore_mem>>) src(%arg5 : memref<128xf32, #tpu.memory_space<vmem>>) dst(%dma_wait3A_41 : memref<51200xf32, #tpu.memory_space<vmem_shared>>)
        tpu.yield
      }) : () -> ()
      %scan3A_33 = arith.constant 0 : i32
      scf.yield %scan3A_33 : i32
    }
    %scan3A_22 = arith.constant 200 : i32
    %barrier3A_23 = arith.constant 0 : index
    tpu.barrier barrier_id(%barrier3A_23)
    %mul3A_24 = arith.constant 3200 : i32
    %mul3A_25 = arith.muli %arg1, %mul3A_24 : i32
    %mul3A_26 = arith.constant 51200 : i32
    %mul3A_27 = arith.muli %arg0, %mul3A_26 : i32
    %mul3A_28 = arith.constant 3200 : i32
    %mul3A_29 = arith.muli %arg1, %mul3A_28 : i32
    %add3A_30 = arith.addi %mul3A_27, %mul3A_29 : i32
    "tpu.region"() ({
      %run_scoped3A = tpu.sem_alloc : memref<!tpu.dma_semaphore, #tpu.memory_space<semaphore_mem>>
      %dma_start3A = tpu.memref_slice %arg3[%add3A_30] : memref<102400xf32, #tpu.memory_space<hbm>> -> memref<3200xf32, #tpu.memory_space<hbm>>
      %dma_start3A_31 = tpu.memref_slice %arg7[%mul3A_25] : memref<51200xf32, #tpu.memory_space<vmem_shared>> -> memref<3200xf32, #tpu.memory_space<vmem_shared>>
      tpu.enqueue_dma source(%dma_start3A_31 : memref<3200xf32, #tpu.memory_space<vmem_shared>>) target(%dma_start3A : memref<3200xf32, #tpu.memory_space<hbm>>) target_semaphore(%run_scoped3A : memref<!tpu.dma_semaphore, #tpu.memory_space<semaphore_mem>>)
      %dma_wait3A = tpu.memref_slice %arg3[%add3A_30] : memref<102400xf32, #tpu.memory_space<hbm>> -> memref<3200xf32, #tpu.memory_space<hbm>>
      %dma_wait3A_32 = tpu.memref_slice %arg7[%mul3A_25] : memref<51200xf32, #tpu.memory_space<vmem_shared>> -> memref<3200xf32, #tpu.memory_space<vmem_shared>>
      tpu.wait_dma2 semaphore(%run_scoped3A : memref<!tpu.dma_semaphore, #tpu.memory_space<semaphore_mem>>) src(%dma_wait3A_32 : memref<3200xf32, #tpu.memory_space<vmem_shared>>) dst(%dma_wait3A : memref<3200xf32, #tpu.memory_space<hbm>>)
      tpu.yield
    }) : () -> ()
    return
  }
}

module attributes {stable_mosaic.version = 14 : i64} {
  func.func @_prep_body(%arg0: i32, %arg1: memref<2000x2xf32, #tpu.memory_space<vmem>>, %arg2: memref<2000x24xf32, #tpu.memory_space<vmem>>, %arg3: memref<2000x16xf32, #tpu.memory_space<vmem>>, %arg4: memref<2000x1xf32, #tpu.memory_space<vmem>>) attributes {dimension_semantics = [#tpu.dimension_semantics<arbitrary>], iteration_bounds = array<i64: 50>, scalar_prefetch = 0 : i64, scratch_operands = 0 : i64, tpu.core_type = #tpu.core_type<tc>, window_params = [{transform_indices = @transform_0, window_bounds = array<i64: 2000, 2>}, {transform_indices = @transform_1, window_bounds = array<i64: 2000, 24>}, {transform_indices = @transform_2, window_bounds = array<i64: 2000, 16>}, {transform_indices = @transform_3, window_bounds = array<i64: 2000, 1>}]} {
    %jit3A = arith.constant 25 : i32
    %div3A = arith.divsi %arg0, %jit3A : i32
    %sign3A = arith.constant 0 : i32
    %sign3A_0 = arith.cmpi sgt, %arg0, %sign3A : i32
    %sign3A_1 = arith.extui %sign3A_0 : i1 to i32
    %sign3A_2 = arith.constant 0 : i32
    %sign3A_3 = arith.cmpi slt, %arg0, %sign3A_2 : i32
    %sign3A_4 = arith.extui %sign3A_3 : i1 to i32
    %sign3A_5 = arith.subi %sign3A_1, %sign3A_4 : i32
    %sign3A_6 = arith.constant 0 : i32
    %sign3A_7 = arith.cmpi sgt, %jit3A, %sign3A_6 : i32
    %sign3A_8 = arith.extui %sign3A_7 : i1 to i32
    %sign3A_9 = arith.constant 0 : i32
    %sign3A_10 = arith.cmpi slt, %jit3A, %sign3A_9 : i32
    %sign3A_11 = arith.extui %sign3A_10 : i1 to i32
    %sign3A_12 = arith.subi %sign3A_8, %sign3A_11 : i32
    %ne3A = arith.cmpi ne, %sign3A_5, %sign3A_12 : i32
    %rem3A = arith.remsi %arg0, %jit3A : i32
    %ne3A_13 = arith.constant 0 : i32
    %ne3A_14 = arith.cmpi ne, %rem3A, %ne3A_13 : i32
    %and3A = arith.andi %ne3A, %ne3A_14 : i1
    %sub3A = arith.constant 1 : i32
    %sub3A_15 = arith.subi %div3A, %sub3A : i32
    %select_n3A = arith.select %and3A, %sub3A_15, %div3A : i32
    %get3A = arith.constant 0 : index
    %get3A_16 = arith.constant 0 : index
    %get3A_17 = vector.load %arg1[%get3A, %get3A_16] : memref<2000x2xf32, #tpu.memory_space<vmem>>, vector<2000x1xf32>
    %get3A_18 = arith.constant 0 : index
    %get3A_19 = arith.constant 1 : index
    %get3A_20 = vector.load %arg1[%get3A_18, %get3A_19] : memref<2000x2xf32, #tpu.memory_space<vmem>>, vector<2000x1xf32>
    %add3A = arith.addf %get3A_17, %get3A_20 : vector<2000x1xf32>
    %add3A_21 = arith.constant 1.000000e+00 : f32
    %add3A_22 = vector.broadcast %add3A_21 : f32 to vector<2000x1xf32>
    %add3A_23 = arith.addf %add3A, %add3A_22 : vector<2000x1xf32>
    %sqrt3A = math.sqrt %add3A_23 : vector<2000x1xf32>
    %div3A_24 = arith.constant 1.000000e+00 : f32
    %div3A_25 = vector.broadcast %div3A_24 : f32 to vector<2000x1xf32>
    %div3A_26 = arith.divf %div3A_25, %sqrt3A : vector<2000x1xf32>
    %swap3A = arith.constant 0 : index
    %swap3A_27 = arith.constant 0 : index
    %swap3A_28 = vector.load %arg4[%swap3A, %swap3A_27] : memref<2000x1xf32, #tpu.memory_space<vmem>>, vector<2000x1xf32>
    tpu.vector_store %arg4[%swap3A, %swap3A_27], %div3A_26 {strides = array<i32>} : memref<2000x1xf32, #tpu.memory_space<vmem>>, vector<2000x1xf32>,
    %get3A_29 = arith.constant 0 : index
    %get3A_30 = arith.constant 0 : index
    %get3A_31 = vector.load %arg2[%get3A_29, %get3A_30] : memref<2000x24xf32, #tpu.memory_space<vmem>>, vector<2000x16xf32>
    %get3A_32 = arith.constant 0 : index
    %get3A_33 = arith.constant 16 : index
    %get3A_34 = vector.load %arg2[%get3A_32, %get3A_33] : memref<2000x24xf32, #tpu.memory_space<vmem>>, vector<2000x8xf32>
    %broadcast_in_dim3A = arith.constant 0.000000e+00 : f32
    %broadcast_in_dim3A_35 = vector.broadcast %broadcast_in_dim3A : f32 to vector<2000x8xf32>
    %concatenate3A = tpu.concatenate %get3A_34, %broadcast_in_dim3A_35 in 1 : vector<2000x8xf32>, vector<2000x8xf32> -> vector<2000x16xf32>
    %eq3A = arith.constant 0 : i32
    %eq3A_36 = arith.cmpi eq, %select_n3A, %eq3A : i32
    %select_n3A_37 = arith.select %eq3A_36, %get3A_31, %concatenate3A : vector<2000x16xf32>
    %mul3A = vector.broadcast %div3A_26 : vector<2000x1xf32> to vector<2000x16xf32>
    %mul3A_38 = arith.mulf %select_n3A_37, %mul3A : vector<2000x16xf32>
    %swap3A_39 = arith.constant 0 : index
    %swap3A_40 = arith.constant 0 : index
    %swap3A_41 = vector.load %arg3[%swap3A_39, %swap3A_40] : memref<2000x16xf32, #tpu.memory_space<vmem>>, vector<2000x16xf32>
    tpu.vector_store %arg3[%swap3A_39, %swap3A_40], %mul3A_38 {strides = array<i32>} : memref<2000x16xf32, #tpu.memory_space<vmem>>, vector<2000x16xf32>,
    return
  }
  func.func @transform_0(%arg0: i32) -> (i32, i32) {
    %jit3A = arith.constant 25 : i32
    %eq3A = arith.constant 0 : i32
    %eq3A_0 = arith.cmpi eq, %jit3A, %eq3A : i32
    %jit3A_1 = arith.constant 1 : i32
    %select_n3A = arith.select %eq3A_0, %jit3A_1, %jit3A : i32
    %rem3A = arith.remsi %arg0, %select_n3A : i32
    %ne3A = arith.constant 0 : i32
    %ne3A_2 = arith.cmpi ne, %rem3A, %ne3A : i32
    %lt3A = arith.constant 0 : i32
    %lt3A_3 = arith.cmpi slt, %rem3A, %lt3A : i32
    %lt3A_4 = arith.constant 0 : i32
    %lt3A_5 = arith.cmpi slt, %select_n3A, %lt3A_4 : i32
    %ne3A_6 = arith.xori %lt3A_3, %lt3A_5 : i1
    %and3A = arith.andi %ne3A_6, %ne3A_2 : i1
    %add3A = arith.addi %rem3A, %select_n3A : i32
    %select_n3A_7 = arith.select %and3A, %add3A, %rem3A : i32
    %c0_i32 = arith.constant 0 : i32
    %c0_i32_8 = arith.constant 0 : i32
    return %select_n3A_7, %c0_i32 : i32, i32
  }
  func.func @transform_1(%arg0: i32) -> (i32, i32) {
    %jit3A = arith.constant 25 : i32
    %eq3A = arith.constant 0 : i32
    %eq3A_0 = arith.cmpi eq, %jit3A, %eq3A : i32
    %jit3A_1 = arith.constant 1 : i32
    %select_n3A = arith.select %eq3A_0, %jit3A_1, %jit3A : i32
    %rem3A = arith.remsi %arg0, %select_n3A : i32
    %ne3A = arith.constant 0 : i32
    %ne3A_2 = arith.cmpi ne, %rem3A, %ne3A : i32
    %lt3A = arith.constant 0 : i32
    %lt3A_3 = arith.cmpi slt, %rem3A, %lt3A : i32
    %lt3A_4 = arith.constant 0 : i32
    %lt3A_5 = arith.cmpi slt, %select_n3A, %lt3A_4 : i32
    %ne3A_6 = arith.xori %lt3A_3, %lt3A_5 : i1
    %and3A = arith.andi %ne3A_6, %ne3A_2 : i1
    %add3A = arith.addi %rem3A, %select_n3A : i32
    %select_n3A_7 = arith.select %and3A, %add3A, %rem3A : i32
    %c0_i32 = arith.constant 0 : i32
    %c0_i32_8 = arith.constant 0 : i32
    return %select_n3A_7, %c0_i32 : i32, i32
  }
  func.func @transform_2(%arg0: i32) -> (i32, i32) {
    %c0_i32 = arith.constant 0 : i32
    %c0_i32_0 = arith.constant 0 : i32
    return %arg0, %c0_i32 : i32, i32
  }
  func.func @transform_3(%arg0: i32) -> (i32, i32) {
    %jit3A = arith.constant 25 : i32
    %eq3A = arith.constant 0 : i32
    %eq3A_0 = arith.cmpi eq, %jit3A, %eq3A : i32
    %jit3A_1 = arith.constant 1 : i32
    %select_n3A = arith.select %eq3A_0, %jit3A_1, %jit3A : i32
    %rem3A = arith.remsi %arg0, %select_n3A : i32
    %ne3A = arith.constant 0 : i32
    %ne3A_2 = arith.cmpi ne, %rem3A, %ne3A : i32
    %lt3A = arith.constant 0 : i32
    %lt3A_3 = arith.cmpi slt, %rem3A, %lt3A : i32
    %lt3A_4 = arith.constant 0 : i32
    %lt3A_5 = arith.cmpi slt, %select_n3A, %lt3A_4 : i32
    %ne3A_6 = arith.xori %lt3A_3, %lt3A_5 : i1
    %and3A = arith.andi %ne3A_6, %ne3A_2 : i1
    %add3A = arith.addi %rem3A, %select_n3A : i32
    %select_n3A_7 = arith.select %and3A, %add3A, %rem3A : i32
    %c0_i32 = arith.constant 0 : i32
    %c0_i32_8 = arith.constant 0 : i32
    return %select_n3A_7, %c0_i32 : i32, i32
  }
}

module attributes {stable_mosaic.version = 14 : i64} {
  func.func @_gate_body(%arg0: i32, %arg1: memref<2000x16xf32, #tpu.memory_space<vmem>>, %arg2: memref<2000x16xf32, #tpu.memory_space<vmem>>, %arg3: memref<2000x16xf32, #tpu.memory_space<vmem>>, %arg4: memref<2000x16xf32, #tpu.memory_space<vmem>>, %arg5: memref<2000x1xf32, #tpu.memory_space<vmem>>, %arg6: memref<8x32xf32, #tpu.memory_space<vmem>>, %arg7: memref<32x12xf32, #tpu.memory_space<vmem>>, %arg8: memref<1x12xf32, #tpu.memory_space<vmem>>, %arg9: memref<2000x12xf32, #tpu.memory_space<vmem>>) attributes {dimension_semantics = [#tpu.dimension_semantics<arbitrary>], iteration_bounds = array<i64: 25>, scalar_prefetch = 0 : i64, scratch_operands = 0 : i64, tpu.core_type = #tpu.core_type<tc>, window_params = [{transform_indices = @transform_0, window_bounds = array<i64: 2000, 16>}, {transform_indices = @transform_1, window_bounds = array<i64: 2000, 16>}, {transform_indices = @transform_2, window_bounds = array<i64: 2000, 16>}, {transform_indices = @transform_3, window_bounds = array<i64: 2000, 16>}, {transform_indices = @transform_4, window_bounds = array<i64: 2000, 1>}, {pipeline_mode = #tpu.pipeline_mode<synchronous>, transform_indices = @transform_5, window_bounds = array<i64: 8, 32>}, {pipeline_mode = #tpu.pipeline_mode<synchronous>, transform_indices = @transform_6, window_bounds = array<i64: 32, 12>}, {pipeline_mode = #tpu.pipeline_mode<synchronous>, transform_indices = @transform_7, window_bounds = array<i64: 1, 12>}, {transform_indices = @transform_8, window_bounds = array<i64: 2000, 12>}]} {
    %get3A = arith.constant 0 : index
    %get3A_0 = arith.constant 0 : index
    %get3A_1 = vector.load %arg5[%get3A, %get3A_0] : memref<2000x1xf32, #tpu.memory_space<vmem>>, vector<2000x1xf32>
    %get3A_2 = arith.constant 0 : index
    %get3A_3 = arith.constant 0 : index
    %get3A_4 = vector.load %arg1[%get3A_2, %get3A_3] : memref<2000x16xf32, #tpu.memory_space<vmem>>, vector<2000x16xf32>
    %get3A_5 = arith.constant 0 : index
    %get3A_6 = arith.constant 0 : index
    %get3A_7 = vector.load %arg3[%get3A_5, %get3A_6] : memref<2000x16xf32, #tpu.memory_space<vmem>>, vector<2000x16xf32>
    %add3A = arith.addf %get3A_4, %get3A_7 : vector<2000x16xf32>
    %mul3A = vector.broadcast %get3A_1 : vector<2000x1xf32> to vector<2000x16xf32>
    %mul3A_8 = arith.mulf %add3A, %mul3A : vector<2000x16xf32>
    %get3A_9 = arith.constant 0 : index
    %get3A_10 = arith.constant 0 : index
    %get3A_11 = vector.load %arg2[%get3A_9, %get3A_10] : memref<2000x16xf32, #tpu.memory_space<vmem>>, vector<2000x16xf32>
    %get3A_12 = arith.constant 0 : index
    %get3A_13 = arith.constant 0 : index
    %get3A_14 = vector.load %arg4[%get3A_12, %get3A_13] : memref<2000x16xf32, #tpu.memory_space<vmem>>, vector<2000x16xf32>
    %add3A_15 = arith.addf %get3A_11, %get3A_14 : vector<2000x16xf32>
    %mul3A_16 = vector.broadcast %get3A_1 : vector<2000x1xf32> to vector<2000x16xf32>
    %mul3A_17 = arith.mulf %add3A_15, %mul3A_16 : vector<2000x16xf32>
    %concatenate3A = tpu.concatenate %mul3A_8, %mul3A_17 in 1 : vector<2000x16xf32>, vector<2000x16xf32> -> vector<2000x32xf32>
    %broadcast_in_dim3A = arith.constant 0.000000e+00 : f32
    %broadcast_in_dim3A_18 = vector.broadcast %broadcast_in_dim3A : f32 to vector<2000x32xf32>
    %slice3A = vector.extract_strided_slice %concatenate3A {offsets = [0, 0], sizes = [2000, 1], strides = [1, 1]} : vector<2000x32xf32> to vector<2000x1xf32>
    %slice3A_19 = vector.extract_strided_slice %concatenate3A {offsets = [0, 12], sizes = [2000, 1], strides = [1, 1]} : vector<2000x32xf32> to vector<2000x1xf32>
    %get3A_20 = arith.constant 0 : index
    %get3A_21 = arith.constant 0 : index
    %get3A_22 = vector.load %arg6[%get3A_20, %get3A_21] : memref<8x32xf32, #tpu.memory_space<vmem>>, vector<1x32xf32>
    %mul3A_23 = vector.broadcast %slice3A : vector<2000x1xf32> to vector<2000x32xf32>
    %mul3A_24 = vector.broadcast %get3A_22 : vector<1x32xf32> to vector<2000x32xf32>
    %mul3A_25 = arith.mulf %mul3A_23, %mul3A_24 : vector<2000x32xf32>
    %get3A_26 = arith.constant 1 : index
    %get3A_27 = arith.constant 0 : index
    %get3A_28 = vector.load %arg6[%get3A_26, %get3A_27] : memref<8x32xf32, #tpu.memory_space<vmem>>, vector<1x32xf32>
    %mul3A_29 = vector.broadcast %slice3A_19 : vector<2000x1xf32> to vector<2000x32xf32>
    %mul3A_30 = vector.broadcast %get3A_28 : vector<1x32xf32> to vector<2000x32xf32>
    %mul3A_31 = arith.mulf %mul3A_29, %mul3A_30 : vector<2000x32xf32>
    %add3A_32 = arith.addf %mul3A_25, %mul3A_31 : vector<2000x32xf32>
    %get3A_33 = arith.constant 2 : index
    %get3A_34 = arith.constant 0 : index
    %get3A_35 = vector.load %arg6[%get3A_33, %get3A_34] : memref<8x32xf32, #tpu.memory_space<vmem>>, vector<1x32xf32>
    %add3A_36 = vector.broadcast %get3A_35 : vector<1x32xf32> to vector<2000x32xf32>
    %add3A_37 = arith.addf %add3A_32, %add3A_36 : vector<2000x32xf32>
    %get3A_38 = arith.constant 3 : index
    %get3A_39 = arith.constant 0 : index
    %get3A_40 = vector.load %arg6[%get3A_38, %get3A_39] : memref<8x32xf32, #tpu.memory_space<vmem>>, vector<1x32xf32>
    %mul3A_41 = vector.broadcast %slice3A : vector<2000x1xf32> to vector<2000x32xf32>
    %mul3A_42 = vector.broadcast %get3A_40 : vector<1x32xf32> to vector<2000x32xf32>
    %mul3A_43 = arith.mulf %mul3A_41, %mul3A_42 : vector<2000x32xf32>
    %get3A_44 = arith.constant 4 : index
    %get3A_45 = arith.constant 0 : index
    %get3A_46 = vector.load %arg6[%get3A_44, %get3A_45] : memref<8x32xf32, #tpu.memory_space<vmem>>, vector<1x32xf32>
    %mul3A_47 = vector.broadcast %slice3A_19 : vector<2000x1xf32> to vector<2000x32xf32>
    %mul3A_48 = vector.broadcast %get3A_46 : vector<1x32xf32> to vector<2000x32xf32>
    %mul3A_49 = arith.mulf %mul3A_47, %mul3A_48 : vector<2000x32xf32>
    %add3A_50 = arith.addf %mul3A_43, %mul3A_49 : vector<2000x32xf32>
    %get3A_51 = arith.constant 5 : index
    %get3A_52 = arith.constant 0 : index
    %get3A_53 = vector.load %arg6[%get3A_51, %get3A_52] : memref<8x32xf32, #tpu.memory_space<vmem>>, vector<1x32xf32>
    %add3A_54 = vector.broadcast %get3A_53 : vector<1x32xf32> to vector<2000x32xf32>
    %add3A_55 = arith.addf %add3A_50, %add3A_54 : vector<2000x32xf32>
    %logistic3A = arith.negf %add3A_37 : vector<2000x32xf32>
    %logistic3A_56 = math.exp %logistic3A : vector<2000x32xf32>
    %logistic3A_57 = arith.constant 1.000000e+00 : f32
    %logistic3A_58 = vector.broadcast %logistic3A_57 : f32 to vector<2000x32xf32>
    %logistic3A_59 = arith.addf %logistic3A_58, %logistic3A_56 : vector<2000x32xf32>
    %logistic3A_60 = arith.divf %logistic3A_58, %logistic3A_59 : vector<2000x32xf32>
    %tanh3A = math.tanh %add3A_55 : vector<2000x32xf32>
    %get3A_61 = arith.constant 6 : index
    %get3A_62 = arith.constant 0 : index
    %get3A_63 = vector.load %arg6[%get3A_61, %get3A_62] : memref<8x32xf32, #tpu.memory_space<vmem>>, vector<1x1xf32>
    %sub3A = arith.constant 1.000000e+00 : f32
    %sub3A_64 = vector.broadcast %sub3A : f32 to vector<2000x32xf32>
    %sub3A_65 = arith.subf %sub3A_64, %logistic3A_60 : vector<2000x32xf32>
    %mul3A_66 = vector.broadcast %get3A_63 : vector<1x1xf32> to vector<2000x32xf32>
    %mul3A_67 = arith.mulf %mul3A_66, %sub3A_65 : vector<2000x32xf32>
    %mul3A_68 = arith.mulf %mul3A_67, %tanh3A : vector<2000x32xf32>
    %add3A_69 = arith.addf %broadcast_in_dim3A_18, %mul3A_68 : vector<2000x32xf32>
    %slice3A_70 = vector.extract_strided_slice %concatenate3A {offsets = [0, 1], sizes = [2000, 1], strides = [1, 1]} : vector<2000x32xf32> to vector<2000x1xf32>
    %slice3A_71 = vector.extract_strided_slice %concatenate3A {offsets = [0, 13], sizes = [2000, 1], strides = [1, 1]} : vector<2000x32xf32> to vector<2000x1xf32>
    %get3A_72 = arith.constant 0 : index
    %get3A_73 = arith.constant 0 : index
    %get3A_74 = vector.load %arg6[%get3A_72, %get3A_73] : memref<8x32xf32, #tpu.memory_space<vmem>>, vector<1x32xf32>
    %mul3A_75 = vector.broadcast %slice3A_70 : vector<2000x1xf32> to vector<2000x32xf32>
    %mul3A_76 = vector.broadcast %get3A_74 : vector<1x32xf32> to vector<2000x32xf32>
    %mul3A_77 = arith.mulf %mul3A_75, %mul3A_76 : vector<2000x32xf32>
    %get3A_78 = arith.constant 1 : index
    %get3A_79 = arith.constant 0 : index
    %get3A_80 = vector.load %arg6[%get3A_78, %get3A_79] : memref<8x32xf32, #tpu.memory_space<vmem>>, vector<1x32xf32>
    %mul3A_81 = vector.broadcast %slice3A_71 : vector<2000x1xf32> to vector<2000x32xf32>
    %mul3A_82 = vector.broadcast %get3A_80 : vector<1x32xf32> to vector<2000x32xf32>
    %mul3A_83 = arith.mulf %mul3A_81, %mul3A_82 : vector<2000x32xf32>
    %add3A_84 = arith.addf %mul3A_77, %mul3A_83 : vector<2000x32xf32>
    %get3A_85 = arith.constant 2 : index
    %get3A_86 = arith.constant 0 : index
    %get3A_87 = vector.load %arg6[%get3A_85, %get3A_86] : memref<8x32xf32, #tpu.memory_space<vmem>>, vector<1x32xf32>
    %add3A_88 = vector.broadcast %get3A_87 : vector<1x32xf32> to vector<2000x32xf32>
    %add3A_89 = arith.addf %add3A_84, %add3A_88 : vector<2000x32xf32>
    %get3A_90 = arith.constant 3 : index
    %get3A_91 = arith.constant 0 : index
    %get3A_92 = vector.load %arg6[%get3A_90, %get3A_91] : memref<8x32xf32, #tpu.memory_space<vmem>>, vector<1x32xf32>
    %mul3A_93 = vector.broadcast %slice3A_70 : vector<2000x1xf32> to vector<2000x32xf32>
    %mul3A_94 = vector.broadcast %get3A_92 : vector<1x32xf32> to vector<2000x32xf32>
    %mul3A_95 = arith.mulf %mul3A_93, %mul3A_94 : vector<2000x32xf32>
    %get3A_96 = arith.constant 4 : index
    %get3A_97 = arith.constant 0 : index
    %get3A_98 = vector.load %arg6[%get3A_96, %get3A_97] : memref<8x32xf32, #tpu.memory_space<vmem>>, vector<1x32xf32>
    %mul3A_99 = vector.broadcast %slice3A_71 : vector<2000x1xf32> to vector<2000x32xf32>
    %mul3A_100 = vector.broadcast %get3A_98 : vector<1x32xf32> to vector<2000x32xf32>
    %mul3A_101 = arith.mulf %mul3A_99, %mul3A_100 : vector<2000x32xf32>
    %add3A_102 = arith.addf %mul3A_95, %mul3A_101 : vector<2000x32xf32>
    %get3A_103 = arith.constant 5 : index
    %get3A_104 = arith.constant 0 : index
    %get3A_105 = vector.load %arg6[%get3A_103, %get3A_104] : memref<8x32xf32, #tpu.memory_space<vmem>>, vector<1x32xf32>
    %add3A_106 = vector.broadcast %get3A_105 : vector<1x32xf32> to vector<2000x32xf32>
    %add3A_107 = arith.addf %add3A_102, %add3A_106 : vector<2000x32xf32>
    %logistic3A_108 = arith.negf %add3A_89 : vector<2000x32xf32>
    %logistic3A_109 = math.exp %logistic3A_108 : vector<2000x32xf32>
    %logistic3A_110 = arith.constant 1.000000e+00 : f32
    %logistic3A_111 = vector.broadcast %logistic3A_110 : f32 to vector<2000x32xf32>
    %logistic3A_112 = arith.addf %logistic3A_111, %logistic3A_109 : vector<2000x32xf32>
    %logistic3A_113 = arith.divf %logistic3A_111, %logistic3A_112 : vector<2000x32xf32>
    %tanh3A_114 = math.tanh %add3A_107 : vector<2000x32xf32>
    %get3A_115 = arith.constant 6 : index
    %get3A_116 = arith.constant 1 : index
    %get3A_117 = vector.load %arg6[%get3A_115, %get3A_116] : memref<8x32xf32, #tpu.memory_space<vmem>>, vector<1x1xf32>
    %sub3A_118 = arith.constant 1.000000e+00 : f32
    %sub3A_119 = vector.broadcast %sub3A_118 : f32 to vector<2000x32xf32>
    %sub3A_120 = arith.subf %sub3A_119, %logistic3A_113 : vector<2000x32xf32>
    %mul3A_121 = vector.broadcast %get3A_117 : vector<1x1xf32> to vector<2000x32xf32>
    %mul3A_122 = arith.mulf %mul3A_121, %sub3A_120 : vector<2000x32xf32>
    %mul3A_123 = arith.mulf %mul3A_122, %tanh3A_114 : vector<2000x32xf32>
    %add3A_124 = arith.addf %add3A_69, %mul3A_123 : vector<2000x32xf32>
    %slice3A_125 = vector.extract_strided_slice %concatenate3A {offsets = [0, 2], sizes = [2000, 1], strides = [1, 1]} : vector<2000x32xf32> to vector<2000x1xf32>
    %slice3A_126 = vector.extract_strided_slice %concatenate3A {offsets = [0, 14], sizes = [2000, 1], strides = [1, 1]} : vector<2000x32xf32> to vector<2000x1xf32>
    %get3A_127 = arith.constant 0 : index
    %get3A_128 = arith.constant 0 : index
    %get3A_129 = vector.load %arg6[%get3A_127, %get3A_128] : memref<8x32xf32, #tpu.memory_space<vmem>>, vector<1x32xf32>
    %mul3A_130 = vector.broadcast %slice3A_125 : vector<2000x1xf32> to vector<2000x32xf32>
    %mul3A_131 = vector.broadcast %get3A_129 : vector<1x32xf32> to vector<2000x32xf32>
    %mul3A_132 = arith.mulf %mul3A_130, %mul3A_131 : vector<2000x32xf32>
    %get3A_133 = arith.constant 1 : index
    %get3A_134 = arith.constant 0 : index
    %get3A_135 = vector.load %arg6[%get3A_133, %get3A_134] : memref<8x32xf32, #tpu.memory_space<vmem>>, vector<1x32xf32>
    %mul3A_136 = vector.broadcast %slice3A_126 : vector<2000x1xf32> to vector<2000x32xf32>
    %mul3A_137 = vector.broadcast %get3A_135 : vector<1x32xf32> to vector<2000x32xf32>
    %mul3A_138 = arith.mulf %mul3A_136, %mul3A_137 : vector<2000x32xf32>
    %add3A_139 = arith.addf %mul3A_132, %mul3A_138 : vector<2000x32xf32>
    %get3A_140 = arith.constant 2 : index
    %get3A_141 = arith.constant 0 : index
    %get3A_142 = vector.load %arg6[%get3A_140, %get3A_141] : memref<8x32xf32, #tpu.memory_space<vmem>>, vector<1x32xf32>
    %add3A_143 = vector.broadcast %get3A_142 : vector<1x32xf32> to vector<2000x32xf32>
    %add3A_144 = arith.addf %add3A_139, %add3A_143 : vector<2000x32xf32>
    %get3A_145 = arith.constant 3 : index
    %get3A_146 = arith.constant 0 : index
    %get3A_147 = vector.load %arg6[%get3A_145, %get3A_146] : memref<8x32xf32, #tpu.memory_space<vmem>>, vector<1x32xf32>
    %mul3A_148 = vector.broadcast %slice3A_125 : vector<2000x1xf32> to vector<2000x32xf32>
    %mul3A_149 = vector.broadcast %get3A_147 : vector<1x32xf32> to vector<2000x32xf32>
    %mul3A_150 = arith.mulf %mul3A_148, %mul3A_149 : vector<2000x32xf32>
    %get3A_151 = arith.constant 4 : index
    %get3A_152 = arith.constant 0 : index
    %get3A_153 = vector.load %arg6[%get3A_151, %get3A_152] : memref<8x32xf32, #tpu.memory_space<vmem>>, vector<1x32xf32>
    %mul3A_154 = vector.broadcast %slice3A_126 : vector<2000x1xf32> to vector<2000x32xf32>
    %mul3A_155 = vector.broadcast %get3A_153 : vector<1x32xf32> to vector<2000x32xf32>
    %mul3A_156 = arith.mulf %mul3A_154, %mul3A_155 : vector<2000x32xf32>
    %add3A_157 = arith.addf %mul3A_150, %mul3A_156 : vector<2000x32xf32>
    %get3A_158 = arith.constant 5 : index
    %get3A_159 = arith.constant 0 : index
    %get3A_160 = vector.load %arg6[%get3A_158, %get3A_159] : memref<8x32xf32, #tpu.memory_space<vmem>>, vector<1x32xf32>
    %add3A_161 = vector.broadcast %get3A_160 : vector<1x32xf32> to vector<2000x32xf32>
    %add3A_162 = arith.addf %add3A_157, %add3A_161 : vector<2000x32xf32>
    %logistic3A_163 = arith.negf %add3A_144 : vector<2000x32xf32>
    %logistic3A_164 = math.exp %logistic3A_163 : vector<2000x32xf32>
    %logistic3A_165 = arith.constant 1.000000e+00 : f32
    %logistic3A_166 = vector.broadcast %logistic3A_165 : f32 to vector<2000x32xf32>
    %logistic3A_167 = arith.addf %logistic3A_166, %logistic3A_164 : vector<2000x32xf32>
    %logistic3A_168 = arith.divf %logistic3A_166, %logistic3A_167 : vector<2000x32xf32>
    %tanh3A_169 = math.tanh %add3A_162 : vector<2000x32xf32>
    %get3A_170 = arith.constant 6 : index
    %get3A_171 = arith.constant 2 : index
    %get3A_172 = vector.load %arg6[%get3A_170, %get3A_171] : memref<8x32xf32, #tpu.memory_space<vmem>>, vector<1x1xf32>
    %sub3A_173 = arith.constant 1.000000e+00 : f32
    %sub3A_174 = vector.broadcast %sub3A_173 : f32 to vector<2000x32xf32>
    %sub3A_175 = arith.subf %sub3A_174, %logistic3A_168 : vector<2000x32xf32>
    %mul3A_176 = vector.broadcast %get3A_172 : vector<1x1xf32> to vector<2000x32xf32>
    %mul3A_177 = arith.mulf %mul3A_176, %sub3A_175 : vector<2000x32xf32>
    %mul3A_178 = arith.mulf %mul3A_177, %tanh3A_169 : vector<2000x32xf32>
    %add3A_179 = arith.addf %add3A_124, %mul3A_178 : vector<2000x32xf32>
    %slice3A_180 = vector.extract_strided_slice %concatenate3A {offsets = [0, 3], sizes = [2000, 1], strides = [1, 1]} : vector<2000x32xf32> to vector<2000x1xf32>
    %slice3A_181 = vector.extract_strided_slice %concatenate3A {offsets = [0, 15], sizes = [2000, 1], strides = [1, 1]} : vector<2000x32xf32> to vector<2000x1xf32>
    %get3A_182 = arith.constant 0 : index
    %get3A_183 = arith.constant 0 : index
    %get3A_184 = vector.load %arg6[%get3A_182, %get3A_183] : memref<8x32xf32, #tpu.memory_space<vmem>>, vector<1x32xf32>
    %mul3A_185 = vector.broadcast %slice3A_180 : vector<2000x1xf32> to vector<2000x32xf32>
    %mul3A_186 = vector.broadcast %get3A_184 : vector<1x32xf32> to vector<2000x32xf32>
    %mul3A_187 = arith.mulf %mul3A_185, %mul3A_186 : vector<2000x32xf32>
    %get3A_188 = arith.constant 1 : index
    %get3A_189 = arith.constant 0 : index
    %get3A_190 = vector.load %arg6[%get3A_188, %get3A_189] : memref<8x32xf32, #tpu.memory_space<vmem>>, vector<1x32xf32>
    %mul3A_191 = vector.broadcast %slice3A_181 : vector<2000x1xf32> to vector<2000x32xf32>
    %mul3A_192 = vector.broadcast %get3A_190 : vector<1x32xf32> to vector<2000x32xf32>
    %mul3A_193 = arith.mulf %mul3A_191, %mul3A_192 : vector<2000x32xf32>
    %add3A_194 = arith.addf %mul3A_187, %mul3A_193 : vector<2000x32xf32>
    %get3A_195 = arith.constant 2 : index
    %get3A_196 = arith.constant 0 : index
    %get3A_197 = vector.load %arg6[%get3A_195, %get3A_196] : memref<8x32xf32, #tpu.memory_space<vmem>>, vector<1x32xf32>
    %add3A_198 = vector.broadcast %get3A_197 : vector<1x32xf32> to vector<2000x32xf32>
    %add3A_199 = arith.addf %add3A_194, %add3A_198 : vector<2000x32xf32>
    %get3A_200 = arith.constant 3 : index
    %get3A_201 = arith.constant 0 : index
    %get3A_202 = vector.load %arg6[%get3A_200, %get3A_201] : memref<8x32xf32, #tpu.memory_space<vmem>>, vector<1x32xf32>
    %mul3A_203 = vector.broadcast %slice3A_180 : vector<2000x1xf32> to vector<2000x32xf32>
    %mul3A_204 = vector.broadcast %get3A_202 : vector<1x32xf32> to vector<2000x32xf32>
    %mul3A_205 = arith.mulf %mul3A_203, %mul3A_204 : vector<2000x32xf32>
    %get3A_206 = arith.constant 4 : index
    %get3A_207 = arith.constant 0 : index
    %get3A_208 = vector.load %arg6[%get3A_206, %get3A_207] : memref<8x32xf32, #tpu.memory_space<vmem>>, vector<1x32xf32>
    %mul3A_209 = vector.broadcast %slice3A_181 : vector<2000x1xf32> to vector<2000x32xf32>
    %mul3A_210 = vector.broadcast %get3A_208 : vector<1x32xf32> to vector<2000x32xf32>
    %mul3A_211 = arith.mulf %mul3A_209, %mul3A_210 : vector<2000x32xf32>
    %add3A_212 = arith.addf %mul3A_205, %mul3A_211 : vector<2000x32xf32>
    %get3A_213 = arith.constant 5 : index
    %get3A_214 = arith.constant 0 : index
    %get3A_215 = vector.load %arg6[%get3A_213, %get3A_214] : memref<8x32xf32, #tpu.memory_space<vmem>>, vector<1x32xf32>
    %add3A_216 = vector.broadcast %get3A_215 : vector<1x32xf32> to vector<2000x32xf32>
    %add3A_217 = arith.addf %add3A_212, %add3A_216 : vector<2000x32xf32>
    %logistic3A_218 = arith.negf %add3A_199 : vector<2000x32xf32>
    %logistic3A_219 = math.exp %logistic3A_218 : vector<2000x32xf32>
    %logistic3A_220 = arith.constant 1.000000e+00 : f32
    %logistic3A_221 = vector.broadcast %logistic3A_220 : f32 to vector<2000x32xf32>
    %logistic3A_222 = arith.addf %logistic3A_221, %logistic3A_219 : vector<2000x32xf32>
    %logistic3A_223 = arith.divf %logistic3A_221, %logistic3A_222 : vector<2000x32xf32>
    %tanh3A_224 = math.tanh %add3A_217 : vector<2000x32xf32>
    %get3A_225 = arith.constant 6 : index
    %get3A_226 = arith.constant 3 : index
    %get3A_227 = vector.load %arg6[%get3A_225, %get3A_226] : memref<8x32xf32, #tpu.memory_space<vmem>>, vector<1x1xf32>
    %sub3A_228 = arith.constant 1.000000e+00 : f32
    %sub3A_229 = vector.broadcast %sub3A_228 : f32 to vector<2000x32xf32>
    %sub3A_230 = arith.subf %sub3A_229, %logistic3A_223 : vector<2000x32xf32>
    %mul3A_231 = vector.broadcast %get3A_227 : vector<1x1xf32> to vector<2000x32xf32>
    %mul3A_232 = arith.mulf %mul3A_231, %sub3A_230 : vector<2000x32xf32>
    %mul3A_233 = arith.mulf %mul3A_232, %tanh3A_224 : vector<2000x32xf32>
    %add3A_234 = arith.addf %add3A_179, %mul3A_233 : vector<2000x32xf32>
    %slice3A_235 = vector.extract_strided_slice %concatenate3A {offsets = [0, 4], sizes = [2000, 1], strides = [1, 1]} : vector<2000x32xf32> to vector<2000x1xf32>
    %slice3A_236 = vector.extract_strided_slice %concatenate3A {offsets = [0, 16], sizes = [2000, 1], strides = [1, 1]} : vector<2000x32xf32> to vector<2000x1xf32>
    %get3A_237 = arith.constant 0 : index
    %get3A_238 = arith.constant 0 : index
    %get3A_239 = vector.load %arg6[%get3A_237, %get3A_238] : memref<8x32xf32, #tpu.memory_space<vmem>>, vector<1x32xf32>
    %mul3A_240 = vector.broadcast %slice3A_235 : vector<2000x1xf32> to vector<2000x32xf32>
    %mul3A_241 = vector.broadcast %get3A_239 : vector<1x32xf32> to vector<2000x32xf32>
    %mul3A_242 = arith.mulf %mul3A_240, %mul3A_241 : vector<2000x32xf32>
    %get3A_243 = arith.constant 1 : index
    %get3A_244 = arith.constant 0 : index
    %get3A_245 = vector.load %arg6[%get3A_243, %get3A_244] : memref<8x32xf32, #tpu.memory_space<vmem>>, vector<1x32xf32>
    %mul3A_246 = vector.broadcast %slice3A_236 : vector<2000x1xf32> to vector<2000x32xf32>
    %mul3A_247 = vector.broadcast %get3A_245 : vector<1x32xf32> to vector<2000x32xf32>
    %mul3A_248 = arith.mulf %mul3A_246, %mul3A_247 : vector<2000x32xf32>
    %add3A_249 = arith.addf %mul3A_242, %mul3A_248 : vector<2000x32xf32>
    %get3A_250 = arith.constant 2 : index
    %get3A_251 = arith.constant 0 : index
    %get3A_252 = vector.load %arg6[%get3A_250, %get3A_251] : memref<8x32xf32, #tpu.memory_space<vmem>>, vector<1x32xf32>
    %add3A_253 = vector.broadcast %get3A_252 : vector<1x32xf32> to vector<2000x32xf32>
    %add3A_254 = arith.addf %add3A_249, %add3A_253 : vector<2000x32xf32>
    %get3A_255 = arith.constant 3 : index
    %get3A_256 = arith.constant 0 : index
    %get3A_257 = vector.load %arg6[%get3A_255, %get3A_256] : memref<8x32xf32, #tpu.memory_space<vmem>>, vector<1x32xf32>
    %mul3A_258 = vector.broadcast %slice3A_235 : vector<2000x1xf32> to vector<2000x32xf32>
    %mul3A_259 = vector.broadcast %get3A_257 : vector<1x32xf32> to vector<2000x32xf32>
    %mul3A_260 = arith.mulf %mul3A_258, %mul3A_259 : vector<2000x32xf32>
    %get3A_261 = arith.constant 4 : index
    %get3A_262 = arith.constant 0 : index
    %get3A_263 = vector.load %arg6[%get3A_261, %get3A_262] : memref<8x32xf32, #tpu.memory_space<vmem>>, vector<1x32xf32>
    %mul3A_264 = vector.broadcast %slice3A_236 : vector<2000x1xf32> to vector<2000x32xf32>
    %mul3A_265 = vector.broadcast %get3A_263 : vector<1x32xf32> to vector<2000x32xf32>
    %mul3A_266 = arith.mulf %mul3A_264, %mul3A_265 : vector<2000x32xf32>
    %add3A_267 = arith.addf %mul3A_260, %mul3A_266 : vector<2000x32xf32>
    %get3A_268 = arith.constant 5 : index
    %get3A_269 = arith.constant 0 : index
    %get3A_270 = vector.load %arg6[%get3A_268, %get3A_269] : memref<8x32xf32, #tpu.memory_space<vmem>>, vector<1x32xf32>
    %add3A_271 = vector.broadcast %get3A_270 : vector<1x32xf32> to vector<2000x32xf32>
    %add3A_272 = arith.addf %add3A_267, %add3A_271 : vector<2000x32xf32>
    %logistic3A_273 = arith.negf %add3A_254 : vector<2000x32xf32>
    %logistic3A_274 = math.exp %logistic3A_273 : vector<2000x32xf32>
    %logistic3A_275 = arith.constant 1.000000e+00 : f32
    %logistic3A_276 = vector.broadcast %logistic3A_275 : f32 to vector<2000x32xf32>
    %logistic3A_277 = arith.addf %logistic3A_276, %logistic3A_274 : vector<2000x32xf32>
    %logistic3A_278 = arith.divf %logistic3A_276, %logistic3A_277 : vector<2000x32xf32>
    %tanh3A_279 = math.tanh %add3A_272 : vector<2000x32xf32>
    %get3A_280 = arith.constant 6 : index
    %get3A_281 = arith.constant 4 : index
    %get3A_282 = vector.load %arg6[%get3A_280, %get3A_281] : memref<8x32xf32, #tpu.memory_space<vmem>>, vector<1x1xf32>
    %sub3A_283 = arith.constant 1.000000e+00 : f32
    %sub3A_284 = vector.broadcast %sub3A_283 : f32 to vector<2000x32xf32>
    %sub3A_285 = arith.subf %sub3A_284, %logistic3A_278 : vector<2000x32xf32>
    %mul3A_286 = vector.broadcast %get3A_282 : vector<1x1xf32> to vector<2000x32xf32>
    %mul3A_287 = arith.mulf %mul3A_286, %sub3A_285 : vector<2000x32xf32>
    %mul3A_288 = arith.mulf %mul3A_287, %tanh3A_279 : vector<2000x32xf32>
    %add3A_289 = arith.addf %add3A_234, %mul3A_288 : vector<2000x32xf32>
    %slice3A_290 = vector.extract_strided_slice %concatenate3A {offsets = [0, 5], sizes = [2000, 1], strides = [1, 1]} : vector<2000x32xf32> to vector<2000x1xf32>
    %slice3A_291 = vector.extract_strided_slice %concatenate3A {offsets = [0, 17], sizes = [2000, 1], strides = [1, 1]} : vector<2000x32xf32> to vector<2000x1xf32>
    %get3A_292 = arith.constant 0 : index
    %get3A_293 = arith.constant 0 : index
    %get3A_294 = vector.load %arg6[%get3A_292, %get3A_293] : memref<8x32xf32, #tpu.memory_space<vmem>>, vector<1x32xf32>
    %mul3A_295 = vector.broadcast %slice3A_290 : vector<2000x1xf32> to vector<2000x32xf32>
    %mul3A_296 = vector.broadcast %get3A_294 : vector<1x32xf32> to vector<2000x32xf32>
    %mul3A_297 = arith.mulf %mul3A_295, %mul3A_296 : vector<2000x32xf32>
    %get3A_298 = arith.constant 1 : index
    %get3A_299 = arith.constant 0 : index
    %get3A_300 = vector.load %arg6[%get3A_298, %get3A_299] : memref<8x32xf32, #tpu.memory_space<vmem>>, vector<1x32xf32>
    %mul3A_301 = vector.broadcast %slice3A_291 : vector<2000x1xf32> to vector<2000x32xf32>
    %mul3A_302 = vector.broadcast %get3A_300 : vector<1x32xf32> to vector<2000x32xf32>
    %mul3A_303 = arith.mulf %mul3A_301, %mul3A_302 : vector<2000x32xf32>
    %add3A_304 = arith.addf %mul3A_297, %mul3A_303 : vector<2000x32xf32>
    %get3A_305 = arith.constant 2 : index
    %get3A_306 = arith.constant 0 : index
    %get3A_307 = vector.load %arg6[%get3A_305, %get3A_306] : memref<8x32xf32, #tpu.memory_space<vmem>>, vector<1x32xf32>
    %add3A_308 = vector.broadcast %get3A_307 : vector<1x32xf32> to vector<2000x32xf32>
    %add3A_309 = arith.addf %add3A_304, %add3A_308 : vector<2000x32xf32>
    %get3A_310 = arith.constant 3 : index
    %get3A_311 = arith.constant 0 : index
    %get3A_312 = vector.load %arg6[%get3A_310, %get3A_311] : memref<8x32xf32, #tpu.memory_space<vmem>>, vector<1x32xf32>
    %mul3A_313 = vector.broadcast %slice3A_290 : vector<2000x1xf32> to vector<2000x32xf32>
    %mul3A_314 = vector.broadcast %get3A_312 : vector<1x32xf32> to vector<2000x32xf32>
    %mul3A_315 = arith.mulf %mul3A_313, %mul3A_314 : vector<2000x32xf32>
    %get3A_316 = arith.constant 4 : index
    %get3A_317 = arith.constant 0 : index
    %get3A_318 = vector.load %arg6[%get3A_316, %get3A_317] : memref<8x32xf32, #tpu.memory_space<vmem>>, vector<1x32xf32>
    %mul3A_319 = vector.broadcast %slice3A_291 : vector<2000x1xf32> to vector<2000x32xf32>
    %mul3A_320 = vector.broadcast %get3A_318 : vector<1x32xf32> to vector<2000x32xf32>
    %mul3A_321 = arith.mulf %mul3A_319, %mul3A_320 : vector<2000x32xf32>
    %add3A_322 = arith.addf %mul3A_315, %mul3A_321 : vector<2000x32xf32>
    %get3A_323 = arith.constant 5 : index
    %get3A_324 = arith.constant 0 : index
    %get3A_325 = vector.load %arg6[%get3A_323, %get3A_324] : memref<8x32xf32, #tpu.memory_space<vmem>>, vector<1x32xf32>
    %add3A_326 = vector.broadcast %get3A_325 : vector<1x32xf32> to vector<2000x32xf32>
    %add3A_327 = arith.addf %add3A_322, %add3A_326 : vector<2000x32xf32>
    %logistic3A_328 = arith.negf %add3A_309 : vector<2000x32xf32>
    %logistic3A_329 = math.exp %logistic3A_328 : vector<2000x32xf32>
    %logistic3A_330 = arith.constant 1.000000e+00 : f32
    %logistic3A_331 = vector.broadcast %logistic3A_330 : f32 to vector<2000x32xf32>
    %logistic3A_332 = arith.addf %logistic3A_331, %logistic3A_329 : vector<2000x32xf32>
    %logistic3A_333 = arith.divf %logistic3A_331, %logistic3A_332 : vector<2000x32xf32>
    %tanh3A_334 = math.tanh %add3A_327 : vector<2000x32xf32>
    %get3A_335 = arith.constant 6 : index
    %get3A_336 = arith.constant 5 : index
    %get3A_337 = vector.load %arg6[%get3A_335, %get3A_336] : memref<8x32xf32, #tpu.memory_space<vmem>>, vector<1x1xf32>
    %sub3A_338 = arith.constant 1.000000e+00 : f32
    %sub3A_339 = vector.broadcast %sub3A_338 : f32 to vector<2000x32xf32>
    %sub3A_340 = arith.subf %sub3A_339, %logistic3A_333 : vector<2000x32xf32>
    %mul3A_341 = vector.broadcast %get3A_337 : vector<1x1xf32> to vector<2000x32xf32>
    %mul3A_342 = arith.mulf %mul3A_341, %sub3A_340 : vector<2000x32xf32>
    %mul3A_343 = arith.mulf %mul3A_342, %tanh3A_334 : vector<2000x32xf32>
    %add3A_344 = arith.addf %add3A_289, %mul3A_343 : vector<2000x32xf32>
    %slice3A_345 = vector.extract_strided_slice %concatenate3A {offsets = [0, 6], sizes = [2000, 1], strides = [1, 1]} : vector<2000x32xf32> to vector<2000x1xf32>
    %slice3A_346 = vector.extract_strided_slice %concatenate3A {offsets = [0, 18], sizes = [2000, 1], strides = [1, 1]} : vector<2000x32xf32> to vector<2000x1xf32>
    %get3A_347 = arith.constant 0 : index
    %get3A_348 = arith.constant 0 : index
    %get3A_349 = vector.load %arg6[%get3A_347, %get3A_348] : memref<8x32xf32, #tpu.memory_space<vmem>>, vector<1x32xf32>
    %mul3A_350 = vector.broadcast %slice3A_345 : vector<2000x1xf32> to vector<2000x32xf32>
    %mul3A_351 = vector.broadcast %get3A_349 : vector<1x32xf32> to vector<2000x32xf32>
    %mul3A_352 = arith.mulf %mul3A_350, %mul3A_351 : vector<2000x32xf32>
    %get3A_353 = arith.constant 1 : index
    %get3A_354 = arith.constant 0 : index
    %get3A_355 = vector.load %arg6[%get3A_353, %get3A_354] : memref<8x32xf32, #tpu.memory_space<vmem>>, vector<1x32xf32>
    %mul3A_356 = vector.broadcast %slice3A_346 : vector<2000x1xf32> to vector<2000x32xf32>
    %mul3A_357 = vector.broadcast %get3A_355 : vector<1x32xf32> to vector<2000x32xf32>
    %mul3A_358 = arith.mulf %mul3A_356, %mul3A_357 : vector<2000x32xf32>
    %add3A_359 = arith.addf %mul3A_352, %mul3A_358 : vector<2000x32xf32>
    %get3A_360 = arith.constant 2 : index
    %get3A_361 = arith.constant 0 : index
    %get3A_362 = vector.load %arg6[%get3A_360, %get3A_361] : memref<8x32xf32, #tpu.memory_space<vmem>>, vector<1x32xf32>
    %add3A_363 = vector.broadcast %get3A_362 : vector<1x32xf32> to vector<2000x32xf32>
    %add3A_364 = arith.addf %add3A_359, %add3A_363 : vector<2000x32xf32>
    %get3A_365 = arith.constant 3 : index
    %get3A_366 = arith.constant 0 : index
    %get3A_367 = vector.load %arg6[%get3A_365, %get3A_366] : memref<8x32xf32, #tpu.memory_space<vmem>>, vector<1x32xf32>
    %mul3A_368 = vector.broadcast %slice3A_345 : vector<2000x1xf32> to vector<2000x32xf32>
    %mul3A_369 = vector.broadcast %get3A_367 : vector<1x32xf32> to vector<2000x32xf32>
    %mul3A_370 = arith.mulf %mul3A_368, %mul3A_369 : vector<2000x32xf32>
    %get3A_371 = arith.constant 4 : index
    %get3A_372 = arith.constant 0 : index
    %get3A_373 = vector.load %arg6[%get3A_371, %get3A_372] : memref<8x32xf32, #tpu.memory_space<vmem>>, vector<1x32xf32>
    %mul3A_374 = vector.broadcast %slice3A_346 : vector<2000x1xf32> to vector<2000x32xf32>
    %mul3A_375 = vector.broadcast %get3A_373 : vector<1x32xf32> to vector<2000x32xf32>
    %mul3A_376 = arith.mulf %mul3A_374, %mul3A_375 : vector<2000x32xf32>
    %add3A_377 = arith.addf %mul3A_370, %mul3A_376 : vector<2000x32xf32>
    %get3A_378 = arith.constant 5 : index
    %get3A_379 = arith.constant 0 : index
    %get3A_380 = vector.load %arg6[%get3A_378, %get3A_379] : memref<8x32xf32, #tpu.memory_space<vmem>>, vector<1x32xf32>
    %add3A_381 = vector.broadcast %get3A_380 : vector<1x32xf32> to vector<2000x32xf32>
    %add3A_382 = arith.addf %add3A_377, %add3A_381 : vector<2000x32xf32>
    %logistic3A_383 = arith.negf %add3A_364 : vector<2000x32xf32>
    %logistic3A_384 = math.exp %logistic3A_383 : vector<2000x32xf32>
    %logistic3A_385 = arith.constant 1.000000e+00 : f32
    %logistic3A_386 = vector.broadcast %logistic3A_385 : f32 to vector<2000x32xf32>
    %logistic3A_387 = arith.addf %logistic3A_386, %logistic3A_384 : vector<2000x32xf32>
    %logistic3A_388 = arith.divf %logistic3A_386, %logistic3A_387 : vector<2000x32xf32>
    %tanh3A_389 = math.tanh %add3A_382 : vector<2000x32xf32>
    %get3A_390 = arith.constant 6 : index
    %get3A_391 = arith.constant 6 : index
    %get3A_392 = vector.load %arg6[%get3A_390, %get3A_391] : memref<8x32xf32, #tpu.memory_space<vmem>>, vector<1x1xf32>
    %sub3A_393 = arith.constant 1.000000e+00 : f32
    %sub3A_394 = vector.broadcast %sub3A_393 : f32 to vector<2000x32xf32>
    %sub3A_395 = arith.subf %sub3A_394, %logistic3A_388 : vector<2000x32xf32>
    %mul3A_396 = vector.broadcast %get3A_392 : vector<1x1xf32> to vector<2000x32xf32>
    %mul3A_397 = arith.mulf %mul3A_396, %sub3A_395 : vector<2000x32xf32>
    %mul3A_398 = arith.mulf %mul3A_397, %tanh3A_389 : vector<2000x32xf32>
    %add3A_399 = arith.addf %add3A_344, %mul3A_398 : vector<2000x32xf32>
    %slice3A_400 = vector.extract_strided_slice %concatenate3A {offsets = [0, 7], sizes = [2000, 1], strides = [1, 1]} : vector<2000x32xf32> to vector<2000x1xf32>
    %slice3A_401 = vector.extract_strided_slice %concatenate3A {offsets = [0, 19], sizes = [2000, 1], strides = [1, 1]} : vector<2000x32xf32> to vector<2000x1xf32>
    %get3A_402 = arith.constant 0 : index
    %get3A_403 = arith.constant 0 : index
    %get3A_404 = vector.load %arg6[%get3A_402, %get3A_403] : memref<8x32xf32, #tpu.memory_space<vmem>>, vector<1x32xf32>
    %mul3A_405 = vector.broadcast %slice3A_400 : vector<2000x1xf32> to vector<2000x32xf32>
    %mul3A_406 = vector.broadcast %get3A_404 : vector<1x32xf32> to vector<2000x32xf32>
    %mul3A_407 = arith.mulf %mul3A_405, %mul3A_406 : vector<2000x32xf32>
    %get3A_408 = arith.constant 1 : index
    %get3A_409 = arith.constant 0 : index
    %get3A_410 = vector.load %arg6[%get3A_408, %get3A_409] : memref<8x32xf32, #tpu.memory_space<vmem>>, vector<1x32xf32>
    %mul3A_411 = vector.broadcast %slice3A_401 : vector<2000x1xf32> to vector<2000x32xf32>
    %mul3A_412 = vector.broadcast %get3A_410 : vector<1x32xf32> to vector<2000x32xf32>
    %mul3A_413 = arith.mulf %mul3A_411, %mul3A_412 : vector<2000x32xf32>
    %add3A_414 = arith.addf %mul3A_407, %mul3A_413 : vector<2000x32xf32>
    %get3A_415 = arith.constant 2 : index
    %get3A_416 = arith.constant 0 : index
    %get3A_417 = vector.load %arg6[%get3A_415, %get3A_416] : memref<8x32xf32, #tpu.memory_space<vmem>>, vector<1x32xf32>
    %add3A_418 = vector.broadcast %get3A_417 : vector<1x32xf32> to vector<2000x32xf32>
    %add3A_419 = arith.addf %add3A_414, %add3A_418 : vector<2000x32xf32>
    %get3A_420 = arith.constant 3 : index
    %get3A_421 = arith.constant 0 : index
    %get3A_422 = vector.load %arg6[%get3A_420, %get3A_421] : memref<8x32xf32, #tpu.memory_space<vmem>>, vector<1x32xf32>
    %mul3A_423 = vector.broadcast %slice3A_400 : vector<2000x1xf32> to vector<2000x32xf32>
    %mul3A_424 = vector.broadcast %get3A_422 : vector<1x32xf32> to vector<2000x32xf32>
    %mul3A_425 = arith.mulf %mul3A_423, %mul3A_424 : vector<2000x32xf32>
    %get3A_426 = arith.constant 4 : index
    %get3A_427 = arith.constant 0 : index
    %get3A_428 = vector.load %arg6[%get3A_426, %get3A_427] : memref<8x32xf32, #tpu.memory_space<vmem>>, vector<1x32xf32>
    %mul3A_429 = vector.broadcast %slice3A_401 : vector<2000x1xf32> to vector<2000x32xf32>
    %mul3A_430 = vector.broadcast %get3A_428 : vector<1x32xf32> to vector<2000x32xf32>
    %mul3A_431 = arith.mulf %mul3A_429, %mul3A_430 : vector<2000x32xf32>
    %add3A_432 = arith.addf %mul3A_425, %mul3A_431 : vector<2000x32xf32>
    %get3A_433 = arith.constant 5 : index
    %get3A_434 = arith.constant 0 : index
    %get3A_435 = vector.load %arg6[%get3A_433, %get3A_434] : memref<8x32xf32, #tpu.memory_space<vmem>>, vector<1x32xf32>
    %add3A_436 = vector.broadcast %get3A_435 : vector<1x32xf32> to vector<2000x32xf32>
    %add3A_437 = arith.addf %add3A_432, %add3A_436 : vector<2000x32xf32>
    %logistic3A_438 = arith.negf %add3A_419 : vector<2000x32xf32>
    %logistic3A_439 = math.exp %logistic3A_438 : vector<2000x32xf32>
    %logistic3A_440 = arith.constant 1.000000e+00 : f32
    %logistic3A_441 = vector.broadcast %logistic3A_440 : f32 to vector<2000x32xf32>
    %logistic3A_442 = arith.addf %logistic3A_441, %logistic3A_439 : vector<2000x32xf32>
    %logistic3A_443 = arith.divf %logistic3A_441, %logistic3A_442 : vector<2000x32xf32>
    %tanh3A_444 = math.tanh %add3A_437 : vector<2000x32xf32>
    %get3A_445 = arith.constant 6 : index
    %get3A_446 = arith.constant 7 : index
    %get3A_447 = vector.load %arg6[%get3A_445, %get3A_446] : memref<8x32xf32, #tpu.memory_space<vmem>>, vector<1x1xf32>
    %sub3A_448 = arith.constant 1.000000e+00 : f32
    %sub3A_449 = vector.broadcast %sub3A_448 : f32 to vector<2000x32xf32>
    %sub3A_450 = arith.subf %sub3A_449, %logistic3A_443 : vector<2000x32xf32>
    %mul3A_451 = vector.broadcast %get3A_447 : vector<1x1xf32> to vector<2000x32xf32>
    %mul3A_452 = arith.mulf %mul3A_451, %sub3A_450 : vector<2000x32xf32>
    %mul3A_453 = arith.mulf %mul3A_452, %tanh3A_444 : vector<2000x32xf32>
    %add3A_454 = arith.addf %add3A_399, %mul3A_453 : vector<2000x32xf32>
    %slice3A_455 = vector.extract_strided_slice %concatenate3A {offsets = [0, 8], sizes = [2000, 1], strides = [1, 1]} : vector<2000x32xf32> to vector<2000x1xf32>
    %slice3A_456 = vector.extract_strided_slice %concatenate3A {offsets = [0, 20], sizes = [2000, 1], strides = [1, 1]} : vector<2000x32xf32> to vector<2000x1xf32>
    %get3A_457 = arith.constant 0 : index
    %get3A_458 = arith.constant 0 : index
    %get3A_459 = vector.load %arg6[%get3A_457, %get3A_458] : memref<8x32xf32, #tpu.memory_space<vmem>>, vector<1x32xf32>
    %mul3A_460 = vector.broadcast %slice3A_455 : vector<2000x1xf32> to vector<2000x32xf32>
    %mul3A_461 = vector.broadcast %get3A_459 : vector<1x32xf32> to vector<2000x32xf32>
    %mul3A_462 = arith.mulf %mul3A_460, %mul3A_461 : vector<2000x32xf32>
    %get3A_463 = arith.constant 1 : index
    %get3A_464 = arith.constant 0 : index
    %get3A_465 = vector.load %arg6[%get3A_463, %get3A_464] : memref<8x32xf32, #tpu.memory_space<vmem>>, vector<1x32xf32>
    %mul3A_466 = vector.broadcast %slice3A_456 : vector<2000x1xf32> to vector<2000x32xf32>
    %mul3A_467 = vector.broadcast %get3A_465 : vector<1x32xf32> to vector<2000x32xf32>
    %mul3A_468 = arith.mulf %mul3A_466, %mul3A_467 : vector<2000x32xf32>
    %add3A_469 = arith.addf %mul3A_462, %mul3A_468 : vector<2000x32xf32>
    %get3A_470 = arith.constant 2 : index
    %get3A_471 = arith.constant 0 : index
    %get3A_472 = vector.load %arg6[%get3A_470, %get3A_471] : memref<8x32xf32, #tpu.memory_space<vmem>>, vector<1x32xf32>
    %add3A_473 = vector.broadcast %get3A_472 : vector<1x32xf32> to vector<2000x32xf32>
    %add3A_474 = arith.addf %add3A_469, %add3A_473 : vector<2000x32xf32>
    %get3A_475 = arith.constant 3 : index
    %get3A_476 = arith.constant 0 : index
    %get3A_477 = vector.load %arg6[%get3A_475, %get3A_476] : memref<8x32xf32, #tpu.memory_space<vmem>>, vector<1x32xf32>
    %mul3A_478 = vector.broadcast %slice3A_455 : vector<2000x1xf32> to vector<2000x32xf32>
    %mul3A_479 = vector.broadcast %get3A_477 : vector<1x32xf32> to vector<2000x32xf32>
    %mul3A_480 = arith.mulf %mul3A_478, %mul3A_479 : vector<2000x32xf32>
    %get3A_481 = arith.constant 4 : index
    %get3A_482 = arith.constant 0 : index
    %get3A_483 = vector.load %arg6[%get3A_481, %get3A_482] : memref<8x32xf32, #tpu.memory_space<vmem>>, vector<1x32xf32>
    %mul3A_484 = vector.broadcast %slice3A_456 : vector<2000x1xf32> to vector<2000x32xf32>
    %mul3A_485 = vector.broadcast %get3A_483 : vector<1x32xf32> to vector<2000x32xf32>
    %mul3A_486 = arith.mulf %mul3A_484, %mul3A_485 : vector<2000x32xf32>
    %add3A_487 = arith.addf %mul3A_480, %mul3A_486 : vector<2000x32xf32>
    %get3A_488 = arith.constant 5 : index
    %get3A_489 = arith.constant 0 : index
    %get3A_490 = vector.load %arg6[%get3A_488, %get3A_489] : memref<8x32xf32, #tpu.memory_space<vmem>>, vector<1x32xf32>
    %add3A_491 = vector.broadcast %get3A_490 : vector<1x32xf32> to vector<2000x32xf32>
    %add3A_492 = arith.addf %add3A_487, %add3A_491 : vector<2000x32xf32>
    %logistic3A_493 = arith.negf %add3A_474 : vector<2000x32xf32>
    %logistic3A_494 = math.exp %logistic3A_493 : vector<2000x32xf32>
    %logistic3A_495 = arith.constant 1.000000e+00 : f32
    %logistic3A_496 = vector.broadcast %logistic3A_495 : f32 to vector<2000x32xf32>
    %logistic3A_497 = arith.addf %logistic3A_496, %logistic3A_494 : vector<2000x32xf32>
    %logistic3A_498 = arith.divf %logistic3A_496, %logistic3A_497 : vector<2000x32xf32>
    %tanh3A_499 = math.tanh %add3A_492 : vector<2000x32xf32>
    %get3A_500 = arith.constant 6 : index
    %get3A_501 = arith.constant 8 : index
    %get3A_502 = vector.load %arg6[%get3A_500, %get3A_501] : memref<8x32xf32, #tpu.memory_space<vmem>>, vector<1x1xf32>
    %sub3A_503 = arith.constant 1.000000e+00 : f32
    %sub3A_504 = vector.broadcast %sub3A_503 : f32 to vector<2000x32xf32>
    %sub3A_505 = arith.subf %sub3A_504, %logistic3A_498 : vector<2000x32xf32>
    %mul3A_506 = vector.broadcast %get3A_502 : vector<1x1xf32> to vector<2000x32xf32>
    %mul3A_507 = arith.mulf %mul3A_506, %sub3A_505 : vector<2000x32xf32>
    %mul3A_508 = arith.mulf %mul3A_507, %tanh3A_499 : vector<2000x32xf32>
    %add3A_509 = arith.addf %add3A_454, %mul3A_508 : vector<2000x32xf32>
    %slice3A_510 = vector.extract_strided_slice %concatenate3A {offsets = [0, 9], sizes = [2000, 1], strides = [1, 1]} : vector<2000x32xf32> to vector<2000x1xf32>
    %slice3A_511 = vector.extract_strided_slice %concatenate3A {offsets = [0, 21], sizes = [2000, 1], strides = [1, 1]} : vector<2000x32xf32> to vector<2000x1xf32>
    %get3A_512 = arith.constant 0 : index
    %get3A_513 = arith.constant 0 : index
    %get3A_514 = vector.load %arg6[%get3A_512, %get3A_513] : memref<8x32xf32, #tpu.memory_space<vmem>>, vector<1x32xf32>
    %mul3A_515 = vector.broadcast %slice3A_510 : vector<2000x1xf32> to vector<2000x32xf32>
    %mul3A_516 = vector.broadcast %get3A_514 : vector<1x32xf32> to vector<2000x32xf32>
    %mul3A_517 = arith.mulf %mul3A_515, %mul3A_516 : vector<2000x32xf32>
    %get3A_518 = arith.constant 1 : index
    %get3A_519 = arith.constant 0 : index
    %get3A_520 = vector.load %arg6[%get3A_518, %get3A_519] : memref<8x32xf32, #tpu.memory_space<vmem>>, vector<1x32xf32>
    %mul3A_521 = vector.broadcast %slice3A_511 : vector<2000x1xf32> to vector<2000x32xf32>
    %mul3A_522 = vector.broadcast %get3A_520 : vector<1x32xf32> to vector<2000x32xf32>
    %mul3A_523 = arith.mulf %mul3A_521, %mul3A_522 : vector<2000x32xf32>
    %add3A_524 = arith.addf %mul3A_517, %mul3A_523 : vector<2000x32xf32>
    %get3A_525 = arith.constant 2 : index
    %get3A_526 = arith.constant 0 : index
    %get3A_527 = vector.load %arg6[%get3A_525, %get3A_526] : memref<8x32xf32, #tpu.memory_space<vmem>>, vector<1x32xf32>
    %add3A_528 = vector.broadcast %get3A_527 : vector<1x32xf32> to vector<2000x32xf32>
    %add3A_529 = arith.addf %add3A_524, %add3A_528 : vector<2000x32xf32>
    %get3A_530 = arith.constant 3 : index
    %get3A_531 = arith.constant 0 : index
    %get3A_532 = vector.load %arg6[%get3A_530, %get3A_531] : memref<8x32xf32, #tpu.memory_space<vmem>>, vector<1x32xf32>
    %mul3A_533 = vector.broadcast %slice3A_510 : vector<2000x1xf32> to vector<2000x32xf32>
    %mul3A_534 = vector.broadcast %get3A_532 : vector<1x32xf32> to vector<2000x32xf32>
    %mul3A_535 = arith.mulf %mul3A_533, %mul3A_534 : vector<2000x32xf32>
    %get3A_536 = arith.constant 4 : index
    %get3A_537 = arith.constant 0 : index
    %get3A_538 = vector.load %arg6[%get3A_536, %get3A_537] : memref<8x32xf32, #tpu.memory_space<vmem>>, vector<1x32xf32>
    %mul3A_539 = vector.broadcast %slice3A_511 : vector<2000x1xf32> to vector<2000x32xf32>
    %mul3A_540 = vector.broadcast %get3A_538 : vector<1x32xf32> to vector<2000x32xf32>
    %mul3A_541 = arith.mulf %mul3A_539, %mul3A_540 : vector<2000x32xf32>
    %add3A_542 = arith.addf %mul3A_535, %mul3A_541 : vector<2000x32xf32>
    %get3A_543 = arith.constant 5 : index
    %get3A_544 = arith.constant 0 : index
    %get3A_545 = vector.load %arg6[%get3A_543, %get3A_544] : memref<8x32xf32, #tpu.memory_space<vmem>>, vector<1x32xf32>
    %add3A_546 = vector.broadcast %get3A_545 : vector<1x32xf32> to vector<2000x32xf32>
    %add3A_547 = arith.addf %add3A_542, %add3A_546 : vector<2000x32xf32>
    %logistic3A_548 = arith.negf %add3A_529 : vector<2000x32xf32>
    %logistic3A_549 = math.exp %logistic3A_548 : vector<2000x32xf32>
    %logistic3A_550 = arith.constant 1.000000e+00 : f32
    %logistic3A_551 = vector.broadcast %logistic3A_550 : f32 to vector<2000x32xf32>
    %logistic3A_552 = arith.addf %logistic3A_551, %logistic3A_549 : vector<2000x32xf32>
    %logistic3A_553 = arith.divf %logistic3A_551, %logistic3A_552 : vector<2000x32xf32>
    %tanh3A_554 = math.tanh %add3A_547 : vector<2000x32xf32>
    %get3A_555 = arith.constant 6 : index
    %get3A_556 = arith.constant 9 : index
    %get3A_557 = vector.load %arg6[%get3A_555, %get3A_556] : memref<8x32xf32, #tpu.memory_space<vmem>>, vector<1x1xf32>
    %sub3A_558 = arith.constant 1.000000e+00 : f32
    %sub3A_559 = vector.broadcast %sub3A_558 : f32 to vector<2000x32xf32>
    %sub3A_560 = arith.subf %sub3A_559, %logistic3A_553 : vector<2000x32xf32>
    %mul3A_561 = vector.broadcast %get3A_557 : vector<1x1xf32> to vector<2000x32xf32>
    %mul3A_562 = arith.mulf %mul3A_561, %sub3A_560 : vector<2000x32xf32>
    %mul3A_563 = arith.mulf %mul3A_562, %tanh3A_554 : vector<2000x32xf32>
    %add3A_564 = arith.addf %add3A_509, %mul3A_563 : vector<2000x32xf32>
    %slice3A_565 = vector.extract_strided_slice %concatenate3A {offsets = [0, 10], sizes = [2000, 1], strides = [1, 1]} : vector<2000x32xf32> to vector<2000x1xf32>
    %slice3A_566 = vector.extract_strided_slice %concatenate3A {offsets = [0, 22], sizes = [2000, 1], strides = [1, 1]} : vector<2000x32xf32> to vector<2000x1xf32>
    %get3A_567 = arith.constant 0 : index
    %get3A_568 = arith.constant 0 : index
    %get3A_569 = vector.load %arg6[%get3A_567, %get3A_568] : memref<8x32xf32, #tpu.memory_space<vmem>>, vector<1x32xf32>
    %mul3A_570 = vector.broadcast %slice3A_565 : vector<2000x1xf32> to vector<2000x32xf32>
    %mul3A_571 = vector.broadcast %get3A_569 : vector<1x32xf32> to vector<2000x32xf32>
    %mul3A_572 = arith.mulf %mul3A_570, %mul3A_571 : vector<2000x32xf32>
    %get3A_573 = arith.constant 1 : index
    %get3A_574 = arith.constant 0 : index
    %get3A_575 = vector.load %arg6[%get3A_573, %get3A_574] : memref<8x32xf32, #tpu.memory_space<vmem>>, vector<1x32xf32>
    %mul3A_576 = vector.broadcast %slice3A_566 : vector<2000x1xf32> to vector<2000x32xf32>
    %mul3A_577 = vector.broadcast %get3A_575 : vector<1x32xf32> to vector<2000x32xf32>
    %mul3A_578 = arith.mulf %mul3A_576, %mul3A_577 : vector<2000x32xf32>
    %add3A_579 = arith.addf %mul3A_572, %mul3A_578 : vector<2000x32xf32>
    %get3A_580 = arith.constant 2 : index
    %get3A_581 = arith.constant 0 : index
    %get3A_582 = vector.load %arg6[%get3A_580, %get3A_581] : memref<8x32xf32, #tpu.memory_space<vmem>>, vector<1x32xf32>
    %add3A_583 = vector.broadcast %get3A_582 : vector<1x32xf32> to vector<2000x32xf32>
    %add3A_584 = arith.addf %add3A_579, %add3A_583 : vector<2000x32xf32>
    %get3A_585 = arith.constant 3 : index
    %get3A_586 = arith.constant 0 : index
    %get3A_587 = vector.load %arg6[%get3A_585, %get3A_586] : memref<8x32xf32, #tpu.memory_space<vmem>>, vector<1x32xf32>
    %mul3A_588 = vector.broadcast %slice3A_565 : vector<2000x1xf32> to vector<2000x32xf32>
    %mul3A_589 = vector.broadcast %get3A_587 : vector<1x32xf32> to vector<2000x32xf32>
    %mul3A_590 = arith.mulf %mul3A_588, %mul3A_589 : vector<2000x32xf32>
    %get3A_591 = arith.constant 4 : index
    %get3A_592 = arith.constant 0 : index
    %get3A_593 = vector.load %arg6[%get3A_591, %get3A_592] : memref<8x32xf32, #tpu.memory_space<vmem>>, vector<1x32xf32>
    %mul3A_594 = vector.broadcast %slice3A_566 : vector<2000x1xf32> to vector<2000x32xf32>
    %mul3A_595 = vector.broadcast %get3A_593 : vector<1x32xf32> to vector<2000x32xf32>
    %mul3A_596 = arith.mulf %mul3A_594, %mul3A_595 : vector<2000x32xf32>
    %add3A_597 = arith.addf %mul3A_590, %mul3A_596 : vector<2000x32xf32>
    %get3A_598 = arith.constant 5 : index
    %get3A_599 = arith.constant 0 : index
    %get3A_600 = vector.load %arg6[%get3A_598, %get3A_599] : memref<8x32xf32, #tpu.memory_space<vmem>>, vector<1x32xf32>
    %add3A_601 = vector.broadcast %get3A_600 : vector<1x32xf32> to vector<2000x32xf32>
    %add3A_602 = arith.addf %add3A_597, %add3A_601 : vector<2000x32xf32>
    %logistic3A_603 = arith.negf %add3A_584 : vector<2000x32xf32>
    %logistic3A_604 = math.exp %logistic3A_603 : vector<2000x32xf32>
    %logistic3A_605 = arith.constant 1.000000e+00 : f32
    %logistic3A_606 = vector.broadcast %logistic3A_605 : f32 to vector<2000x32xf32>
    %logistic3A_607 = arith.addf %logistic3A_606, %logistic3A_604 : vector<2000x32xf32>
    %logistic3A_608 = arith.divf %logistic3A_606, %logistic3A_607 : vector<2000x32xf32>
    %tanh3A_609 = math.tanh %add3A_602 : vector<2000x32xf32>
    %get3A_610 = arith.constant 6 : index
    %get3A_611 = arith.constant 10 : index
    %get3A_612 = vector.load %arg6[%get3A_610, %get3A_611] : memref<8x32xf32, #tpu.memory_space<vmem>>, vector<1x1xf32>
    %sub3A_613 = arith.constant 1.000000e+00 : f32
    %sub3A_614 = vector.broadcast %sub3A_613 : f32 to vector<2000x32xf32>
    %sub3A_615 = arith.subf %sub3A_614, %logistic3A_608 : vector<2000x32xf32>
    %mul3A_616 = vector.broadcast %get3A_612 : vector<1x1xf32> to vector<2000x32xf32>
    %mul3A_617 = arith.mulf %mul3A_616, %sub3A_615 : vector<2000x32xf32>
    %mul3A_618 = arith.mulf %mul3A_617, %tanh3A_609 : vector<2000x32xf32>
    %add3A_619 = arith.addf %add3A_564, %mul3A_618 : vector<2000x32xf32>
    %slice3A_620 = vector.extract_strided_slice %concatenate3A {offsets = [0, 11], sizes = [2000, 1], strides = [1, 1]} : vector<2000x32xf32> to vector<2000x1xf32>
    %slice3A_621 = vector.extract_strided_slice %concatenate3A {offsets = [0, 23], sizes = [2000, 1], strides = [1, 1]} : vector<2000x32xf32> to vector<2000x1xf32>
    %get3A_622 = arith.constant 0 : index
    %get3A_623 = arith.constant 0 : index
    %get3A_624 = vector.load %arg6[%get3A_622, %get3A_623] : memref<8x32xf32, #tpu.memory_space<vmem>>, vector<1x32xf32>
    %mul3A_625 = vector.broadcast %slice3A_620 : vector<2000x1xf32> to vector<2000x32xf32>
    %mul3A_626 = vector.broadcast %get3A_624 : vector<1x32xf32> to vector<2000x32xf32>
    %mul3A_627 = arith.mulf %mul3A_625, %mul3A_626 : vector<2000x32xf32>
    %get3A_628 = arith.constant 1 : index
    %get3A_629 = arith.constant 0 : index
    %get3A_630 = vector.load %arg6[%get3A_628, %get3A_629] : memref<8x32xf32, #tpu.memory_space<vmem>>, vector<1x32xf32>
    %mul3A_631 = vector.broadcast %slice3A_621 : vector<2000x1xf32> to vector<2000x32xf32>
    %mul3A_632 = vector.broadcast %get3A_630 : vector<1x32xf32> to vector<2000x32xf32>
    %mul3A_633 = arith.mulf %mul3A_631, %mul3A_632 : vector<2000x32xf32>
    %add3A_634 = arith.addf %mul3A_627, %mul3A_633 : vector<2000x32xf32>
    %get3A_635 = arith.constant 2 : index
    %get3A_636 = arith.constant 0 : index
    %get3A_637 = vector.load %arg6[%get3A_635, %get3A_636] : memref<8x32xf32, #tpu.memory_space<vmem>>, vector<1x32xf32>
    %add3A_638 = vector.broadcast %get3A_637 : vector<1x32xf32> to vector<2000x32xf32>
    %add3A_639 = arith.addf %add3A_634, %add3A_638 : vector<2000x32xf32>
    %get3A_640 = arith.constant 3 : index
    %get3A_641 = arith.constant 0 : index
    %get3A_642 = vector.load %arg6[%get3A_640, %get3A_641] : memref<8x32xf32, #tpu.memory_space<vmem>>, vector<1x32xf32>
    %mul3A_643 = vector.broadcast %slice3A_620 : vector<2000x1xf32> to vector<2000x32xf32>
    %mul3A_644 = vector.broadcast %get3A_642 : vector<1x32xf32> to vector<2000x32xf32>
    %mul3A_645 = arith.mulf %mul3A_643, %mul3A_644 : vector<2000x32xf32>
    %get3A_646 = arith.constant 4 : index
    %get3A_647 = arith.constant 0 : index
    %get3A_648 = vector.load %arg6[%get3A_646, %get3A_647] : memref<8x32xf32, #tpu.memory_space<vmem>>, vector<1x32xf32>
    %mul3A_649 = vector.broadcast %slice3A_621 : vector<2000x1xf32> to vector<2000x32xf32>
    %mul3A_650 = vector.broadcast %get3A_648 : vector<1x32xf32> to vector<2000x32xf32>
    %mul3A_651 = arith.mulf %mul3A_649, %mul3A_650 : vector<2000x32xf32>
    %add3A_652 = arith.addf %mul3A_645, %mul3A_651 : vector<2000x32xf32>
    %get3A_653 = arith.constant 5 : index
    %get3A_654 = arith.constant 0 : index
    %get3A_655 = vector.load %arg6[%get3A_653, %get3A_654] : memref<8x32xf32, #tpu.memory_space<vmem>>, vector<1x32xf32>
    %add3A_656 = vector.broadcast %get3A_655 : vector<1x32xf32> to vector<2000x32xf32>
    %add3A_657 = arith.addf %add3A_652, %add3A_656 : vector<2000x32xf32>
    %logistic3A_658 = arith.negf %add3A_639 : vector<2000x32xf32>
    %logistic3A_659 = math.exp %logistic3A_658 : vector<2000x32xf32>
    %logistic3A_660 = arith.constant 1.000000e+00 : f32
    %logistic3A_661 = vector.broadcast %logistic3A_660 : f32 to vector<2000x32xf32>
    %logistic3A_662 = arith.addf %logistic3A_661, %logistic3A_659 : vector<2000x32xf32>
    %logistic3A_663 = arith.divf %logistic3A_661, %logistic3A_662 : vector<2000x32xf32>
    %tanh3A_664 = math.tanh %add3A_657 : vector<2000x32xf32>
    %get3A_665 = arith.constant 6 : index
    %get3A_666 = arith.constant 11 : index
    %get3A_667 = vector.load %arg6[%get3A_665, %get3A_666] : memref<8x32xf32, #tpu.memory_space<vmem>>, vector<1x1xf32>
    %sub3A_668 = arith.constant 1.000000e+00 : f32
    %sub3A_669 = vector.broadcast %sub3A_668 : f32 to vector<2000x32xf32>
    %sub3A_670 = arith.subf %sub3A_669, %logistic3A_663 : vector<2000x32xf32>
    %mul3A_671 = vector.broadcast %get3A_667 : vector<1x1xf32> to vector<2000x32xf32>
    %mul3A_672 = arith.mulf %mul3A_671, %sub3A_670 : vector<2000x32xf32>
    %mul3A_673 = arith.mulf %mul3A_672, %tanh3A_664 : vector<2000x32xf32>
    %add3A_674 = arith.addf %add3A_619, %mul3A_673 : vector<2000x32xf32>
    %max3A = arith.constant 0.000000e+00 : f32
    %max3A_675 = vector.broadcast %max3A : f32 to vector<2000x32xf32>
    %max3A_676 = arith.maximumf %add3A_674, %max3A_675 : vector<2000x32xf32>
    %get3A_677 = arith.constant 0 : index
    %get3A_678 = arith.constant 0 : index
    %get3A_679 = vector.load %arg7[%get3A_677, %get3A_678] : memref<32x12xf32, #tpu.memory_space<vmem>>, vector<32x12xf32>
    %dot_general3A = arith.constant dense<0.000000e+00> : vector<2000x12xf32>
    %dot_general3A_680 = tpu.matmul %max3A_676, %get3A_679, %dot_general3A {dimension_numbers = #tpu.dot_dimension_numbers<[1], [0], [0], [1], [0, 0, 1, 1], [], []>, transpose_lhs_hint = false} : vector<2000x32xf32>, vector<32x12xf32>, vector<2000x12xf32> -> vector<2000x12xf32>
    %get3A_681 = arith.constant 0 : index
    %get3A_682 = arith.constant 0 : index
    %get3A_683 = vector.load %arg8[%get3A_681, %get3A_682] : memref<1x12xf32, #tpu.memory_space<vmem>>, vector<1x12xf32>
    %add3A_684 = vector.broadcast %get3A_683 : vector<1x12xf32> to vector<2000x12xf32>
    %add3A_685 = arith.addf %dot_general3A_680, %add3A_684 : vector<2000x12xf32>
    %swap3A = arith.constant 0 : index
    %swap3A_686 = arith.constant 0 : index
    %swap3A_687 = vector.load %arg9[%swap3A, %swap3A_686] : memref<2000x12xf32, #tpu.memory_space<vmem>>, vector<2000x12xf32>
    tpu.vector_store %arg9[%swap3A, %swap3A_686], %add3A_685 {strides = array<i32>} : memref<2000x12xf32, #tpu.memory_space<vmem>>, vector<2000x12xf32>,
    return
  }
  func.func @transform_0(%arg0: i32) -> (i32, i32) {
    %c0_i32 = arith.constant 0 : i32
    %c0_i32_0 = arith.constant 0 : i32
    return %arg0, %c0_i32 : i32, i32
  }
  func.func @transform_1(%arg0: i32) -> (i32, i32) {
    %c0_i32 = arith.constant 0 : i32
    %c0_i32_0 = arith.constant 0 : i32
    return %arg0, %c0_i32 : i32, i32
  }
  func.func @transform_2(%arg0: i32) -> (i32, i32) {
    %c0_i32 = arith.constant 0 : i32
    %c0_i32_0 = arith.constant 0 : i32
    return %arg0, %c0_i32 : i32, i32
  }
  func.func @transform_3(%arg0: i32) -> (i32, i32) {
    %add3A = arith.constant 25 : i32
    %add3A_0 = arith.addi %arg0, %add3A : i32
    %c0_i32 = arith.constant 0 : i32
    %c0_i32_1 = arith.constant 0 : i32
    return %add3A_0, %c0_i32 : i32, i32
  }
  func.func @transform_4(%arg0: i32) -> (i32, i32) {
    %c0_i32 = arith.constant 0 : i32
    %c0_i32_0 = arith.constant 0 : i32
    return %arg0, %c0_i32 : i32, i32
  }
  func.func @transform_5(%arg0: i32) -> (i32, i32) {
    %c0_i32 = arith.constant 0 : i32
    %c0_i32_0 = arith.constant 0 : i32
    %c0_i32_1 = arith.constant 0 : i32
    return %c0_i32, %c0_i32_0 : i32, i32
  }
  func.func @transform_6(%arg0: i32) -> (i32, i32) {
    %c0_i32 = arith.constant 0 : i32
    %c0_i32_0 = arith.constant 0 : i32
    %c0_i32_1 = arith.constant 0 : i32
    return %c0_i32, %c0_i32_0 : i32, i32
  }
  func.func @transform_7(%arg0: i32) -> (i32, i32) {
    %c0_i32 = arith.constant 0 : i32
    %c0_i32_0 = arith.constant 0 : i32
    %c0_i32_1 = arith.constant 0 : i32
    return %c0_i32, %c0_i32_0 : i32, i32
  }
  func.func @transform_8(%arg0: i32) -> (i32, i32) {
    %c0_i32 = arith.constant 0 : i32
    %c0_i32_0 = arith.constant 0 : i32
    return %arg0, %c0_i32 : i32, i32
  }
}

</mosaic_0001>

<sc_bundles>
// kernel: kernel.6.cloned.1.call-start
scs
__scs_entry_jumppad:
0x0: {  	(pc) =	sbr.rel $0x88, $3  }
0x1: {  	(tag) =	ssettag $0x0;
	lr =	simm.s32 $0x1  }
0x2: {  	[smem:$0x3F94] =	sst lr;
	_ =	strace $0xD0000000  }
0x3: {  	_ = 	snop  }
0x4: {  	_ = 	snop  }
0x5: {  	_ = 	snop  }
0x6: {  	_ = 	snop  }
0x7: {  	_ = 	snop  }
__scs_overlays_trampoline_lowered:
0x8: {  	[smem:$0x3FA3] =	sst s0  }
0x9: {  	[smem:$0x3FA4] =	sst s1  }
0xa: {  	[smem:$0x3FA5] =	sst s2  }
0xb: {  	[smem:$0x3FA6] =	sst s3  }
0xc: {  	[smem:$0x3FA7] =	sst s4  }
0xd: {  	[smem:$0x3FA8] =	sst s5  }
0xe: {  	[smem:$0x3FA9] =	sst s6  }
0xf: {  	[smem:$0x3FAA] =	sst s7  }
0x10: {  	[smem:$0x3FAB] =	sst s8  }
0x11: {  	[smem:$0x3FAC] =	sst s9;
	s0 =	simm.s32 @!p0 $0x0  }
0x12: {  	s1 =	sld [smem:$0x3F92];
	s0 =	simm.s32 @p0 $0x1  }
0x13: {  	[smem:$0x3FAD] =	sst s0;
	s0 =	simm.s32 @!p1 $0x0  }
0x14: {  	s2 =	sld [smem:$0x3F91];
	s0 =	simm.s32 @p1 $0x1  }
0x15: {  	[smem:$0x3FAE] =	sst s0;
	s0 =	simm.s32 @!p2 $0x0  }
0x16: {  	s3 =	sld [smem:$0x3FDB];
	s0 =	simm.s32 @p2 $0x1  }
0x17: {  	s4 =	simm.s32 $0x1BF5;
	[smem:$0x3FB0] =	sst s0  }
0x18: {  	s0 =	sld [smem:$0x3F93];
	_ =	swait.ge [sflag:s4], $0x0  }
0x19: {  	s7 =	sld [smem:$0x3F94]  }
0x1a: {  	s8 =	sadd.s32 $0xFFFFE003, lr  }
0x1b: {  	s9 =	sadd.s32 $0xFFFFFEF7, lr;
	s5 =	simm.s32 $0xFFFFFFFF;
	p2 =	slt.u32 s8, $0xFFFFF086  }
0x1c: {  	p1 =	slt.u32 s9, $0xF7A;
	s5 =	simm.s32 @!p2 $0x0  }
0x1d: {  	s5 =	simm.s32 @p1 $0x1;
	p0 =	seq.s32 s7, s2  }
0x1e: {  	s7 =	smul.u32 @!p0 $0xF7A, s2;
	p2 =	seq.s32 @!p0 s5, $0x0  }
0x1f: {  	s9 =	smul.u32 $0xF7A, s1;
	s8 =	simm.s32 @!p0 $0x1BF5;
	p2 =	por !p2, p0  }
0x20: {  	[sflag:s8] =	ssyncset.s32 @!p0 $0xFFFFF086;
	s6 =	sadd.s32 @!p0 s3, s7;
	s7 =	simm.s32 @!p0 $0x108  }
0x21: {  	s3 =	sadd.s32 s3, s9;
	s6 =	sadd.s32 @!p0 $0x88, s6;
	s7 =	simm.s32 @p2 $0x1082  }
0x22: {  	[simem:s7], [sflag:s8] =	dma.local @!p0 [hbm:s6], $0xF7A  }
0x23: {  	s9 =	sor.u32 $0xD0000000, s2;
	s6 =	simm.s32 $0x108;
	_ =	swait.ge @!p0 [sflag:s8], $0x0  }
0x24: {  	s3 =	sadd.s32 $0x88, s3;
	s6 =	simm.s32 @!p1 $0x1082;
	[sflag:s4] =	ssyncset.s32 $0xFFFFF086  }
0x25: {  	[simem:s6], [sflag:s4] =	dma.local [hbm:s3], $0xF7A  }
0x26: {  	[smem:$0x3F94] =	sst s1;
	(tag) =	ssettag s2;
	_ =	strace s9  }
0x27: {  	s1 =	sld [smem:$0x3FA4]  }
0x28: {  	s2 =	sld [smem:$0x3FA5]  }
0x29: {  	s4 =	sld [smem:$0x3FA7]  }
0x2a: {  	p0 =	seq.s32 s5, $0x0;
	s5 =	sld [smem:$0x3FA8]  }
0x2b: {  	s6 =	sld [smem:$0x3FA9]  }
0x2c: {  	s7 =	sld [smem:$0x3FAA]  }
0x2d: {  	s3 =	simm.s32 $0x108;
	s8 =	sld [smem:$0x3FAB]  }
0x2e: {  	s3 =	simm.s32 @!p0 $0x1082;
	s9 =	sld [smem:$0x3FAC]  }
0x2f: {  	lr =	sadd.s32 s0, s3;
	s0 =	sld [smem:$0x3FA3]  }
0x30: {  	s3 =	sld [smem:$0x3FA6]  }
0x31: {  	[smem:$0x3FAF] =	sst s10  }
0x32: {  	s10 =	sld [smem:$0x3FAD];
	_ =	sdelay $0x3  }
0x33: {  	p0 =	seq.s32 s10, $0x1;
	s10 =	sld [smem:$0x3FAF];
	_ =	sdelay $0x3  }
0x34: {  	[smem:$0x3FAF] =	sst s10  }
0x35: {  	s10 =	sld [smem:$0x3FAE];
	_ =	sdelay $0x3  }
0x36: {  	p1 =	seq.s32 s10, $0x1;
	s10 =	sld [smem:$0x3FAF];
	_ =	sdelay $0x3  }
0x37: {  	[smem:$0x3FAF] =	sst s10  }
0x38: {  	s10 =	sld [smem:$0x3FB0]  }
0x39: {  	_ = 	snop;
	(pc) =	sbr.ind lr, $3  }
0x3a: {  	_ = 	snop  }
0x3b: {  	_ = 	snop  }
0x3c: {  	p2 =	seq.s32 s10, $0x1;
	s10 =	sld [smem:$0x3FAF]  }
0x3d: {  	_ =	shalt  }
0x3e: {  	_ =	shalt  }
0x3f: {  	_ =	shalt  }
0x40: {  	_ =	shalt  }
0x41: {  	_ =	shalt  }
0x42: {  	_ =	shalt  }
0x43: {  	_ =	shalt  }
0x44: {  	_ =	shalt  }
0x45: {  	_ =	shalt  }
0x46: {  	_ =	shalt  }
0x47: {  	_ =	shalt  }
0x48: {  	_ =	shalt  }
0x49: {  	_ =	shalt  }
0x4a: {  	_ =	shalt  }
0x4b: {  	_ =	shalt  }
0x4c: {  	_ =	shalt  }
0x4d: {  	_ =	shalt  }
0x4e: {  	_ =	shalt  }
0x4f: {  	_ =	shalt  }
0x50: {  	_ =	shalt  }
0x51: {  	_ =	shalt  }
0x52: {  	_ =	shalt  }
0x53: {  	_ =	shalt  }
0x54: {  	_ =	shalt  }
0x55: {  	_ =	shalt  }
0x56: {  	_ =	shalt  }
0x57: {  	_ =	shalt  }
0x58: {  	_ =	shalt  }
0x59: {  	_ =	shalt  }
0x5a: {  	_ =	shalt  }
0x5b: {  	_ =	shalt  }
0x5c: {  	_ =	shalt  }
0x5d: {  	_ =	shalt  }
0x5e: {  	_ =	shalt  }
0x5f: {  	_ =	shalt  }
0x60: {  	_ =	shalt  }
0x61: {  	_ =	shalt  }
0x62: {  	_ =	shalt  }
0x63: {  	_ =	shalt  }
0x64: {  	_ =	shalt  }
0x65: {  	_ =	shalt  }
0x66: {  	_ =	shalt  }
0x67: {  	_ =	shalt  }
0x68: {  	_ =	shalt  }
0x69: {  	_ =	shalt  }
0x6a: {  	_ =	shalt  }
0x6b: {  	_ =	shalt  }
0x6c: {  	_ =	shalt  }
0x6d: {  	_ =	shalt  }
0x6e: {  	_ =	shalt  }
0x6f: {  	_ =	shalt  }
0x70: {  	_ =	shalt  }
0x71: {  	_ =	shalt  }
0x72: {  	_ =	shalt  }
0x73: {  	_ =	shalt  }
0x74: {  	_ =	shalt  }
0x75: {  	_ =	shalt  }
0x76: {  	_ =	shalt  }
0x77: {  	_ =	shalt  }
0x78: {  	_ =	shalt  }
0x79: {  	_ =	shalt  }
0x7a: {  	_ =	shalt  }
0x7b: {  	_ =	shalt  }
0x7c: {  	_ =	shalt  }
0x7d: {  	_ =	shalt  }
0x7e: {  	_ =	shalt  }
0x7f: {  	_ =	shalt  }
0x80: {  	_ =	shalt  }
0x81: {  	_ =	shalt  }
0x82: {  	_ =	shalt  }
0x83: {  	_ =	shalt  }
0x84: {  	_ =	shalt  }
0x85: {  	_ =	shalt  }
0x86: {  	_ =	shalt  }
0x87: {  	_ =	shalt  }
.Lfunc_end0:
.L_simem_size_0:
called_computation_lowered:
.L_overlay_start_0:
0x88: {  	s2 =	sld [smem:$0x3FD9]  }
0x89: {  	s3 =	sld [smem:$0x3FFE];
	_ =	sdelay $0x1  }
0x8a: {  	s1 =	srdreg.scid  }
0x8b: {  	s0 =	sand.u32 $0x1, s1  }
0x8c: {  	s17 =	sshll.u32 s0, $0xA;
	s2 =	sadd.s32 s3, s2  }
0x8d: {  	s2 =	sadd.s32 s2, s17  }
0x8e: {  	[smem:$0x3FBB] =	sst s2  }
0x8f: {  	_ = 	snop  }
0x90: {  	s2 =	sld [smem:$0x3FD0];
	(tm) =	ssettm $0x1  }
0x91: {  	s18 =	sld [smem:$0x3FFB];
	_ =	sdelay $0x3  }
0x92: {  	_ =	strace s18  }
0x93: {  	s3 =	sld [smem:$0x3FFC];
	_ =	sdelay $0x3  }
0x94: {  	_ =	strace s3  }
0x95: {  	s3 =	sld [smem:$0x3FFD];
	_ =	sdelay $0x3  }
0x96: {  	_ =	strace s3  }
0x97: {  	_ =	strace $0x8FFFFFFF  }
0x98: {  	s19 =	sld [smem:$0x3FDB];
	_ =	sdelay $0x1  }
0x99: {  	s4 =	simm.s32 $_scs_section_size  }
0x9a: {  	s5 =	simm.s32 $_size__tile_overlayer_lowered;
	s6 =	simm.s32 $_tile_overlayer_lowered  }
0x9b: {  	s22 =	simm.s32 $0x1BFF;
	s21 =	sshll.u32 s6, $0x1;
	s3 =	sadd.s32 s4, s19  }
0x9c: {  	s7 =	simm.s32 $0x0;
	s20 =	sshll.u32 s5, $0x1;
	s5 =	sadd.s32 s21, s3  }
0x9d: {  	[timem:s7], [sflag:s22] =	dma.local [hbm:s5], s20  }
0x9e: {  	_ =	swait.ge [sflag:s22], s20  }
0x9f: {  	s4 =	ssub.s32 $0x0, s20;
	[sflag:s22] =	ssyncset.done $0x0  }
0xa0: {  	[sflag:s22] =	ssyncadd.s32 s4;
	_ =	sdelay $0x1  }
0xa1: {  	s23 =	simm.s32 $0x1B8B  }
0xa2: {  	_ =	swait.ge [sflag:s23], $0x1  }
0xa3: {  	[sflag:s23] =	ssyncset.done $0x0  }
0xa4: {  	s25 =	simm.s32 $0x1B8E;
	s24 =	sld [smem:$0x3FFE];
	[sflag:s23] =	ssyncadd.s32 $0xFFFFFFFF  }
0xa5: {  	s26 =	simm.s32 $execute0_lowered;
	[smem:$0x3FD2] =	sst s25  }
0xa6: {  	s5 =	sshll.u32 s26, $0x1;
	_ =	strace $0x80000046;
	[dreg:$0x1] =	wrdreg $0xFFFFFFFF  }
0xa7: {  	s28 =	simm.s32 $_size_execute0_lowered;
	s3 =	sadd.s32 s3, s5;
	[dreg:$0x0] =	wrdreg $0x0  }
0xa8: {  	s5 =	sshll.u32 s28, $0x1;
	[dreg:$0x2] =	wrdreg s3  }
0xa9: {  	[dreg:$0x3] =	wrdreg s5  }
0xaa: {  	[dreg:$0x4] =	wrdreg $0xC0  }
0xab: {  	_ =	task [dreg:s7], $0x5FFFF  }
0xac: {  	[dreg:$0x1] =	wrdreg $0xFFFFFFFF  }
0xad: {  	[dreg:$0x0] =	wrdreg $0x60  }
0xae: {  	[dreg:$0x2] =	wrdreg s24  }
0xaf: {  	[dreg:$0x3] =	wrdreg s2  }
0xb0: {  	[dreg:$0x4] =	wrdreg $0x71000  }
0xb1: {  	[dreg:$0x5] =	wrdreg $0x9  }
0xb2: {  	_ =	task.clear_ibuf [dreg:s7], $0x6FFFF;
	_ =	strace $0x90000046  }
0xb3: {  	s29 =	simm.s32 $0x9;
	_ =	strace $0x80000048  }
0xb4: {  	_ =	swait.ge [sflag:s29], $0x1  }
0xb5: {  	[sflag:s29] =	ssyncadd.s32 $0xFFFFFFFF  }
0xb6: {  	_ =	strace $0x90000048  }
0xb7: {  	_ =	sfence  }
0xb8: {  	s30 =	sld [smem:$0x0];
	_ =	sdelay $0x2  }
0xb9: {  	s31 =	sshll.u32 s1, $0xD;
	s1 =	sshrl.u32 s1, $0x2  }
0xba: {  	s3 =	sand.u32 $0x4000, s31;
	s1 =	sadd.s32 s1, s30  }
0xbb: {  	s0 =	sor.u32 s3, s0;
	s1 =	sshll.u32 s1, $0x11  }
0xbc: {  	s0 =	sor.u32 s1, s0  }
0xbd: {  	s0 =	sadd.s32 $0x8F2B, s0  }
0xbe: {  	[sflag:s0] =	ssyncadd.remote.s32 $0x1  }
0xbf: {  	_ =	sfence.sel $0xFFFF  }
0xc0: {  	[dreg:$0x0] =	wrdreg $0xFFFFFFFF;
	(pc) =	sbr.abs _section_cstart, $3  }
0xc1: {  	[dreg:$0x1] =	wrdreg $0xFFFFFFFF  }
0xc2: {  	_ =	task.clear_ibuf [dreg:s7], $0x2FFFF;
	_ =	strace $0x9FFFFFFF  }
0xc3: {  	(tm) =	ssettm $0x7FFFFFFF  }
tec
execute0_lowered:
.L_overlay_start_1:
0x0: {  	(tag) =	ssettag $0x1  }
0x1: {  	s5 =	rddreg [dreg:$0x0]  }
0x2: {  	s6 =	rddreg [dreg:$0x1]  }
0x3: {  	s0 =	srdreg.scid;
	s2 =	rddreg [dreg:$0x2];
	s3 =	simm.s32 $0x0  }
0x4: {  	s11 =	simm.s32 $0x6400;
	s4 =	sand.u32 $0x1, s0;
	s0 =	stileid.u32  }
0x5: {  	[smem:$0x7FF] =	sst s3;
	s1 =	sshll.u32 s4, $0x4;
	s8 =	smul.u32 $0xC80, s0  }
0x6: {  	s9 =	ssub.s32 $0x2, s4;
	s4 =	smul.u32 $0xC800, s4;
	s12 =	sshll.u32 s0, $0x6  }
0x7: {  	s1 =	sor.u32 s0, s1;
	s10 =	sshrl.u32 s9, $0x1;
	s12 =	sor.u32 $0x1C01, s12  }
0x8: {  	s7 =	smul.u32 $0xC80, s1;
	s1 =	rddreg [dreg:$0x3];
	_ =	strace $0x80000047  }
0x9: {  	s29 =	ssub.s32 s9, s10;
	s30 =	sadd.s32 s8, s4;
	s4 =	sadd.s32 s8, s2  }
0xa: {  	s8 =	simm.s32 $0x6480;
	s9 =	simm.s32 $0x1;
	s10 =	simm.s32 $0x80  }
0xb: {  	s31 =	sshrl.u32 s30, $0x3;
	s13 =	sshrl.u32 s4, $0x3;
	s5 =	sadd.s32 s7, s5  }
0xc: {  	v0 =	vimm.f32 $1.000000000e+00;
	v1 =	vimm.f32 $0.0e+00;
	s6 =	sadd.s32 s6, s31;
	s7 =	smax.u32 s29, $0x1;
	s5 =	sadd.s32 $0x1A00, s5  }
.LBB2_1:
0xd: {  	[tilespmem:$0x6400] =	vst v0  }
0xe: {  	[tilespmem:$0x6410] =	vst v0  }
0xf: {  	[tilespmem:$0x6420] =	vst v0  }
0x10: {  	[tilespmem:$0x6430] =	vst v0  }
0x11: {  	[tilespmem:$0x6440] =	vst v0  }
0x12: {  	[tilespmem:$0x6450] =	vst v0  }
0x13: {  	[tilespmem:$0x6460] =	vst v0  }
0x14: {  	[tilespmem:$0x6470] =	vst v0;
	s14 =	simm.s32 $0x40;
	s15 =	simm.s32 $0x0  }
.LBB2_2:
0x15: {  	p0 =	sne.s32 s14, $0x31C0;
	[tilespmem:s15+$0x6480] =	vst v1;
	s15 =	smov.u32 s14;
	s14 =	sadd.s32 $0x40, s14  }
.Ltmp0:
0x16: {  	(pc) =	sbr.rel @p0 .LBB2_2-.Ltmp0, $2  }
0x17: {  	_ =	sdelay $0x2  }
0x18: {  	s15 =	sshra.s32 s15, $0x2  }
0x19: {  	[tilespmem:s15+$0x6480] =	vst v1  }
0x1a: {  	[spmem:s4] =	stream.linear.scatter [tilespmem:s8], [sflag:$0x1], $0xC80, $0x38;
	[tilespmem:$0x7D80] =	vst v63  }
0x1b: {  	_ =	swait.ge [sflag:s9], $0xC80  }
0x1c: {  	[sflag:s9] =	ssyncset.done $0x0  }
0x1d: {  	[sflag:s9] =	ssyncadd.s32 $0xFFFFF380  }
0x1e: {  	s14 =	simm.s32 $0x0;
	[bflag:$0x0] =	sbarrier.arrive $0xFFFF  }
0x1f: {  	[tilespmem:s14], [sflag:$0x1] =	stream.linear.gather [hbm4b:s5+s14], $0x6400, $0x38;
	[tilespmem:$0x7D80] =	vst v63  }
0x20: {  	_ =	swait.ge [sflag:s9], $0x6400  }
0x21: {  	[sflag:s9] =	ssyncset.done $0x0  }
0x22: {  	s31 =	simm.s32 $0x0;
	[sflag:s9] =	ssyncadd.s32 $0xFFFF9C00  }
0x23: {  	[spmem:s2] =	stream.indirect.scatter.add.f32 [tilespmem:s11], [sflag:$0x1], $0x1, s31, s10, $0xb8;
	[tilespmem:$0x7D80] =	vst v63  }
0x24: {  	_ =	swait.ge [sflag:s9], $0x80  }
0x25: {  	s14 =	simm.s32 $0x200;
	[sflag:s9] =	ssyncset.done $0x0  }
.LBB2_4:
0x26: {  	s15 =	sshra.s32 s14, $0x2;
	[sflag:s9] =	ssyncadd.s32 $0xFFFFFF80;
	p0 =	sne.s32 s14, $0x18E00  }
0x27: {  	[spmem:s2] =	stream.indirect.scatter.add.f32 [tilespmem:s11], [sflag:$0x1], $0x1, s15, s10, $0xb8;
	[tilespmem:$0x7D80] =	vst v63  }
.Ltmp1:
0x28: {  	_ = 	snop;
	(pc) =	sbr.rel @p0 .LBB2_4-.Ltmp1, $4  }
0x29: {  	_ = 	snop  }
0x2a: {  	s14 =	sadd.s32 $0x200, s14  }
0x2b: {  	_ =	swait.ge [sflag:s9], $0x80  }
0x2c: {  	[sflag:s9] =	ssyncset.done $0x0  }
0x2d: {  	s3 =	sadd.s32 $0x1, s3  }
0x2e: {  	[sflag:s9] =	ssyncadd.s32 $0xFFFFFF80;
	p0 =	sne.s32 s3, s7  }
.Ltmp2:
0x2f: {  	[bflag:$0x0] =	sbarrier.arrive $0xFFFF;
	(pc) =	sbr.rel @p0 .LBB2_1-.Ltmp2, $4  }
0x30: {  	[hbm:s6], [sflag:s12] =	dma.local [spmem:s13], $0x190  }
0x31: {  	_ =	swait.ge [sflag:s9], $0x190  }
0x32: {  	[sflag:s9] =	ssyncset.done $0x0  }
0x33: {  	[sflag:s9] =	ssyncadd.s32 $0xFFFFFE70  }
0x34: {  	_ =	sfence.sel $0x180000  }
0x35: {  	[bflag:$0x0] =	sbarrier.arrive $0xFFFF  }
0x36: {  	p0 =	sne.s32 s0, $0x0;
	_ =	strace $0x90000047  }
0x37: {  	s0 =	sadd.s32 @!p0 $0x100000, s1;
	[bflag:$0x2] =	sbarrier.arrive $0xFFFF  }
0x38: {  	[sflag:s0] =	ssyncadd.tile.s32 @!p0 $0x1;
	_ =	shalt  }
.Lfunc_end2:
_tile_overlayer_lowered:
.L_overlay_start_2:
0x39: {  	(tag) =	ssettag $0x2  }
0x3a: {  	s0 =	rddreg [dreg:$0x0];
	s2 =	stileid.u32  }
0x3b: {  	s1 =	rddreg [dreg:$0x1];
	p0 =	sne.s32 s2, $0x0  }
0x3c: {  	s3 =	rddreg [dreg:$0x2];
	[bflag:$0x3] =	sbarrier.arrive $0xFFFF;
	s2 =	simm.s32 @!p0 $0x1C01  }
0x3d: {  	[timem:s3], [sflag:s2] =	dma.local @!p0 [hbm:s0], s1  }
0x3e: {  	s0 =	simm.s32 @!p0 $0x1  }
0x3f: {  	_ =	swait.ge @!p0 [sflag:s0], s1  }
0x40: {  	s1 =	ssub.s32 @!p0 $0x0, s1;
	[sflag:s0] =	ssyncset.done @!p0 $0x0  }
0x41: {  	[sflag:s0] =	ssyncadd.s32 @!p0 s1  }
0x42: {  	[bflag:$0x3] =	sbarrier.arrive $0xFFFF  }
0x43: {  	_ =	shalt  }

// kernel: kernel.9.cloned.1.call-start
scs
__scs_entry_jumppad:
0x0: {  	(pc) =	sbr.rel $0x88, $3  }
0x1: {  	(tag) =	ssettag $0x0;
	lr =	simm.s32 $0x1  }
0x2: {  	[smem:$0x3F94] =	sst lr;
	_ =	strace $0xD0000000  }
0x3: {  	_ = 	snop  }
0x4: {  	_ = 	snop  }
0x5: {  	_ = 	snop  }
0x6: {  	_ = 	snop  }
0x7: {  	_ = 	snop  }
__scs_overlays_trampoline_lowered:
0x8: {  	[smem:$0x3FA3] =	sst s0  }
0x9: {  	[smem:$0x3FA4] =	sst s1  }
0xa: {  	[smem:$0x3FA5] =	sst s2  }
0xb: {  	[smem:$0x3FA6] =	sst s3  }
0xc: {  	[smem:$0x3FA7] =	sst s4  }
0xd: {  	[smem:$0x3FA8] =	sst s5  }
0xe: {  	[smem:$0x3FA9] =	sst s6  }
0xf: {  	[smem:$0x3FAA] =	sst s7  }
0x10: {  	[smem:$0x3FAB] =	sst s8  }
0x11: {  	[smem:$0x3FAC] =	sst s9;
	s0 =	simm.s32 @!p0 $0x0  }
0x12: {  	s1 =	sld [smem:$0x3F92];
	s0 =	simm.s32 @p0 $0x1  }
0x13: {  	[smem:$0x3FAD] =	sst s0;
	s0 =	simm.s32 @!p1 $0x0  }
0x14: {  	s2 =	sld [smem:$0x3F91];
	s0 =	simm.s32 @p1 $0x1  }
0x15: {  	[smem:$0x3FAE] =	sst s0;
	s0 =	simm.s32 @!p2 $0x0  }
0x16: {  	s3 =	sld [smem:$0x3FDB];
	s0 =	simm.s32 @p2 $0x1  }
0x17: {  	s4 =	simm.s32 $0x1BF5;
	[smem:$0x3FB0] =	sst s0  }
0x18: {  	s0 =	sld [smem:$0x3F93];
	_ =	swait.ge [sflag:s4], $0x0  }
0x19: {  	s7 =	sld [smem:$0x3F94]  }
0x1a: {  	s8 =	sadd.s32 $0xFFFFE003, lr  }
0x1b: {  	s9 =	sadd.s32 $0xFFFFFEF7, lr;
	s5 =	simm.s32 $0xFFFFFFFF;
	p2 =	slt.u32 s8, $0xFFFFF086  }
0x1c: {  	p1 =	slt.u32 s9, $0xF7A;
	s5 =	simm.s32 @!p2 $0x0  }
0x1d: {  	s5 =	simm.s32 @p1 $0x1;
	p0 =	seq.s32 s7, s2  }
0x1e: {  	s7 =	smul.u32 @!p0 $0xF7A, s2;
	p2 =	seq.s32 @!p0 s5, $0x0  }
0x1f: {  	s9 =	smul.u32 $0xF7A, s1;
	s8 =	simm.s32 @!p0 $0x1BF5;
	p2 =	por !p2, p0  }
0x20: {  	[sflag:s8] =	ssyncset.s32 @!p0 $0xFFFFF086;
	s6 =	sadd.s32 @!p0 s3, s7;
	s7 =	simm.s32 @!p0 $0x108  }
0x21: {  	s3 =	sadd.s32 s3, s9;
	s6 =	sadd.s32 @!p0 $0x88, s6;
	s7 =	simm.s32 @p2 $0x1082  }
0x22: {  	[simem:s7], [sflag:s8] =	dma.local @!p0 [hbm:s6], $0xF7A  }
0x23: {  	s9 =	sor.u32 $0xD0000000, s2;
	s6 =	simm.s32 $0x108;
	_ =	swait.ge @!p0 [sflag:s8], $0x0  }
0x24: {  	s3 =	sadd.s32 $0x88, s3;
	s6 =	simm.s32 @!p1 $0x1082;
	[sflag:s4] =	ssyncset.s32 $0xFFFFF086  }
0x25: {  	[simem:s6], [sflag:s4] =	dma.local [hbm:s3], $0xF7A  }
0x26: {  	[smem:$0x3F94] =	sst s1;
	(tag) =	ssettag s2;
	_ =	strace s9  }
0x27: {  	s1 =	sld [smem:$0x3FA4]  }
0x28: {  	s2 =	sld [smem:$0x3FA5]  }
0x29: {  	s4 =	sld [smem:$0x3FA7]  }
0x2a: {  	p0 =	seq.s32 s5, $0x0;
	s5 =	sld [smem:$0x3FA8]  }
0x2b: {  	s6 =	sld [smem:$0x3FA9]  }
0x2c: {  	s7 =	sld [smem:$0x3FAA]  }
0x2d: {  	s3 =	simm.s32 $0x108;
	s8 =	sld [smem:$0x3FAB]  }
0x2e: {  	s3 =	simm.s32 @!p0 $0x1082;
	s9 =	sld [smem:$0x3FAC]  }
0x2f: {  	lr =	sadd.s32 s0, s3;
	s0 =	sld [smem:$0x3FA3]  }
0x30: {  	s3 =	sld [smem:$0x3FA6]  }
0x31: {  	[smem:$0x3FAF] =	sst s10  }
0x32: {  	s10 =	sld [smem:$0x3FAD];
	_ =	sdelay $0x3  }
0x33: {  	p0 =	seq.s32 s10, $0x1;
	s10 =	sld [smem:$0x3FAF];
	_ =	sdelay $0x3  }
0x34: {  	[smem:$0x3FAF] =	sst s10  }
0x35: {  	s10 =	sld [smem:$0x3FAE];
	_ =	sdelay $0x3  }
0x36: {  	p1 =	seq.s32 s10, $0x1;
	s10 =	sld [smem:$0x3FAF];
	_ =	sdelay $0x3  }
0x37: {  	[smem:$0x3FAF] =	sst s10  }
0x38: {  	s10 =	sld [smem:$0x3FB0]  }
0x39: {  	_ = 	snop;
	(pc) =	sbr.ind lr, $3  }
0x3a: {  	_ = 	snop  }
0x3b: {  	_ = 	snop  }
0x3c: {  	p2 =	seq.s32 s10, $0x1;
	s10 =	sld [smem:$0x3FAF]  }
0x3d: {  	_ =	shalt  }
0x3e: {  	_ =	shalt  }
0x3f: {  	_ =	shalt  }
0x40: {  	_ =	shalt  }
0x41: {  	_ =	shalt  }
0x42: {  	_ =	shalt  }
0x43: {  	_ =	shalt  }
0x44: {  	_ =	shalt  }
0x45: {  	_ =	shalt  }
0x46: {  	_ =	shalt  }
0x47: {  	_ =	shalt  }
0x48: {  	_ =	shalt  }
0x49: {  	_ =	shalt  }
0x4a: {  	_ =	shalt  }
0x4b: {  	_ =	shalt  }
0x4c: {  	_ =	shalt  }
0x4d: {  	_ =	shalt  }
0x4e: {  	_ =	shalt  }
0x4f: {  	_ =	shalt  }
0x50: {  	_ =	shalt  }
0x51: {  	_ =	shalt  }
0x52: {  	_ =	shalt  }
0x53: {  	_ =	shalt  }
0x54: {  	_ =	shalt  }
0x55: {  	_ =	shalt  }
0x56: {  	_ =	shalt  }
0x57: {  	_ =	shalt  }
0x58: {  	_ =	shalt  }
0x59: {  	_ =	shalt  }
0x5a: {  	_ =	shalt  }
0x5b: {  	_ =	shalt  }
0x5c: {  	_ =	shalt  }
0x5d: {  	_ =	shalt  }
0x5e: {  	_ =	shalt  }
0x5f: {  	_ =	shalt  }
0x60: {  	_ =	shalt  }
0x61: {  	_ =	shalt  }
0x62: {  	_ =	shalt  }
0x63: {  	_ =	shalt  }
0x64: {  	_ =	shalt  }
0x65: {  	_ =	shalt  }
0x66: {  	_ =	shalt  }
0x67: {  	_ =	shalt  }
0x68: {  	_ =	shalt  }
0x69: {  	_ =	shalt  }
0x6a: {  	_ =	shalt  }
0x6b: {  	_ =	shalt  }
0x6c: {  	_ =	shalt  }
0x6d: {  	_ =	shalt  }
0x6e: {  	_ =	shalt  }
0x6f: {  	_ =	shalt  }
0x70: {  	_ =	shalt  }
0x71: {  	_ =	shalt  }
0x72: {  	_ =	shalt  }
0x73: {  	_ =	shalt  }
0x74: {  	_ =	shalt  }
0x75: {  	_ =	shalt  }
0x76: {  	_ =	shalt  }
0x77: {  	_ =	shalt  }
0x78: {  	_ =	shalt  }
0x79: {  	_ =	shalt  }
0x7a: {  	_ =	shalt  }
0x7b: {  	_ =	shalt  }
0x7c: {  	_ =	shalt  }
0x7d: {  	_ =	shalt  }
0x7e: {  	_ =	shalt  }
0x7f: {  	_ =	shalt  }
0x80: {  	_ =	shalt  }
0x81: {  	_ =	shalt  }
0x82: {  	_ =	shalt  }
0x83: {  	_ =	shalt  }
0x84: {  	_ =	shalt  }
0x85: {  	_ =	shalt  }
0x86: {  	_ =	shalt  }
0x87: {  	_ =	shalt  }
.Lfunc_end0:
.L_simem_size_0:
called_computation.1_lowered:
.L_overlay_start_0:
0x88: {  	s2 =	sld [smem:$0x3FD9]  }
0x89: {  	s3 =	sld [smem:$0x3FFE];
	_ =	sdelay $0x1  }
0x8a: {  	s1 =	srdreg.scid  }
0x8b: {  	s0 =	sand.u32 $0x1, s1  }
0x8c: {  	s16 =	sshll.u32 s0, $0xA;
	s2 =	sadd.s32 s3, s2  }
0x8d: {  	s2 =	sadd.s32 s2, s16  }
0x8e: {  	[smem:$0x3FBB] =	sst s2  }
0x8f: {  	_ = 	snop  }
0x90: {  	(tm) =	ssettm $0x1  }
0x91: {  	s17 =	sld [smem:$0x3FFB];
	_ =	sdelay $0x3  }
0x92: {  	_ =	strace s17  }
0x93: {  	s2 =	sld [smem:$0x3FFC];
	_ =	sdelay $0x3  }
0x94: {  	_ =	strace s2  }
0x95: {  	s2 =	sld [smem:$0x3FFD];
	_ =	sdelay $0x3  }
0x96: {  	_ =	strace s2  }
0x97: {  	_ =	strace $0x8FFFFFFF  }
0x98: {  	s18 =	sld [smem:$0x3FDB];
	_ =	sdelay $0x1  }
0x99: {  	s19 =	simm.s32 $_scs_section_size  }
0x9a: {  	s4 =	simm.s32 $_size__tile_overlayer_lowered;
	s5 =	simm.s32 $_tile_overlayer_lowered  }
0x9b: {  	s22 =	simm.s32 $0x1BFF;
	s21 =	sshll.u32 s5, $0x1;
	s2 =	sadd.s32 s19, s18  }
0x9c: {  	s6 =	simm.s32 $0x0;
	s20 =	sshll.u32 s4, $0x1;
	s4 =	sadd.s32 s21, s2  }
0x9d: {  	[timem:s6], [sflag:s22] =	dma.local [hbm:s4], s20  }
0x9e: {  	_ =	swait.ge [sflag:s22], s20  }
0x9f: {  	s3 =	ssub.s32 $0x0, s20;
	[sflag:s22] =	ssyncset.done $0x0  }
0xa0: {  	[sflag:s22] =	ssyncadd.s32 s3;
	_ =	sdelay $0x1  }
0xa1: {  	s23 =	simm.s32 $0x1B8B  }
0xa2: {  	_ =	swait.ge [sflag:s23], $0x1  }
0xa3: {  	[sflag:s23] =	ssyncset.done $0x0  }
0xa4: {  	s25 =	simm.s32 $0x1B8E;
	s24 =	sld [smem:$0x3FFE];
	[sflag:s23] =	ssyncadd.s32 $0xFFFFFFFF  }
0xa5: {  	s26 =	simm.s32 $execute0_lowered;
	[smem:$0x3FD2] =	sst s25  }
0xa6: {  	s4 =	sshll.u32 s26, $0x1;
	_ =	strace $0x80000049;
	[dreg:$0x1] =	wrdreg $0xFFFFFFFF  }
0xa7: {  	s28 =	simm.s32 $_size_execute0_lowered;
	s2 =	sadd.s32 s2, s4;
	[dreg:$0x0] =	wrdreg $0x0  }
0xa8: {  	s4 =	sshll.u32 s28, $0x1;
	[dreg:$0x2] =	wrdreg s2  }
0xa9: {  	[dreg:$0x3] =	wrdreg s4  }
0xaa: {  	[dreg:$0x4] =	wrdreg $0xC0  }
0xab: {  	_ =	task [dreg:s6], $0x5FFFF  }
0xac: {  	[dreg:$0x1] =	wrdreg $0xFFFFFFFF  }
0xad: {  	[dreg:$0x0] =	wrdreg $0x60  }
0xae: {  	[dreg:$0x2] =	wrdreg s24  }
0xaf: {  	[dreg:$0x3] =	wrdreg $0x38000  }
0xb0: {  	[dreg:$0x4] =	wrdreg $0x9  }
0xb1: {  	_ =	task.clear_ibuf [dreg:s6], $0x5FFFF;
	_ =	strace $0x90000049  }
0xb2: {  	s29 =	simm.s32 $0x9;
	_ =	strace $0x8000004B  }
0xb3: {  	_ =	swait.ge [sflag:s29], $0x1  }
0xb4: {  	[sflag:s29] =	ssyncadd.s32 $0xFFFFFFFF  }
0xb5: {  	_ =	strace $0x9000004B  }
0xb6: {  	_ =	sfence  }
0xb7: {  	s30 =	sld [smem:$0x0];
	_ =	sdelay $0x2  }
0xb8: {  	s31 =	sshll.u32 s1, $0xD;
	s1 =	sshrl.u32 s1, $0x2  }
0xb9: {  	s3 =	sand.u32 $0x4000, s31;
	s1 =	sadd.s32 s1, s30  }
0xba: {  	s0 =	sor.u32 s3, s0;
	s1 =	sshll.u32 s1, $0x11  }
0xbb: {  	s0 =	sor.u32 s1, s0  }
0xbc: {  	s0 =	sadd.s32 $0x8F2B, s0  }
0xbd: {  	[sflag:s0] =	ssyncadd.remote.s32 $0x1  }
0xbe: {  	_ =	sfence.sel $0xFFFF  }
0xbf: {  	[dreg:$0x0] =	wrdreg $0xFFFFFFFF;
	(pc) =	sbr.abs _section_cstart, $3  }
0xc0: {  	[dreg:$0x1] =	wrdreg $0xFFFFFFFF  }
0xc1: {  	_ =	task.clear_ibuf [dreg:s6], $0x2FFFF;
	_ =	strace $0x9FFFFFFF  }
0xc2: {  	(tm) =	ssettm $0x7FFFFFFF  }
0xc3: {  	_ =	shalt  }
tec
execute0_lowered:
.L_overlay_start_1:
0x0: {  	(tag) =	ssettag $0x1  }
0x1: {  	s0 =	srdreg.scid;
	s1 =	rddreg [dreg:$0x0]  }
0x2: {  	s9 =	stileid.u32;
	s2 =	rddreg [dreg:$0x1];
	s3 =	simm.s32 $0x0  }
0x3: {  	s22 =	simm.s32 $0x100;
	s24 =	simm.s32 $0x180;
	s25 =	simm.s32 $0x880  }
0x4: {  	s26 =	simm.s32 $0x900;
	s10 =	simm.s32 $0x300;
	s11 =	simm.s32 $0x380  }
0x5: {  	s12 =	simm.s32 $0xA00;
	s13 =	simm.s32 $0xA80;
	[smem:$0x7FF] =	sst s3  }
0x6: {  	s14 =	simm.s32 $0xB00;
	_ =	strace $0x8000004A;
	[dreg:$0x5] =	wrdreg s22  }
0x7: {  	s15 =	simm.s32 $0xB80;
	s16 =	simm.s32 $0x400;
	[dreg:$0x6] =	wrdreg s24  }
0x8: {  	s17 =	simm.s32 $0x480;
	s18 =	simm.s32 $0x500;
	[dreg:$0x7] =	wrdreg s25  }
0x9: {  	s28 =	simm.s32 $0xE00;
	s6 =	smul.u32 $0xC800, s9;
	[dreg:$0x8] =	wrdreg s26  }
0xa: {  	s29 =	simm.s32 $0xE80;
	s7 =	smul.u32 $0x1900, s9;
	[dreg:$0xc] =	wrdreg s10  }
0xb: {  	s0 =	sand.u32 $0x1, s0;
	s9 =	smul.u32 $0x32000, s9;
	[dreg:$0xd] =	wrdreg s11  }
0xc: {  	s30 =	simm.s32 $0xF00;
	s4 =	smul.u32 $0x186A0, s0;
	[dreg:$0xe] =	wrdreg s12  }
0xd: {  	s31 =	simm.s32 $0xF80;
	s5 =	smul.u32 $0xC8000, s0;
	[dreg:$0xf] =	wrdreg s13  }
0xe: {  	s0 =	ssub.s32 $0x2, s0;
	s10 =	simm.s32 $0x800;
	[dreg:$0x10] =	wrdreg s14  }
0xf: {  	s11 =	simm.s32 $0x80;
	s12 =	simm.s32 $0x1000;
	[dreg:$0x11] =	wrdreg s15  }
0x10: {  	s13 =	simm.s32 $0x1800;
	s14 =	simm.s32 $0x2000;
	[dreg:$0x12] =	wrdreg s16  }
0x11: {  	s15 =	simm.s32 $0x2800;
	s16 =	simm.s32 $0x1;
	[dreg:$0x13] =	wrdreg s17  }
0x12: {  	s17 =	simm.s32 $0x2;
	[dreg:$0x14] =	wrdreg s18;
	s18 =	simm.s32 $0x3  }
0x13: {  	s22 =	simm.s32 $0xD00;
	s24 =	simm.s32 $0x600;
	s25 =	simm.s32 $0x680  }
0x14: {  	s20 =	sadd.s32 s7, s1;
	s21 =	sshrl.u32 s0, $0x1;
	[dreg:$0x18] =	wrdreg s22  }
0x15: {  	s23 =	sshrl.u32 s9, $0x2;
	s9 =	simm.s32 $0x280;
	[dreg:$0x1a] =	wrdreg s24  }
0x16: {  	s22 =	simm.s32 $0x7;
	[dreg:$0x1b] =	wrdreg s25;
	s24 =	simm.s32 $0x700  }
0x17: {  	s8 =	sadd.s32 s4, s1;
	s19 =	sadd.s32 s6, s5;
	s7 =	sadd.s32 $0x1A00, s20  }
0x18: {  	s5 =	sadd.s32 $0x1AA00, s20;
	s0 =	ssub.s32 s0, s21;
	[dreg:$0xb] =	wrdreg s9  }
0x19: {  	s6 =	sadd.s32 s6, s2;
	s9 =	simm.s32 $0x9;
	[dreg:$0x3] =	wrdreg s7  }
0x1a: {  	s20 =	simm.s32 $0xC00;
	s21 =	simm.s32 $0xC80;
	[dreg:$0x4] =	wrdreg s5  }
0x1b: {  	s4 =	sshrl.u32 s19, $0x3;
	s5 =	sadd.s32 $0x33A00, s8;
	[dreg:$0x16] =	wrdreg s20  }
0x1c: {  	s7 =	simm.s32 $0x980;
	s8 =	simm.s32 $0x200;
	[dreg:$0x17] =	wrdreg s21  }
0x1d: {  	s0 =	smax.u32 s0, $0x1;
	s19 =	simm.s32 $0x580;
	[dreg:$0x9] =	wrdreg s7  }
0x1e: {  	s20 =	simm.s32 $0x5;
	s21 =	simm.s32 $0x6;
	[dreg:$0x1d] =	wrdreg s0  }
0x1f: {  	s26 =	sshrl.u32 s6, $0x3;
	s1 =	sadd.s32 s4, s1;
	[dreg:$0xa] =	wrdreg s8  }
0x20: {  	s4 =	sadd.s32 s23, s2;
	s8 =	simm.s32 $0x3000;
	[dreg:$0x15] =	wrdreg s19  }
0x21: {  	s19 =	simm.s32 $0x4;
	s23 =	simm.s32 $0xD80;
	[dreg:$0x1e] =	wrdreg s26  }
0x22: {  	s26 =	simm.s32 $0x780;
	s1 =	sadd.s32 $0x64800, s1;
	[dreg:$0x19] =	wrdreg s23  }
0x23: {  	v0 =	vimm.f32 $0.0e+00;
	s23 =	simm.s32 $0x8;
	[dreg:$0x1c] =	wrdreg s1;
	s1 =	simm.s32 $0x0  }
.LBB2_1:
0x24: {  	s0 =	simm.s32 $0x0  }
.LBB2_2:
0x25: {  	p0 =	sne.s32 s0, $0x1FC0  }
.Ltmp0:
0x26: {  	_ = 	snop;
	(pc) =	sbr.rel @p0 .LBB2_2-.Ltmp0, $3  }
0x27: {  	_ =	sdelay $0x1  }
0x28: {  	s6 =	sshra.s32 s0, $0x2  }
0x29: {  	s0 =	sadd.s32 $0x40, s0;
	[tilespmem:s6+$0x3000] =	vst v0  }
0x2a: {  	s0 =	sadd.s32 $0x0, s4  }
0x2b: {  	[spmem:s0] =	stream.linear.scatter [tilespmem:s8], [sflag:$0x9], $0x800, $0x38;
	[tilespmem:$0x10000] =	vst v63  }
0x2c: {  	s0 =	simm.s32 $0x2000;
	_ =	swait.ge [sflag:s9], $0x800  }
.LBB2_4:
0x2d: {  	s6 =	sshra.s32 s0, $0x2;
	[sflag:s9] =	ssyncset.done $0x0;
	p0 =	sne.s32 s0, $0x30000  }
.Ltmp1:
0x2e: {  	s6 =	sadd.s32 s6, s4;
	[sflag:s9] =	ssyncadd.s32 $0xFFFFF800;
	(pc) =	sbr.rel @p0 .LBB2_4-.Ltmp1, $3  }
0x2f: {  	[spmem:s6] =	stream.linear.scatter [tilespmem:s8], [sflag:$0x9], $0x800, $0x38;
	[tilespmem:$0x10000] =	vst v63  }
0x30: {  	s0 =	sadd.s32 $0x2000, s0;
	_ =	sdelay $0x1  }
0x31: {  	_ =	swait.ge [sflag:s9], $0x800  }
0x32: {  	[sflag:s9] =	ssyncset.done $0x0  }
0x33: {  	[dreg:$0x1f] =	wrdreg s1;
	p0 =	por $0x1, $0x1;
	[sflag:s9] =	ssyncadd.s32 $0xFFFFF800  }
0x34: {  	s0 =	simm.s32 @!p0 $0x5;
	[bflag:$0x0] =	sbarrier.arrive $0xFFFF  }
0x35: {  	_ =	swait.ge @!p0 [sflag:s0], $0x800  }
0x36: {  	[sflag:s0] =	ssyncset.done @!p0 $0x0  }
0x37: {  	[sflag:s0] =	ssyncadd.s32 @!p0 $0xFFFFF800;
	s0 =	simm.s32 @!p0 $0x6  }
0x38: {  	_ =	swait.ge @!p0 [sflag:s0], $0x800  }
0x39: {  	[sflag:s0] =	ssyncset.done @!p0 $0x0  }
0x3a: {  	[sflag:s0] =	ssyncadd.s32 @!p0 $0xFFFFF800;
	s0 =	simm.s32 @!p0 $0x7  }
0x3b: {  	_ =	swait.ge @!p0 [sflag:s0], $0x800  }
0x3c: {  	[sflag:s0] =	ssyncset.done @!p0 $0x0  }
0x3d: {  	[sflag:s0] =	ssyncadd.s32 @!p0 $0xFFFFF800;
	s0 =	simm.s32 @!p0 $0x8  }
0x3e: {  	_ =	swait.ge @!p0 [sflag:s0], $0x800  }
0x3f: {  	s6 =	rddreg [dreg:$0x4];
	[sflag:s0] =	ssyncset.done @!p0 $0x0  }
0x40: {  	[sflag:s0] =	ssyncadd.s32 @!p0 $0xFFFFF800;
	s25 =	sadd.s32 $0x0, s6  }
0x41: {  	[tilespmem:s3], [sflag:$0x9] =	stream.linear.gather [hbm4b:s25+s3], $0x800, $0x38;
	[tilespmem:$0x10000] =	vst v63  }
0x42: {  	_ =	swait.ge [sflag:s9], $0x800  }
0x43: {  	s1 =	rddreg [dreg:$0x3];
	[sflag:s9] =	ssyncset.done $0x0  }
0x44: {  	[sflag:s9] =	ssyncadd.s32 $0xFFFFF800;
	s0 =	sadd.s32 $0x0, s1  }
0x45: {  	[tilespmem:s10], [sflag:$0x9] =	stream.linear.gather [hbm4b:s0+s3], $0x800, $0x38;
	[tilespmem:$0x10000] =	vst v63  }
0x46: {  	_ =	swait.ge [sflag:s9], $0x800  }
0x47: {  	[sflag:s9] =	ssyncset.done $0x0  }
0x48: {  	[sflag:s9] =	ssyncadd.s32 $0xFFFFF800  }
0x49: {  	[tilespmem:s12], [sflag:$0x1] =	stream.indirect.gather [hbm4b:s5+s11], $0x10, s3, s11, $0xb8;
	[tilespmem:$0x10000] =	vst v63  }
0x4a: {  	_ = 	snop  }
0x4b: {  	[tilespmem:s13], [sflag:$0x2] =	stream.indirect.gather [hbm4b:s5+s11], $0x10, s11, s11, $0xb8;
	[tilespmem:$0x10000] =	vst v63  }
0x4c: {  	s6 =	rddreg [dreg:$0x5]  }
0x4d: {  	[tilespmem:s14], [sflag:$0x3] =	stream.indirect.gather [hbm4b:s5+s11], $0x10, s6, s11, $0xb8;
	[tilespmem:$0x10000] =	vst v63  }
0x4e: {  	s7 =	rddreg [dreg:$0x6]  }
0x4f: {  	[tilespmem:s15], [sflag:$0x4] =	stream.indirect.gather [hbm4b:s5+s11], $0x10, s7, s11, $0xb8;
	[tilespmem:$0x10000] =	vst v63  }
0x50: {  	_ =	swait.ge [sflag:s16], $0x800  }
0x51: {  	[sflag:s16] =	ssyncset.done $0x0  }
0x52: {  	[sflag:s16] =	ssyncadd.s32 $0xFFFFF800  }
0x53: {  	[spmem:s2] =	stream.indirect.scatter.add.f32 [tilespmem:s12], [sflag:$0x5], $0x10, s10, s11, $0xb8;
	[tilespmem:$0x10000] =	vst v63  }
0x54: {  	_ =	swait.ge [sflag:s17], $0x800  }
0x55: {  	[sflag:s17] =	ssyncset.done $0x0  }
0x56: {  	s25 =	rddreg [dreg:$0x7];
	[sflag:s17] =	ssyncadd.s32 $0xFFFFF800  }
0x57: {  	[spmem:s2] =	stream.indirect.scatter.add.f32 [tilespmem:s13], [sflag:$0x6], $0x10, s25, s11, $0xb8;
	[tilespmem:$0x10000] =	vst v63  }
0x58: {  	_ =	swait.ge [sflag:s18], $0x800  }
0x59: {  	[sflag:s18] =	ssyncset.done $0x0  }
0x5a: {  	s1 =	rddreg [dreg:$0x8];
	[sflag:s18] =	ssyncadd.s32 $0xFFFFF800  }
0x5b: {  	[spmem:s2] =	stream.indirect.scatter.add.f32 [tilespmem:s14], [sflag:$0x7], $0x10, s1, s11, $0xb8;
	[tilespmem:$0x10000] =	vst v63  }
0x5c: {  	_ =	swait.ge [sflag:s19], $0x800  }
0x5d: {  	[sflag:s19] =	ssyncset.done $0x0  }
0x5e: {  	s6 =	rddreg [dreg:$0x9];
	[sflag:s19] =	ssyncadd.s32 $0xFFFFF800  }
0x5f: {  	[spmem:s2] =	stream.indirect.scatter.add.f32 [tilespmem:s15], [sflag:$0x8], $0x10, s6, s11, $0xb8;
	[tilespmem:$0x10000] =	vst v63  }
0x60: {  	_ =	swait.ge [sflag:s20], $0x800  }
0x61: {  	[sflag:s20] =	ssyncset.done $0x0  }
0x62: {  	s7 =	rddreg [dreg:$0xa];
	[sflag:s20] =	ssyncadd.s32 $0xFFFFF800  }
0x63: {  	[tilespmem:s12], [sflag:$0x1] =	stream.indirect.gather [hbm4b:s5+s11], $0x10, s7, s11, $0xb8;
	[tilespmem:$0x10000] =	vst v63  }
0x64: {  	_ =	swait.ge [sflag:s21], $0x800  }
0x65: {  	[sflag:s21] =	ssyncset.done $0x0  }
0x66: {  	s25 =	rddreg [dreg:$0xb];
	[sflag:s21] =	ssyncadd.s32 $0xFFFFF800  }
0x67: {  	[tilespmem:s13], [sflag:$0x2] =	stream.indirect.gather [hbm4b:s5+s11], $0x10, s25, s11, $0xb8;
	[tilespmem:$0x10000] =	vst v63  }
0x68: {  	_ =	swait.ge [sflag:s22], $0x800  }
0x69: {  	[sflag:s22] =	ssyncset.done $0x0  }
0x6a: {  	s1 =	rddreg [dreg:$0xc];
	[sflag:s22] =	ssyncadd.s32 $0xFFFFF800  }
0x6b: {  	[tilespmem:s14], [sflag:$0x3] =	stream.indirect.gather [hbm4b:s5+s11], $0x10, s1, s11, $0xb8;
	[tilespmem:$0x10000] =	vst v63  }
0x6c: {  	_ =	swait.ge [sflag:s23], $0x800  }
0x6d: {  	[sflag:s23] =	ssyncset.done $0x0  }
0x6e: {  	s6 =	rddreg [dreg:$0xd];
	[sflag:s23] =	ssyncadd.s32 $0xFFFFF800  }
0x6f: {  	[tilespmem:s15], [sflag:$0x4] =	stream.indirect.gather [hbm4b:s5+s11], $0x10, s6, s11, $0xb8;
	[tilespmem:$0x10000] =	vst v63  }
0x70: {  	_ =	swait.ge [sflag:s16], $0x800  }
0x71: {  	[sflag:s16] =	ssyncset.done $0x0  }
0x72: {  	s7 =	rddreg [dreg:$0xe];
	[sflag:s16] =	ssyncadd.s32 $0xFFFFF800  }
0x73: {  	[spmem:s2] =	stream.indirect.scatter.add.f32 [tilespmem:s12], [sflag:$0x5], $0x10, s7, s11, $0xb8;
	[tilespmem:$0x10000] =	vst v63  }
0x74: {  	_ =	swait.ge [sflag:s17], $0x800  }
0x75: {  	[sflag:s17] =	ssyncset.done $0x0  }
0x76: {  	s25 =	rddreg [dreg:$0xf];
	[sflag:s17] =	ssyncadd.s32 $0xFFFFF800  }
0x77: {  	[spmem:s2] =	stream.indirect.scatter.add.f32 [tilespmem:s13], [sflag:$0x6], $0x10, s25, s11, $0xb8;
	[tilespmem:$0x10000] =	vst v63  }
0x78: {  	_ =	swait.ge [sflag:s18], $0x800  }
0x79: {  	[sflag:s18] =	ssyncset.done $0x0  }
0x7a: {  	s1 =	rddreg [dreg:$0x10];
	[sflag:s18] =	ssyncadd.s32 $0xFFFFF800  }
0x7b: {  	[spmem:s2] =	stream.indirect.scatter.add.f32 [tilespmem:s14], [sflag:$0x7], $0x10, s1, s11, $0xb8;
	[tilespmem:$0x10000] =	vst v63  }
0x7c: {  	_ =	swait.ge [sflag:s19], $0x800  }
0x7d: {  	[sflag:s19] =	ssyncset.done $0x0  }
0x7e: {  	s6 =	rddreg [dreg:$0x11];
	[sflag:s19] =	ssyncadd.s32 $0xFFFFF800  }
0x7f: {  	[spmem:s2] =	stream.indirect.scatter.add.f32 [tilespmem:s15], [sflag:$0x8], $0x10, s6, s11, $0xb8;
	[tilespmem:$0x10000] =	vst v63  }
0x80: {  	_ =	swait.ge [sflag:s20], $0x800  }
0x81: {  	[sflag:s20] =	ssyncset.done $0x0  }
0x82: {  	s7 =	rddreg [dreg:$0x12];
	[sflag:s20] =	ssyncadd.s32 $0xFFFFF800  }
0x83: {  	[tilespmem:s12], [sflag:$0x1] =	stream.indirect.gather [hbm4b:s5+s11], $0x10, s7, s11, $0xb8;
	[tilespmem:$0x10000] =	vst v63  }
0x84: {  	_ =	swait.ge [sflag:s21], $0x800  }
0x85: {  	[sflag:s21] =	ssyncset.done $0x0  }
0x86: {  	s25 =	rddreg [dreg:$0x13];
	[sflag:s21] =	ssyncadd.s32 $0xFFFFF800  }
0x87: {  	[tilespmem:s13], [sflag:$0x2] =	stream.indirect.gather [hbm4b:s5+s11], $0x10, s25, s11, $0xb8;
	[tilespmem:$0x10000] =	vst v63  }
0x88: {  	_ =	swait.ge [sflag:s22], $0x800  }
0x89: {  	[sflag:s22] =	ssyncset.done $0x0  }
0x8a: {  	s1 =	rddreg [dreg:$0x14];
	[sflag:s22] =	ssyncadd.s32 $0xFFFFF800  }
0x8b: {  	[tilespmem:s14], [sflag:$0x3] =	stream.indirect.gather [hbm4b:s5+s11], $0x10, s1, s11, $0xb8;
	[tilespmem:$0x10000] =	vst v63  }
0x8c: {  	_ =	swait.ge [sflag:s23], $0x800  }
0x8d: {  	[sflag:s23] =	ssyncset.done $0x0  }
0x8e: {  	s6 =	rddreg [dreg:$0x15];
	[sflag:s23] =	ssyncadd.s32 $0xFFFFF800  }
0x8f: {  	[tilespmem:s15], [sflag:$0x4] =	stream.indirect.gather [hbm4b:s5+s11], $0x10, s6, s11, $0xb8;
	[tilespmem:$0x10000] =	vst v63  }
0x90: {  	_ =	swait.ge [sflag:s16], $0x800  }
0x91: {  	[sflag:s16] =	ssyncset.done $0x0  }
0x92: {  	s7 =	rddreg [dreg:$0x16];
	[sflag:s16] =	ssyncadd.s32 $0xFFFFF800  }
0x93: {  	[spmem:s2] =	stream.indirect.scatter.add.f32 [tilespmem:s12], [sflag:$0x5], $0x10, s7, s11, $0xb8;
	[tilespmem:$0x10000] =	vst v63  }
0x94: {  	_ =	swait.ge [sflag:s17], $0x800  }
0x95: {  	[sflag:s17] =	ssyncset.done $0x0  }
0x96: {  	s25 =	rddreg [dreg:$0x17];
	[sflag:s17] =	ssyncadd.s32 $0xFFFFF800  }
0x97: {  	[spmem:s2] =	stream.indirect.scatter.add.f32 [tilespmem:s13], [sflag:$0x6], $0x10, s25, s11, $0xb8;
	[tilespmem:$0x10000] =	vst v63  }
0x98: {  	_ =	swait.ge [sflag:s18], $0x800  }
0x99: {  	[sflag:s18] =	ssyncset.done $0x0  }
0x9a: {  	s1 =	rddreg [dreg:$0x18];
	[sflag:s18] =	ssyncadd.s32 $0xFFFFF800  }
0x9b: {  	[spmem:s2] =	stream.indirect.scatter.add.f32 [tilespmem:s14], [sflag:$0x7], $0x10, s1, s11, $0xb8;
	[tilespmem:$0x10000] =	vst v63  }
0x9c: {  	_ =	swait.ge [sflag:s19], $0x800  }
0x9d: {  	[sflag:s19] =	ssyncset.done $0x0  }
0x9e: {  	s6 =	rddreg [dreg:$0x19];
	[sflag:s19] =	ssyncadd.s32 $0xFFFFF800  }
0x9f: {  	[spmem:s2] =	stream.indirect.scatter.add.f32 [tilespmem:s15], [sflag:$0x8], $0x10, s6, s11, $0xb8;
	[tilespmem:$0x10000] =	vst v63  }
0xa0: {  	_ =	swait.ge [sflag:s20], $0x800  }
0xa1: {  	[sflag:s20] =	ssyncset.done $0x0  }
0xa2: {  	s7 =	rddreg [dreg:$0x1a];
	[sflag:s20] =	ssyncadd.s32 $0xFFFFF800  }
0xa3: {  	[tilespmem:s12], [sflag:$0x1] =	stream.indirect.gather [hbm4b:s5+s11], $0x10, s7, s11, $0xb8;
	[tilespmem:$0x10000] =	vst v63  }
0xa4: {  	_ =	swait.ge [sflag:s21], $0x800  }
0xa5: {  	[sflag:s21] =	ssyncset.done $0x0  }
0xa6: {  	s25 =	rddreg [dreg:$0x1b];
	[sflag:s21] =	ssyncadd.s32 $0xFFFFF800  }
0xa7: {  	[tilespmem:s13], [sflag:$0x2] =	stream.indirect.gather [hbm4b:s5+s11], $0x10, s25, s11, $0xb8;
	[tilespmem:$0x10000] =	vst v63  }
0xa8: {  	_ =	swait.ge [sflag:s22], $0x800  }
0xa9: {  	[sflag:s22] =	ssyncset.done $0x0  }
0xaa: {  	[sflag:s22] =	ssyncadd.s32 $0xFFFFF800  }
0xab: {  	[tilespmem:s14], [sflag:$0x3] =	stream.indirect.gather [hbm4b:s5+s11], $0x10, s24, s11, $0xb8;
	[tilespmem:$0x10000] =	vst v63  }
0xac: {  	_ =	swait.ge [sflag:s23], $0x800  }
0xad: {  	[sflag:s23] =	ssyncset.done $0x0  }
0xae: {  	[sflag:s23] =	ssyncadd.s32 $0xFFFFF800  }
0xaf: {  	[tilespmem:s15], [sflag:$0x4] =	stream.indirect.gather [hbm4b:s5+s11], $0x10, s26, s11, $0xb8;
	[tilespmem:$0x10000] =	vst v63  }
0xb0: {  	_ =	swait.ge [sflag:s16], $0x800  }
0xb1: {  	[sflag:s16] =	ssyncset.done $0x0  }
0xb2: {  	[sflag:s16] =	ssyncadd.s32 $0xFFFFF800  }
0xb3: {  	[spmem:s2] =	stream.indirect.scatter.add.f32 [tilespmem:s12], [sflag:$0x5], $0x10, s28, s11, $0xb8;
	[tilespmem:$0x10000] =	vst v63  }
0xb4: {  	_ =	swait.ge [sflag:s17], $0x800  }
0xb5: {  	[sflag:s17] =	ssyncset.done $0x0  }
0xb6: {  	[sflag:s17] =	ssyncadd.s32 $0xFFFFF800  }
0xb7: {  	[spmem:s2] =	stream.indirect.scatter.add.f32 [tilespmem:s13], [sflag:$0x6], $0x10, s29, s11, $0xb8;
	[tilespmem:$0x10000] =	vst v63  }
0xb8: {  	_ =	swait.ge [sflag:s18], $0x800  }
0xb9: {  	[sflag:s18] =	ssyncset.done $0x0  }
0xba: {  	[sflag:s18] =	ssyncadd.s32 $0xFFFFF800  }
0xbb: {  	[spmem:s2] =	stream.indirect.scatter.add.f32 [tilespmem:s14], [sflag:$0x7], $0x10, s30, s11, $0xb8;
	[tilespmem:$0x10000] =	vst v63  }
0xbc: {  	p1 =	por $0x0, $0x0;
	_ =	swait.ge [sflag:s19], $0x800  }
0xbd: {  	s0 =	simm.s32 $0x100;
	s6 =	simm.s32 $0x200;
	[sflag:s19] =	ssyncset.done $0x0  }
.LBB2_6:
0xbe: {  	s7 =	simm.s32 @!p1 $0x5;
	[sflag:s19] =	ssyncadd.s32 $0xFFFFF800  }
0xbf: {  	[spmem:s2] =	stream.indirect.scatter.add.f32 [tilespmem:s15], [sflag:$0x8], $0x10, s31, s11, $0xb8;
	[tilespmem:$0x10000] =	vst v63  }
0xc0: {  	_ =	swait.ge @!p1 [sflag:s7], $0x800  }
0xc1: {  	[sflag:s7] =	ssyncset.done @!p1 $0x0  }
0xc2: {  	[sflag:s7] =	ssyncadd.s32 @!p1 $0xFFFFF800;
	s7 =	simm.s32 @!p1 $0x6  }
0xc3: {  	_ =	swait.ge @!p1 [sflag:s7], $0x800  }
0xc4: {  	[sflag:s7] =	ssyncset.done @!p1 $0x0  }
0xc5: {  	[sflag:s7] =	ssyncadd.s32 @!p1 $0xFFFFF800;
	s7 =	simm.s32 @!p1 $0x7  }
0xc6: {  	_ =	swait.ge @!p1 [sflag:s7], $0x800  }
0xc7: {  	[sflag:s7] =	ssyncset.done @!p1 $0x0  }
0xc8: {  	[sflag:s7] =	ssyncadd.s32 @!p1 $0xFFFFF800;
	s7 =	simm.s32 @!p1 $0x8  }
0xc9: {  	_ =	swait.ge @!p1 [sflag:s7], $0x800  }
0xca: {  	[sflag:s7] =	ssyncset.done @!p1 $0x0;
	s1 =	rddreg [dreg:$0x4]  }
0xcb: {  	[sflag:s7] =	ssyncadd.s32 @!p1 $0xFFFFF800;
	s1 =	sadd.s32 s0, s1  }
0xcc: {  	[tilespmem:s3], [sflag:$0x9] =	stream.linear.gather [hbm4b:s1+s3], $0x800, $0x38;
	[tilespmem:$0x10000] =	vst v63  }
0xcd: {  	_ =	swait.ge [sflag:s9], $0x800  }
0xce: {  	s7 =	rddreg [dreg:$0x3];
	[sflag:s9] =	ssyncset.done $0x0  }
0xcf: {  	[sflag:s9] =	ssyncadd.s32 $0xFFFFF800;
	s1 =	sadd.s32 s0, s7  }
0xd0: {  	[tilespmem:s10], [sflag:$0x9] =	stream.linear.gather [hbm4b:s1+s3], $0x800, $0x38;
	[tilespmem:$0x10000] =	vst v63  }
0xd1: {  	_ =	swait.ge [sflag:s9], $0x800  }
0xd2: {  	[sflag:s9] =	ssyncset.done $0x0  }
0xd3: {  	[sflag:s9] =	ssyncadd.s32 $0xFFFFF800  }
0xd4: {  	[tilespmem:s12], [sflag:$0x1] =	stream.indirect.gather [hbm4b:s5+s11], $0x10, s3, s11, $0xb8;
	[tilespmem:$0x10000] =	vst v63  }
0xd5: {  	_ = 	snop  }
0xd6: {  	[tilespmem:s13], [sflag:$0x2] =	stream.indirect.gather [hbm4b:s5+s11], $0x10, s11, s11, $0xb8;
	[tilespmem:$0x10000] =	vst v63  }
0xd7: {  	s25 =	smov.u32 s6;
	s7 =	rddreg [dreg:$0x5]  }
0xd8: {  	[tilespmem:s14], [sflag:$0x3] =	stream.indirect.gather [hbm4b:s5+s11], $0x10, s7, s11, $0xb8;
	[tilespmem:$0x10000] =	vst v63  }
0xd9: {  	s0 =	smov.u32 s25;
	s25 =	rddreg [dreg:$0x6]  }
0xda: {  	[tilespmem:s15], [sflag:$0x4] =	stream.indirect.gather [hbm4b:s5+s11], $0x10, s25, s11, $0xb8;
	[tilespmem:$0x10000] =	vst v63  }
0xdb: {  	_ =	swait.ge [sflag:s16], $0x800  }
0xdc: {  	[sflag:s16] =	ssyncset.done $0x0  }
0xdd: {  	[sflag:s16] =	ssyncadd.s32 $0xFFFFF800  }
0xde: {  	[spmem:s2] =	stream.indirect.scatter.add.f32 [tilespmem:s12], [sflag:$0x5], $0x10, s10, s11, $0xb8;
	[tilespmem:$0x10000] =	vst v63  }
0xdf: {  	_ =	swait.ge [sflag:s17], $0x800  }
0xe0: {  	[sflag:s17] =	ssyncset.done $0x0  }
0xe1: {  	s25 =	rddreg [dreg:$0x7];
	[sflag:s17] =	ssyncadd.s32 $0xFFFFF800  }
0xe2: {  	[spmem:s2] =	stream.indirect.scatter.add.f32 [tilespmem:s13], [sflag:$0x6], $0x10, s25, s11, $0xb8;
	[tilespmem:$0x10000] =	vst v63  }
0xe3: {  	_ =	swait.ge [sflag:s18], $0x800  }
0xe4: {  	[sflag:s18] =	ssyncset.done $0x0  }
0xe5: {  	s7 =	rddreg [dreg:$0x8];
	[sflag:s18] =	ssyncadd.s32 $0xFFFFF800  }
0xe6: {  	[spmem:s2] =	stream.indirect.scatter.add.f32 [tilespmem:s14], [sflag:$0x7], $0x10, s7, s11, $0xb8;
	[tilespmem:$0x10000] =	vst v63  }
0xe7: {  	_ =	swait.ge [sflag:s19], $0x800  }
0xe8: {  	[sflag:s19] =	ssyncset.done $0x0  }
0xe9: {  	s25 =	rddreg [dreg:$0x9];
	[sflag:s19] =	ssyncadd.s32 $0xFFFFF800  }
0xea: {  	[spmem:s2] =	stream.indirect.scatter.add.f32 [tilespmem:s15], [sflag:$0x8], $0x10, s25, s11, $0xb8;
	[tilespmem:$0x10000] =	vst v63  }
0xeb: {  	_ =	swait.ge [sflag:s20], $0x800  }
0xec: {  	[sflag:s20] =	ssyncset.done $0x0  }
0xed: {  	s7 =	rddreg [dreg:$0xa];
	[sflag:s20] =	ssyncadd.s32 $0xFFFFF800  }
0xee: {  	[tilespmem:s12], [sflag:$0x1] =	stream.indirect.gather [hbm4b:s5+s11], $0x10, s7, s11, $0xb8;
	[tilespmem:$0x10000] =	vst v63  }
0xef: {  	_ =	swait.ge [sflag:s21], $0x800  }
0xf0: {  	[sflag:s21] =	ssyncset.done $0x0  }
0xf1: {  	s25 =	rddreg [dreg:$0xb];
	[sflag:s21] =	ssyncadd.s32 $0xFFFFF800  }
0xf2: {  	[tilespmem:s13], [sflag:$0x2] =	stream.indirect.gather [hbm4b:s5+s11], $0x10, s25, s11, $0xb8;
	[tilespmem:$0x10000] =	vst v63  }
0xf3: {  	_ =	swait.ge [sflag:s22], $0x800  }
0xf4: {  	[sflag:s22] =	ssyncset.done $0x0  }
0xf5: {  	s7 =	rddreg [dreg:$0xc];
	[sflag:s22] =	ssyncadd.s32 $0xFFFFF800  }
0xf6: {  	[tilespmem:s14], [sflag:$0x3] =	stream.indirect.gather [hbm4b:s5+s11], $0x10, s7, s11, $0xb8;
	[tilespmem:$0x10000] =	vst v63  }
0xf7: {  	_ =	swait.ge [sflag:s23], $0x800  }
0xf8: {  	[sflag:s23] =	ssyncset.done $0x0  }
0xf9: {  	s25 =	rddreg [dreg:$0xd];
	[sflag:s23] =	ssyncadd.s32 $0xFFFFF800  }
0xfa: {  	[tilespmem:s15], [sflag:$0x4] =	stream.indirect.gather [hbm4b:s5+s11], $0x10, s25, s11, $0xb8;
	[tilespmem:$0x10000] =	vst v63  }
0xfb: {  	_ =	swait.ge [sflag:s16], $0x800  }
0xfc: {  	[sflag:s16] =	ssyncset.done $0x0  }
0xfd: {  	s7 =	rddreg [dreg:$0xe];
	[sflag:s16] =	ssyncadd.s32 $0xFFFFF800  }
0xfe: {  	[spmem:s2] =	stream.indirect.scatter.add.f32 [tilespmem:s12], [sflag:$0x5], $0x10, s7, s11, $0xb8;
	[tilespmem:$0x10000] =	vst v63  }
0xff: {  	_ =	swait.ge [sflag:s17], $0x800  }
0x100: {  	[sflag:s17] =	ssyncset.done $0x0  }
0x101: {  	s25 =	rddreg [dreg:$0xf];
	[sflag:s17] =	ssyncadd.s32 $0xFFFFF800  }
0x102: {  	[spmem:s2] =	stream.indirect.scatter.add.f32 [tilespmem:s13], [sflag:$0x6], $0x10, s25, s11, $0xb8;
	[tilespmem:$0x10000] =	vst v63  }
0x103: {  	_ =	swait.ge [sflag:s18], $0x800  }
0x104: {  	[sflag:s18] =	ssyncset.done $0x0  }
0x105: {  	s7 =	rddreg [dreg:$0x10];
	[sflag:s18] =	ssyncadd.s32 $0xFFFFF800  }
0x106: {  	[spmem:s2] =	stream.indirect.scatter.add.f32 [tilespmem:s14], [sflag:$0x7], $0x10, s7, s11, $0xb8;
	[tilespmem:$0x10000] =	vst v63  }
0x107: {  	_ =	swait.ge [sflag:s19], $0x800  }
0x108: {  	[sflag:s19] =	ssyncset.done $0x0  }
0x109: {  	s25 =	rddreg [dreg:$0x11];
	[sflag:s19] =	ssyncadd.s32 $0xFFFFF800  }
0x10a: {  	[spmem:s2] =	stream.indirect.scatter.add.f32 [tilespmem:s15], [sflag:$0x8], $0x10, s25, s11, $0xb8;
	[tilespmem:$0x10000] =	vst v63  }
0x10b: {  	_ =	swait.ge [sflag:s20], $0x800  }
0x10c: {  	[sflag:s20] =	ssyncset.done $0x0  }
0x10d: {  	s7 =	rddreg [dreg:$0x12];
	[sflag:s20] =	ssyncadd.s32 $0xFFFFF800  }
0x10e: {  	[tilespmem:s12], [sflag:$0x1] =	stream.indirect.gather [hbm4b:s5+s11], $0x10, s7, s11, $0xb8;
	[tilespmem:$0x10000] =	vst v63  }
0x10f: {  	_ =	swait.ge [sflag:s21], $0x800  }
0x110: {  	[sflag:s21] =	ssyncset.done $0x0  }
0x111: {  	s25 =	rddreg [dreg:$0x13];
	[sflag:s21] =	ssyncadd.s32 $0xFFFFF800  }
0x112: {  	[tilespmem:s13], [sflag:$0x2] =	stream.indirect.gather [hbm4b:s5+s11], $0x10, s25, s11, $0xb8;
	[tilespmem:$0x10000] =	vst v63  }
0x113: {  	_ =	swait.ge [sflag:s22], $0x800  }
0x114: {  	[sflag:s22] =	ssyncset.done $0x0  }
0x115: {  	s7 =	rddreg [dreg:$0x14];
	[sflag:s22] =	ssyncadd.s32 $0xFFFFF800  }
0x116: {  	[tilespmem:s14], [sflag:$0x3] =	stream.indirect.gather [hbm4b:s5+s11], $0x10, s7, s11, $0xb8;
	[tilespmem:$0x10000] =	vst v63  }
0x117: {  	_ =	swait.ge [sflag:s23], $0x800  }
0x118: {  	[sflag:s23] =	ssyncset.done $0x0  }
0x119: {  	s25 =	rddreg [dreg:$0x15];
	[sflag:s23] =	ssyncadd.s32 $0xFFFFF800  }
0x11a: {  	[tilespmem:s15], [sflag:$0x4] =	stream.indirect.gather [hbm4b:s5+s11], $0x10, s25, s11, $0xb8;
	[tilespmem:$0x10000] =	vst v63  }
0x11b: {  	_ =	swait.ge [sflag:s16], $0x800  }
0x11c: {  	[sflag:s16] =	ssyncset.done $0x0  }
0x11d: {  	s7 =	rddreg [dreg:$0x16];
	[sflag:s16] =	ssyncadd.s32 $0xFFFFF800  }
0x11e: {  	[spmem:s2] =	stream.indirect.scatter.add.f32 [tilespmem:s12], [sflag:$0x5], $0x10, s7, s11, $0xb8;
	[tilespmem:$0x10000] =	vst v63  }
0x11f: {  	_ =	swait.ge [sflag:s17], $0x800  }
0x120: {  	[sflag:s17] =	ssyncset.done $0x0  }
0x121: {  	s25 =	rddreg [dreg:$0x17];
	[sflag:s17] =	ssyncadd.s32 $0xFFFFF800  }
0x122: {  	[spmem:s2] =	stream.indirect.scatter.add.f32 [tilespmem:s13], [sflag:$0x6], $0x10, s25, s11, $0xb8;
	[tilespmem:$0x10000] =	vst v63  }
0x123: {  	_ =	swait.ge [sflag:s18], $0x800  }
0x124: {  	[sflag:s18] =	ssyncset.done $0x0  }
0x125: {  	s7 =	rddreg [dreg:$0x18];
	[sflag:s18] =	ssyncadd.s32 $0xFFFFF800  }
0x126: {  	[spmem:s2] =	stream.indirect.scatter.add.f32 [tilespmem:s14], [sflag:$0x7], $0x10, s7, s11, $0xb8;
	[tilespmem:$0x10000] =	vst v63  }
0x127: {  	_ =	swait.ge [sflag:s19], $0x800  }
0x128: {  	[sflag:s19] =	ssyncset.done $0x0  }
0x129: {  	s25 =	rddreg [dreg:$0x19];
	[sflag:s19] =	ssyncadd.s32 $0xFFFFF800  }
0x12a: {  	[spmem:s2] =	stream.indirect.scatter.add.f32 [tilespmem:s15], [sflag:$0x8], $0x10, s25, s11, $0xb8;
	[tilespmem:$0x10000] =	vst v63  }
0x12b: {  	_ =	swait.ge [sflag:s20], $0x800  }
0x12c: {  	[sflag:s20] =	ssyncset.done $0x0  }
0x12d: {  	s7 =	rddreg [dreg:$0x1a];
	[sflag:s20] =	ssyncadd.s32 $0xFFFFF800  }
0x12e: {  	[tilespmem:s12], [sflag:$0x1] =	stream.indirect.gather [hbm4b:s5+s11], $0x10, s7, s11, $0xb8;
	[tilespmem:$0x10000] =	vst v63  }
0x12f: {  	_ =	swait.ge [sflag:s21], $0x800  }
0x130: {  	[sflag:s21] =	ssyncset.done $0x0  }
0x131: {  	s25 =	rddreg [dreg:$0x1b];
	[sflag:s21] =	ssyncadd.s32 $0xFFFFF800  }
0x132: {  	[tilespmem:s13], [sflag:$0x2] =	stream.indirect.gather [hbm4b:s5+s11], $0x10, s25, s11, $0xb8;
	[tilespmem:$0x10000] =	vst v63  }
0x133: {  	_ =	swait.ge [sflag:s22], $0x800  }
0x134: {  	[sflag:s22] =	ssyncset.done $0x0  }
0x135: {  	[sflag:s22] =	ssyncadd.s32 $0xFFFFF800  }
0x136: {  	[tilespmem:s14], [sflag:$0x3] =	stream.indirect.gather [hbm4b:s5+s11], $0x10, s24, s11, $0xb8;
	[tilespmem:$0x10000] =	vst v63  }
0x137: {  	_ =	swait.ge [sflag:s23], $0x800  }
0x138: {  	[sflag:s23] =	ssyncset.done $0x0  }
0x139: {  	[sflag:s23] =	ssyncadd.s32 $0xFFFFF800  }
0x13a: {  	[tilespmem:s15], [sflag:$0x4] =	stream.indirect.gather [hbm4b:s5+s11], $0x10, s26, s11, $0xb8;
	[tilespmem:$0x10000] =	vst v63  }
0x13b: {  	_ =	swait.ge [sflag:s16], $0x800  }
0x13c: {  	[sflag:s16] =	ssyncset.done $0x0  }
0x13d: {  	[sflag:s16] =	ssyncadd.s32 $0xFFFFF800  }
0x13e: {  	[spmem:s2] =	stream.indirect.scatter.add.f32 [tilespmem:s12], [sflag:$0x5], $0x10, s28, s11, $0xb8;
	[tilespmem:$0x10000] =	vst v63  }
0x13f: {  	_ =	swait.ge [sflag:s17], $0x800  }
0x140: {  	[sflag:s17] =	ssyncset.done $0x0  }
0x141: {  	s6 =	sadd.s32 $0x100, s6;
	[sflag:s17] =	ssyncadd.s32 $0xFFFFF800  }
0x142: {  	[spmem:s2] =	stream.indirect.scatter.add.f32 [tilespmem:s13], [sflag:$0x6], $0x10, s29, s11, $0xb8;
	[tilespmem:$0x10000] =	vst v63  }
0x143: {  	p0 =	sne.s32 s6, $0x1900;
	_ =	swait.ge [sflag:s18], $0x800  }
.Ltmp2:
0x144: {  	[sflag:s18] =	ssyncset.done $0x0;
	(pc) =	sbr.rel @p0 .LBB2_6-.Ltmp2, $4  }
0x145: {  	[sflag:s18] =	ssyncadd.s32 $0xFFFFF800  }
0x146: {  	[spmem:s2] =	stream.indirect.scatter.add.f32 [tilespmem:s14], [sflag:$0x7], $0x10, s30, s11, $0xb8;
	[tilespmem:$0x10000] =	vst v63  }
0x147: {  	_ =	swait.ge [sflag:s19], $0x800  }
0x148: {  	p1 =	seq.s32 s0, $0x0;
	[sflag:s19] =	ssyncset.done $0x0  }
0x149: {  	s1 =	simm.s32 @!p1 $0x5;
	[sflag:s19] =	ssyncadd.s32 $0xFFFFF800  }
0x14a: {  	[spmem:s2] =	stream.indirect.scatter.add.f32 [tilespmem:s15], [sflag:$0x8], $0x10, s31, s11, $0xb8;
	[tilespmem:$0x10000] =	vst v63  }
0x14b: {  	_ =	swait.ge @!p1 [sflag:s1], $0x800  }
0x14c: {  	[sflag:s1] =	ssyncset.done @!p1 $0x0  }
0x14d: {  	[sflag:s1] =	ssyncadd.s32 @!p1 $0xFFFFF800;
	s1 =	simm.s32 @!p1 $0x6  }
0x14e: {  	_ =	swait.ge @!p1 [sflag:s1], $0x800  }
0x14f: {  	[sflag:s1] =	ssyncset.done @!p1 $0x0  }
0x150: {  	[sflag:s1] =	ssyncadd.s32 @!p1 $0xFFFFF800;
	s1 =	simm.s32 @!p1 $0x7  }
0x151: {  	_ =	swait.ge @!p1 [sflag:s1], $0x800  }
0x152: {  	[sflag:s1] =	ssyncset.done @!p1 $0x0  }
0x153: {  	[sflag:s1] =	ssyncadd.s32 @!p1 $0xFFFFF800;
	s1 =	simm.s32 @!p1 $0x8  }
0x154: {  	_ =	swait.ge @!p1 [sflag:s1], $0x800  }
0x155: {  	s6 =	rddreg [dreg:$0x4];
	[sflag:s1] =	ssyncset.done @!p1 $0x0  }
0x156: {  	[sflag:s1] =	ssyncadd.s32 @!p1 $0xFFFFF800;
	s7 =	sadd.s32 s0, s6  }
0x157: {  	[tilespmem:s3], [sflag:$0x9] =	stream.linear.gather [hbm4b:s7+s3], $0x800, $0x38;
	[tilespmem:$0x10000] =	vst v63  }
0x158: {  	_ =	swait.ge [sflag:s9], $0x800  }
0x159: {  	s25 =	rddreg [dreg:$0x3];
	[sflag:s9] =	ssyncset.done $0x0  }
0x15a: {  	[sflag:s9] =	ssyncadd.s32 $0xFFFFF800;
	s6 =	sadd.s32 s0, s25  }
0x15b: {  	[tilespmem:s10], [sflag:$0x9] =	stream.linear.gather [hbm4b:s6+s3], $0x800, $0x38;
	[tilespmem:$0x10000] =	vst v63  }
0x15c: {  	_ =	swait.ge [sflag:s9], $0x800  }
0x15d: {  	[sflag:s9] =	ssyncset.done $0x0  }
0x15e: {  	[sflag:s9] =	ssyncadd.s32 $0xFFFFF800  }
0x15f: {  	[tilespmem:s12], [sflag:$0x1] =	stream.indirect.gather [hbm4b:s5+s11], $0x10, s3, s11, $0xb8;
	[tilespmem:$0x10000] =	vst v63  }
0x160: {  	_ = 	snop  }
0x161: {  	[tilespmem:s13], [sflag:$0x2] =	stream.indirect.gather [hbm4b:s5+s11], $0x10, s11, s11, $0xb8;
	[tilespmem:$0x10000] =	vst v63  }
0x162: {  	s7 =	rddreg [dreg:$0x5]  }
0x163: {  	[tilespmem:s14], [sflag:$0x3] =	stream.indirect.gather [hbm4b:s5+s11], $0x10, s7, s11, $0xb8;
	[tilespmem:$0x10000] =	vst v63  }
0x164: {  	s25 =	rddreg [dreg:$0x6]  }
0x165: {  	[tilespmem:s15], [sflag:$0x4] =	stream.indirect.gather [hbm4b:s5+s11], $0x10, s25, s11, $0xb8;
	[tilespmem:$0x10000] =	vst v63  }
0x166: {  	_ =	swait.ge [sflag:s16], $0x800  }
0x167: {  	[sflag:s16] =	ssyncset.done $0x0  }
0x168: {  	[sflag:s16] =	ssyncadd.s32 $0xFFFFF800  }
0x169: {  	[spmem:s2] =	stream.indirect.scatter.add.f32 [tilespmem:s12], [sflag:$0x5], $0x10, s10, s11, $0xb8;
	[tilespmem:$0x10000] =	vst v63  }
0x16a: {  	_ =	swait.ge [sflag:s17], $0x800  }
0x16b: {  	[sflag:s17] =	ssyncset.done $0x0  }
0x16c: {  	s1 =	rddreg [dreg:$0x7];
	[sflag:s17] =	ssyncadd.s32 $0xFFFFF800  }
0x16d: {  	[spmem:s2] =	stream.indirect.scatter.add.f32 [tilespmem:s13], [sflag:$0x6], $0x10, s1, s11, $0xb8;
	[tilespmem:$0x10000] =	vst v63  }
0x16e: {  	_ =	swait.ge [sflag:s18], $0x800  }
0x16f: {  	[sflag:s18] =	ssyncset.done $0x0  }
0x170: {  	s6 =	rddreg [dreg:$0x8];
	[sflag:s18] =	ssyncadd.s32 $0xFFFFF800  }
0x171: {  	[spmem:s2] =	stream.indirect.scatter.add.f32 [tilespmem:s14], [sflag:$0x7], $0x10, s6, s11, $0xb8;
	[tilespmem:$0x10000] =	vst v63  }
0x172: {  	_ =	swait.ge [sflag:s19], $0x800  }
0x173: {  	[sflag:s19] =	ssyncset.done $0x0  }
0x174: {  	s7 =	rddreg [dreg:$0x9];
	[sflag:s19] =	ssyncadd.s32 $0xFFFFF800  }
0x175: {  	[spmem:s2] =	stream.indirect.scatter.add.f32 [tilespmem:s15], [sflag:$0x8], $0x10, s7, s11, $0xb8;
	[tilespmem:$0x10000] =	vst v63  }
0x176: {  	_ =	swait.ge [sflag:s20], $0x800  }
0x177: {  	[sflag:s20] =	ssyncset.done $0x0  }
0x178: {  	s25 =	rddreg [dreg:$0xa];
	[sflag:s20] =	ssyncadd.s32 $0xFFFFF800  }
0x179: {  	[tilespmem:s12], [sflag:$0x1] =	stream.indirect.gather [hbm4b:s5+s11], $0x10, s25, s11, $0xb8;
	[tilespmem:$0x10000] =	vst v63  }
0x17a: {  	_ =	swait.ge [sflag:s21], $0x800  }
0x17b: {  	[sflag:s21] =	ssyncset.done $0x0  }
0x17c: {  	s1 =	rddreg [dreg:$0xb];
	[sflag:s21] =	ssyncadd.s32 $0xFFFFF800  }
0x17d: {  	[tilespmem:s13], [sflag:$0x2] =	stream.indirect.gather [hbm4b:s5+s11], $0x10, s1, s11, $0xb8;
	[tilespmem:$0x10000] =	vst v63  }
0x17e: {  	_ =	swait.ge [sflag:s22], $0x800  }
0x17f: {  	[sflag:s22] =	ssyncset.done $0x0  }
0x180: {  	s6 =	rddreg [dreg:$0xc];
	[sflag:s22] =	ssyncadd.s32 $0xFFFFF800  }
0x181: {  	[tilespmem:s14], [sflag:$0x3] =	stream.indirect.gather [hbm4b:s5+s11], $0x10, s6, s11, $0xb8;
	[tilespmem:$0x10000] =	vst v63  }
0x182: {  	_ =	swait.ge [sflag:s23], $0x800  }
0x183: {  	[sflag:s23] =	ssyncset.done $0x0  }
0x184: {  	s7 =	rddreg [dreg:$0xd];
	[sflag:s23] =	ssyncadd.s32 $0xFFFFF800  }
0x185: {  	[tilespmem:s15], [sflag:$0x4] =	stream.indirect.gather [hbm4b:s5+s11], $0x10, s7, s11, $0xb8;
	[tilespmem:$0x10000] =	vst v63  }
0x186: {  	_ =	swait.ge [sflag:s16], $0x800  }
0x187: {  	[sflag:s16] =	ssyncset.done $0x0  }
0x188: {  	s25 =	rddreg [dreg:$0xe];
	[sflag:s16] =	ssyncadd.s32 $0xFFFFF800  }
0x189: {  	[spmem:s2] =	stream.indirect.scatter.add.f32 [tilespmem:s12], [sflag:$0x5], $0x10, s25, s11, $0xb8;
	[tilespmem:$0x10000] =	vst v63  }
0x18a: {  	_ =	swait.ge [sflag:s17], $0x800  }
0x18b: {  	[sflag:s17] =	ssyncset.done $0x0  }
0x18c: {  	s1 =	rddreg [dreg:$0xf];
	[sflag:s17] =	ssyncadd.s32 $0xFFFFF800  }
0x18d: {  	[spmem:s2] =	stream.indirect.scatter.add.f32 [tilespmem:s13], [sflag:$0x6], $0x10, s1, s11, $0xb8;
	[tilespmem:$0x10000] =	vst v63  }
0x18e: {  	_ =	swait.ge [sflag:s18], $0x800  }
0x18f: {  	[sflag:s18] =	ssyncset.done $0x0  }
0x190: {  	s6 =	rddreg [dreg:$0x10];
	[sflag:s18] =	ssyncadd.s32 $0xFFFFF800  }
0x191: {  	[spmem:s2] =	stream.indirect.scatter.add.f32 [tilespmem:s14], [sflag:$0x7], $0x10, s6, s11, $0xb8;
	[tilespmem:$0x10000] =	vst v63  }
0x192: {  	_ =	swait.ge [sflag:s19], $0x800  }
0x193: {  	[sflag:s19] =	ssyncset.done $0x0  }
0x194: {  	s7 =	rddreg [dreg:$0x11];
	[sflag:s19] =	ssyncadd.s32 $0xFFFFF800  }
0x195: {  	[spmem:s2] =	stream.indirect.scatter.add.f32 [tilespmem:s15], [sflag:$0x8], $0x10, s7, s11, $0xb8;
	[tilespmem:$0x10000] =	vst v63  }
0x196: {  	_ =	swait.ge [sflag:s20], $0x800  }
0x197: {  	[sflag:s20] =	ssyncset.done $0x0  }
0x198: {  	s25 =	rddreg [dreg:$0x12];
	[sflag:s20] =	ssyncadd.s32 $0xFFFFF800  }
0x199: {  	[tilespmem:s12], [sflag:$0x1] =	stream.indirect.gather [hbm4b:s5+s11], $0x10, s25, s11, $0xb8;
	[tilespmem:$0x10000] =	vst v63  }
0x19a: {  	_ =	swait.ge [sflag:s21], $0x800  }
0x19b: {  	[sflag:s21] =	ssyncset.done $0x0  }
0x19c: {  	s1 =	rddreg [dreg:$0x13];
	[sflag:s21] =	ssyncadd.s32 $0xFFFFF800  }
0x19d: {  	[tilespmem:s13], [sflag:$0x2] =	stream.indirect.gather [hbm4b:s5+s11], $0x10, s1, s11, $0xb8;
	[tilespmem:$0x10000] =	vst v63  }
0x19e: {  	_ =	swait.ge [sflag:s22], $0x800  }
0x19f: {  	[sflag:s22] =	ssyncset.done $0x0  }
0x1a0: {  	s6 =	rddreg [dreg:$0x14];
	[sflag:s22] =	ssyncadd.s32 $0xFFFFF800  }
0x1a1: {  	[tilespmem:s14], [sflag:$0x3] =	stream.indirect.gather [hbm4b:s5+s11], $0x10, s6, s11, $0xb8;
	[tilespmem:$0x10000] =	vst v63  }
0x1a2: {  	_ =	swait.ge [sflag:s23], $0x800  }
0x1a3: {  	[sflag:s23] =	ssyncset.done $0x0  }
0x1a4: {  	s7 =	rddreg [dreg:$0x15];
	[sflag:s23] =	ssyncadd.s32 $0xFFFFF800  }
0x1a5: {  	[tilespmem:s15], [sflag:$0x4] =	stream.indirect.gather [hbm4b:s5+s11], $0x10, s7, s11, $0xb8;
	[tilespmem:$0x10000] =	vst v63  }
0x1a6: {  	_ =	swait.ge [sflag:s16], $0x800  }
0x1a7: {  	[sflag:s16] =	ssyncset.done $0x0  }
0x1a8: {  	s25 =	rddreg [dreg:$0x16];
	[sflag:s16] =	ssyncadd.s32 $0xFFFFF800  }
0x1a9: {  	[spmem:s2] =	stream.indirect.scatter.add.f32 [tilespmem:s12], [sflag:$0x5], $0x10, s25, s11, $0xb8;
	[tilespmem:$0x10000] =	vst v63  }
0x1aa: {  	_ =	swait.ge [sflag:s17], $0x800  }
0x1ab: {  	[sflag:s17] =	ssyncset.done $0x0  }
0x1ac: {  	s1 =	rddreg [dreg:$0x17];
	[sflag:s17] =	ssyncadd.s32 $0xFFFFF800  }
0x1ad: {  	[spmem:s2] =	stream.indirect.scatter.add.f32 [tilespmem:s13], [sflag:$0x6], $0x10, s1, s11, $0xb8;
	[tilespmem:$0x10000] =	vst v63  }
0x1ae: {  	_ =	swait.ge [sflag:s18], $0x800  }
0x1af: {  	[sflag:s18] =	ssyncset.done $0x0  }
0x1b0: {  	s6 =	rddreg [dreg:$0x18];
	[sflag:s18] =	ssyncadd.s32 $0xFFFFF800  }
0x1b1: {  	[spmem:s2] =	stream.indirect.scatter.add.f32 [tilespmem:s14], [sflag:$0x7], $0x10, s6, s11, $0xb8;
	[tilespmem:$0x10000] =	vst v63  }
0x1b2: {  	_ =	swait.ge [sflag:s19], $0x800  }
0x1b3: {  	[sflag:s19] =	ssyncset.done $0x0  }
0x1b4: {  	s7 =	rddreg [dreg:$0x19];
	[sflag:s19] =	ssyncadd.s32 $0xFFFFF800  }
0x1b5: {  	[spmem:s2] =	stream.indirect.scatter.add.f32 [tilespmem:s15], [sflag:$0x8], $0x10, s7, s11, $0xb8;
	[tilespmem:$0x10000] =	vst v63  }
0x1b6: {  	_ =	swait.ge [sflag:s20], $0x800  }
0x1b7: {  	[sflag:s20] =	ssyncset.done $0x0  }
0x1b8: {  	s25 =	rddreg [dreg:$0x1a];
	[sflag:s20] =	ssyncadd.s32 $0xFFFFF800  }
0x1b9: {  	[tilespmem:s12], [sflag:$0x1] =	stream.indirect.gather [hbm4b:s5+s11], $0x10, s25, s11, $0xb8;
	[tilespmem:$0x10000] =	vst v63  }
0x1ba: {  	_ =	swait.ge [sflag:s21], $0x800  }
0x1bb: {  	[sflag:s21] =	ssyncset.done $0x0  }
0x1bc: {  	s1 =	rddreg [dreg:$0x1b];
	[sflag:s21] =	ssyncadd.s32 $0xFFFFF800  }
0x1bd: {  	[tilespmem:s13], [sflag:$0x2] =	stream.indirect.gather [hbm4b:s5+s11], $0x10, s1, s11, $0xb8;
	[tilespmem:$0x10000] =	vst v63  }
0x1be: {  	_ =	swait.ge [sflag:s22], $0x800  }
0x1bf: {  	[sflag:s22] =	ssyncset.done $0x0  }
0x1c0: {  	[sflag:s22] =	ssyncadd.s32 $0xFFFFF800  }
0x1c1: {  	[tilespmem:s14], [sflag:$0x3] =	stream.indirect.gather [hbm4b:s5+s11], $0x10, s24, s11, $0xb8;
	[tilespmem:$0x10000] =	vst v63  }
0x1c2: {  	_ =	swait.ge [sflag:s23], $0x800  }
0x1c3: {  	[sflag:s23] =	ssyncset.done $0x0  }
0x1c4: {  	[sflag:s23] =	ssyncadd.s32 $0xFFFFF800  }
0x1c5: {  	[tilespmem:s15], [sflag:$0x4] =	stream.indirect.gather [hbm4b:s5+s11], $0x10, s26, s11, $0xb8;
	[tilespmem:$0x10000] =	vst v63  }
0x1c6: {  	_ =	swait.ge [sflag:s16], $0x800  }
0x1c7: {  	[sflag:s16] =	ssyncset.done $0x0  }
0x1c8: {  	[sflag:s16] =	ssyncadd.s32 $0xFFFFF800  }
0x1c9: {  	[spmem:s2] =	stream.indirect.scatter.add.f32 [tilespmem:s12], [sflag:$0x5], $0x10, s28, s11, $0xb8;
	[tilespmem:$0x10000] =	vst v63  }
0x1ca: {  	_ =	swait.ge [sflag:s17], $0x800  }
0x1cb: {  	[sflag:s17] =	ssyncset.done $0x0  }
0x1cc: {  	[sflag:s17] =	ssyncadd.s32 $0xFFFFF800  }
0x1cd: {  	[spmem:s2] =	stream.indirect.scatter.add.f32 [tilespmem:s13], [sflag:$0x6], $0x10, s29, s11, $0xb8;
	[tilespmem:$0x10000] =	vst v63  }
0x1ce: {  	_ =	swait.ge [sflag:s18], $0x800  }
0x1cf: {  	[sflag:s18] =	ssyncset.done $0x0  }
0x1d0: {  	[sflag:s18] =	ssyncadd.s32 $0xFFFFF800  }
0x1d1: {  	[spmem:s2] =	stream.indirect.scatter.add.f32 [tilespmem:s14], [sflag:$0x7], $0x10, s30, s11, $0xb8;
	[tilespmem:$0x10000] =	vst v63  }
0x1d2: {  	_ =	swait.ge [sflag:s19], $0x800  }
0x1d3: {  	[sflag:s19] =	ssyncset.done $0x0  }
0x1d4: {  	[sflag:s19] =	ssyncadd.s32 $0xFFFFF800  }
0x1d5: {  	[spmem:s2] =	stream.indirect.scatter.add.f32 [tilespmem:s15], [sflag:$0x8], $0x10, s31, s11, $0xb8;
	[tilespmem:$0x10000] =	vst v63  }
0x1d6: {  	_ =	swait.ge [sflag:s20], $0x800  }
0x1d7: {  	[sflag:s20] =	ssyncset.done $0x0  }
0x1d8: {  	[sflag:s20] =	ssyncadd.s32 $0xFFFFF800  }
0x1d9: {  	_ =	swait.ge [sflag:s21], $0x800  }
0x1da: {  	[sflag:s21] =	ssyncset.done $0x0  }
0x1db: {  	[sflag:s21] =	ssyncadd.s32 $0xFFFFF800  }
0x1dc: {  	_ =	swait.ge [sflag:s22], $0x800  }
0x1dd: {  	[sflag:s22] =	ssyncset.done $0x0  }
0x1de: {  	[sflag:s22] =	ssyncadd.s32 $0xFFFFF800  }
0x1df: {  	_ =	swait.ge [sflag:s23], $0x800  }
0x1e0: {  	[sflag:s23] =	ssyncset.done $0x0  }
0x1e1: {  	[sflag:s23] =	ssyncadd.s32 $0xFFFFF800  }
0x1e2: {  	s6 =	stileid.u32;
	[bflag:$0x0] =	sbarrier.arrive $0xFFFF  }
0x1e3: {  	s0 =	sshll.u32 s6, $0x6;
	s7 =	rddreg [dreg:$0x1c]  }
0x1e4: {  	s0 =	sor.u32 $0x1C09, s0;
	s25 =	rddreg [dreg:$0x1e]  }
0x1e5: {  	[hbm:s7], [sflag:s0] =	dma.local [spmem:s25], $0x1900  }
0x1e6: {  	_ =	swait.ge [sflag:s9], $0x1900  }
0x1e7: {  	s7 =	rddreg [dreg:$0x1f]  }
0x1e8: {  	s25 =	rddreg [dreg:$0x1d];
	s1 =	sadd.s32 $0x1, s7  }
0x1e9: {  	p0 =	sne.s32 s1, s25  }
.Ltmp3:
0x1ea: {  	_ = 	snop;
	(pc) =	sbr.rel @p0 .LBB2_1-.Ltmp3, $3  }
0x1eb: {  	_ =	sdelay $0x1  }
0x1ec: {  	[sflag:s9] =	ssyncset.done $0x0  }
0x1ed: {  	[sflag:s9] =	ssyncadd.s32 $0xFFFFE700  }
0x1ee: {  	_ =	sfence.sel $0x180000  }
0x1ef: {  	[bflag:$0x0] =	sbarrier.arrive $0xFFFF  }
0x1f0: {  	_ =	strace $0x9000004A  }
0x1f1: {  	s0 =	stileid.u32;
	[bflag:$0x2] =	sbarrier.arrive $0xFFFF  }
0x1f2: {  	p0 =	sne.s32 s0, $0x0;
	s0 =	rddreg [dreg:$0x2]  }
0x1f3: {  	s0 =	sadd.s32 @!p0 $0x100000, s0  }
0x1f4: {  	[sflag:s0] =	ssyncadd.tile.s32 @!p0 $0x1;
	_ =	shalt  }
.Lfunc_end2:
_tile_overlayer_lowered:
.L_overlay_start_2:
0x1f5: {  	(tag) =	ssettag $0x2  }
0x1f6: {  	s0 =	rddreg [dreg:$0x0];
	s2 =	stileid.u32  }
0x1f7: {  	s1 =	rddreg [dreg:$0x1];
	p0 =	sne.s32 s2, $0x0  }
0x1f8: {  	s3 =	rddreg [dreg:$0x2];
	[bflag:$0x3] =	sbarrier.arrive $0xFFFF;
	s2 =	simm.s32 @!p0 $0x1C09  }
0x1f9: {  	[timem:s3], [sflag:s2] =	dma.local @!p0 [hbm:s0], s1  }
0x1fa: {  	s0 =	simm.s32 @!p0 $0x9  }
0x1fb: {  	_ =	swait.ge @!p0 [sflag:s0], s1  }
0x1fc: {  	s1 =	ssub.s32 @!p0 $0x0, s1;
	[sflag:s0] =	ssyncset.done @!p0 $0x0  }
0x1fd: {  	[sflag:s0] =	ssyncadd.s32 @!p0 s1  }
0x1fe: {  	[bflag:$0x3] =	sbarrier.arrive $0xFFFF  }
0x1ff: {  	_ =	shalt  }

</sc_bundles>
